<compile_context>
chip_gen: v7x
topology: tpu7x:2x2x1
jax: 0.10.2.dev20260603
libtpu: 0.0.44.dev20260713+nightly
codegen_flags: <defaults>
</compile_context>

<pallas_src>
import functools

import jax
import jax.numpy as jnp
from jax import lax
from jax.experimental import pallas as pl
from jax.experimental.pallas import tpu as pltpu
from jax.experimental.pallas import tpu_sc as plsc

_B, _N, _D, _TD = 64, 576, 768, 512
_K = 144


def _proj_body(text_ref, w_ref, bias_ref, tn_ref):
    t = lax.dot_general(text_ref[...], w_ref[...], (((1,), (1,)), ((), ())),
                        preferred_element_type=jnp.float32,
                        precision=lax.Precision.DEFAULT)
    t = t + bias_ref[...]
    tn = t / jnp.sqrt(jnp.sum(t * t, axis=1, keepdims=True))
    tn_ref[:, 0, :] = tn.astype(jnp.bfloat16).astype(jnp.float32)


def _stage_a0(text_embedding, w, bias2d):
    return pl.pallas_call(
        _proj_body,
        out_shape=jax.ShapeDtypeStruct((_B, 1, _D), jnp.float32),
    )(text_embedding, w, bias2d)


def _score_body(x_ref, tn_ref, s_ref, inv_ref):
    x = x_ref[0]
    tnb = tn_ref[0]
    norm2 = jnp.sum(x * x, axis=1, keepdims=True)
    inv = 1.0 / jnp.sqrt(norm2)
    img = x * inv
    imgb = img.astype(jnp.bfloat16).astype(jnp.float32)
    s = lax.dot_general(imgb, tnb, (((1,), (1,)), ((), ())),
                        preferred_element_type=jnp.float32,
                        precision=lax.Precision.HIGHEST)
    s_ref[0] = jnp.transpose(s)
    inv_ref[0] = jnp.transpose(inv)


def _stage_a(image_features, tn3):
    return pl.pallas_call(
        _score_body,
        grid=(_B,),
        in_specs=[
            pl.BlockSpec((1, _N, _D), lambda b: (b, 0, 0)),
            pl.BlockSpec((1, 1, _D), lambda b: (b, 0, 0)),
        ],
        out_specs=[
            pl.BlockSpec((1, 1, _N), lambda b: (b, 0, 0)),
            pl.BlockSpec((1, 1, _N), lambda b: (b, 0, 0)),
        ],
        out_shape=[
            jax.ShapeDtypeStruct((_B, 1, _N), jnp.float32),
            jax.ShapeDtypeStruct((_B, 1, _N), jnp.float32),
        ],
    )(image_features, tn3)


def _topk_body(s_ref, mask_ref):
    s = s_ref[...]
    mx = jnp.max(s, axis=-1, keepdims=True)
    e = jnp.exp(s - mx)
    p = e / jnp.sum(e, axis=-1, keepdims=True)
    ukey = lax.bitcast_convert_type(p, jnp.int32)
    t = jnp.zeros((_B, 1), jnp.int32)
    for bit in range(30, -1, -1):
        cand = t | (1 << bit)
        cnt = jnp.sum((ukey >= cand).astype(jnp.int32), axis=1, keepdims=True)
        t = jnp.where(cnt >= _K, cand, t)
    gt = ukey > t
    tie = ukey == t
    c_gt = jnp.sum(gt.astype(jnp.int32), axis=1, keepdims=True)
    r_need = _K - c_gt
    idx = lax.broadcasted_iota(jnp.int32, (_B, _N), 1)
    key2 = jnp.where(tie, 1023 - idx, -1)
    t2 = jnp.zeros((_B, 1), jnp.int32)
    for bit in range(9, -1, -1):
        cand = t2 | (1 << bit)
        cnt = jnp.sum((key2 >= cand).astype(jnp.int32), axis=1, keepdims=True)
        t2 = jnp.where(cnt >= r_need, cand, t2)
    istar = 1023 - t2
    mask = gt | (tie & (idx <= istar))
    mask_ref[...] = mask.astype(jnp.int32)


def _stage_b(scores3):
    return pl.pallas_call(
        _topk_body,
        out_shape=jax.ShapeDtypeStruct((_B, _N), jnp.int32),
    )(scores3)


_NC, _NS, _L = 2, 16, 16
_ROWS_PER_W = _B // (_NC * _NS)
_HALF = _K // 2


def _sc_body(x_hbm, mask_hbm, inv_hbm, out_hbm,
             mask_v, inv_v, idx_v, invsel_v, rows_v, sem):
    wid = lax.axis_index("s") * _NC + lax.axis_index("c")
    for i in range(_ROWS_PER_W):
        row = wid * _ROWS_PER_W + i
        pltpu.sync_copy(mask_hbm.at[row], mask_v)
        pltpu.sync_copy(inv_hbm.at[row], inv_v)

        def _chunk(c, off):
            mi = mask_v[pl.ds(c * _L, _L)]
            m = mi != 0
            pre = plsc.cumsum(mi)
            pos = off + pre - 1
            gidx = lax.iota(jnp.int32, _L) + (c * _L + row * _N)
            plsc.store_scatter(idx_v, [pos], gidx, mask=m)
            return off + jnp.sum(mi)

        lax.fori_loop(0, _N // _L, _chunk, jnp.int32(0))

        def _inv_chunk(c, _):
            g = idx_v[pl.ds(c * _L, _L)]
            loc = g - row * _N
            invsel_v[pl.ds(c * _L, _L)] = plsc.load_gather(inv_v, [loc])
            return 0

        lax.fori_loop(0, _K // _L, _inv_chunk, 0)

        cp0 = pltpu.async_copy(x_hbm.at[idx_v.at[pl.ds(0, _HALF)]],
                               rows_v.at[pl.ds(0, _HALF)], sem)
        cp1 = pltpu.async_copy(x_hbm.at[idx_v.at[pl.ds(_HALF, _HALF)]],
                               rows_v.at[pl.ds(_HALF, _HALF)], sem)
        cp0.wait()
        cp1.wait()

        def _srow(r, _):
            s = invsel_v[pl.ds(r, _L)][0]
            for c in range(_D // _L):
                sl = pl.ds(c * _L, _L)
                rows_v[r, sl] = rows_v[r, sl] * s
            return 0

        lax.fori_loop(0, _K, _srow, 0)

        pltpu.sync_copy(rows_v, out_hbm.at[pl.ds(row * _K, _K)])


def _stage_c(x_flat, mask_i, inv):
    mesh = plsc.VectorSubcoreMesh(core_axis_name="c", subcore_axis_name="s")
    f = functools.partial(
        pl.kernel,
        mesh=mesh,
        compiler_params=pltpu.CompilerParams(needs_layout_passes=False),
        out_type=jax.ShapeDtypeStruct((_B * _K, _D), jnp.float32),
        scratch_types=[
            pltpu.VMEM((_N,), jnp.int32),
            pltpu.VMEM((_N,), jnp.float32),
            pltpu.VMEM((_K,), jnp.int32),
            pltpu.VMEM((_K + _L,), jnp.float32),
            pltpu.VMEM((_K, _D), jnp.float32),
            pltpu.SemaphoreType.DMA,
        ],
    )(_sc_body)
    return f(x_flat, mask_i, inv)


def kernel(image_features, text_embedding, W, b):
    tn3 = _stage_a0(text_embedding, W, b.reshape(1, _D))
    scores3, inv3 = _stage_a(image_features, tn3)
    inv = inv3.reshape(_B, _N)
    mask_i = _stage_b(scores3.reshape(_B, _N))
    x_flat = image_features.reshape(_B * _N, _D)
    out = _stage_c(x_flat, mask_i, inv)
    return out.reshape(_B, _K, _D), mask_i.astype(bool)

# --- scband reference (transcript-rebuilt; emitter-appended) ---
"""Pipeline reference for scband-cross-modal-attention-48490180772256 (READ-ONLY COPY).

The authoritative reference and input builder live on the scoring server;
editing this copy changes nothing except your own understanding.
"""

import jax, jax.numpy as jnp
import numpy as np

VISION_DIM = 768
TEXT_DIM = 512
TOP_K_RATIO = 0.25
TEMPERATURE = 1.0


def setup_inputs(seed: int = 0) -> dict:
    key = jax.random.key(seed)
    k1, k2, k3, k4 = jax.random.split(key, 4)
    image_features = jax.random.normal(k1, (64, 576, VISION_DIM), dtype=jnp.float32)
    text_embedding = jax.random.normal(k2, (64, TEXT_DIM), dtype=jnp.float32)
    # nn.Linear(text_dim, vision_dim) params
    bound = 1.0 / np.sqrt(TEXT_DIM)
    W = jax.random.uniform(k3, (VISION_DIM, TEXT_DIM), dtype=jnp.float32, minval=-bound, maxval=bound)
    b = jax.random.uniform(k4, (VISION_DIM,), dtype=jnp.float32, minval=-bound, maxval=bound)
    return {"image_features": image_features, "text_embedding": text_embedding, "W": W, "b": b}


def reference(image_features, text_embedding, W, b):
    B, N, D = image_features.shape
    projected_text = text_embedding @ W.T + b            # [B, vision_dim]
    projected_text = projected_text[:, None, :]          # [B, 1, vision_dim]
    img = image_features / jnp.linalg.norm(image_features, axis=-1, keepdims=True)
    txt = projected_text / jnp.linalg.norm(projected_text, axis=-1, keepdims=True)
    attention_scores = jnp.squeeze(img @ jnp.swapaxes(txt, -2, -1), axis=-1)  # [B, N]
    attention_scores = attention_scores / TEMPERATURE
    attention_scores = jax.nn.softmax(attention_scores, axis=-1)
    top_k = int(N * TOP_K_RATIO)
    top_k_values, top_k_indices = jax.lax.top_k(attention_scores, top_k)
    mask = jnp.zeros((B, N), dtype=bool)
    mask = mask.at[jnp.arange(B)[:, None], top_k_indices].set(True)
    # torch boolean-mask indexing returns rows in ascending index order per batch
    sorted_idx = jnp.sort(top_k_indices, axis=-1)
    selected_image_features = jnp.take_along_axis(img, sorted_idx[..., None], axis=1)  # [B, top_k, D]
    return selected_image_features, mask

if __name__ == "__main__":
    import jax
    _d = setup_inputs()
    print(jax.jit(kernel)(*tuple(_d.values())))

</pallas_src>

<mosaic_0001>
#map = affine_map<(d0, d1) -> (0, 0)>
module attributes {stable_mosaic.version = 14 : i64} {
  func.func @_sc_body(%arg0: i32, %arg1: i32, %arg2: memref<36864x768xf32, #tpu.memory_space<hbm>>, %arg3: memref<64x576xi32, #tpu.memory_space<hbm>>, %arg4: memref<64x576xf32, #tpu.memory_space<hbm>>, %arg5: memref<9216x768xf32, #tpu.memory_space<hbm>>, %arg6: memref<576xi32, #tpu.memory_space<vmem>>, %arg7: memref<576xf32, #tpu.memory_space<vmem>>, %arg8: memref<144xi32, #tpu.memory_space<vmem>>, %arg9: memref<160xf32, #tpu.memory_space<vmem>>, %arg10: memref<144x768xf32, #tpu.memory_space<vmem>>, %arg11: memref<!tpu.dma_semaphore, #tpu.memory_space<semaphore_mem>>) attributes {dimension_semantics = [#tpu.dimension_semantics<core_parallel>, #tpu.dimension_semantics<subcore_parallel>], iteration_bounds = array<i64: 2, 16>, scalar_prefetch = 0 : i64, scratch_operands = 6 : i64, tpu.core_type = #tpu.core_type<sc_vector_subcore>, window_params = [{transform_indices = #map}, {transform_indices = #map}, {transform_indices = #map}, {transform_indices = #map}]} {
    %mul3A = arith.constant 2 : i32
    %mul3A_0 = arith.muli %arg1, %mul3A : i32
    %add3A = arith.addi %mul3A_0, %arg0 : i32
    %mul3A_1 = arith.constant 2 : i32
    %mul3A_2 = arith.muli %add3A, %mul3A_1 : i32
    %add3A_3 = arith.constant 0 : i32
    %add3A_4 = arith.addi %mul3A_2, %add3A_3 : i32
    "tpu.region"() ({
      %run_scoped3A = tpu.sem_alloc : memref<!tpu.dma_semaphore, #tpu.memory_space<semaphore_mem>>
      %dma_start3A_116 = arith.constant 0 : i32
      %dma_start3A_117 = tpu.memref_slice %arg3[%add3A_4, %dma_start3A_116] : memref<64x576xi32, #tpu.memory_space<hbm>> -> memref<1x576xi32, #tpu.memory_space<hbm>>
      %dma_start3A_118 = tpu.memref_squeeze %dma_start3A_117 : memref<1x576xi32, #tpu.memory_space<hbm>> -> memref<576xi32, #tpu.memory_space<hbm>>
      %dma_start3A_119 = arith.constant 0 : i32
      %dma_start3A_120 = tpu.memref_slice %arg3[%add3A_4, %dma_start3A_119] : memref<64x576xi32, #tpu.memory_space<hbm>> -> memref<1x576xi32, #tpu.memory_space<hbm>>
      %dma_start3A_121 = tpu.memref_squeeze %dma_start3A_120 : memref<1x576xi32, #tpu.memory_space<hbm>> -> memref<576xi32, #tpu.memory_space<hbm>>
      tpu.enqueue_dma source(%dma_start3A_121 : memref<576xi32, #tpu.memory_space<hbm>>) target(%arg6 : memref<576xi32, #tpu.memory_space<vmem>>) target_semaphore(%run_scoped3A : memref<!tpu.dma_semaphore, #tpu.memory_space<semaphore_mem>>)
      %dma_wait3A_122 = arith.constant 0 : i32
      %dma_wait3A_123 = tpu.memref_slice %arg3[%add3A_4, %dma_wait3A_122] : memref<64x576xi32, #tpu.memory_space<hbm>> -> memref<1x576xi32, #tpu.memory_space<hbm>>
      %dma_wait3A_124 = tpu.memref_squeeze %dma_wait3A_123 : memref<1x576xi32, #tpu.memory_space<hbm>> -> memref<576xi32, #tpu.memory_space<hbm>>
      %dma_wait3A_125 = arith.constant 0 : i32
      %dma_wait3A_126 = tpu.memref_slice %arg3[%add3A_4, %dma_wait3A_125] : memref<64x576xi32, #tpu.memory_space<hbm>> -> memref<1x576xi32, #tpu.memory_space<hbm>>
      %dma_wait3A_127 = tpu.memref_squeeze %dma_wait3A_126 : memref<1x576xi32, #tpu.memory_space<hbm>> -> memref<576xi32, #tpu.memory_space<hbm>>
      tpu.wait_dma2 semaphore(%run_scoped3A : memref<!tpu.dma_semaphore, #tpu.memory_space<semaphore_mem>>) src(%dma_wait3A_127 : memref<576xi32, #tpu.memory_space<hbm>>) dst(%arg6 : memref<576xi32, #tpu.memory_space<vmem>>)
      tpu.yield
    }) : () -> ()
    "tpu.region"() ({
      %run_scoped3A = tpu.sem_alloc : memref<!tpu.dma_semaphore, #tpu.memory_space<semaphore_mem>>
      %dma_start3A_116 = arith.constant 0 : i32
      %dma_start3A_117 = tpu.memref_slice %arg4[%add3A_4, %dma_start3A_116] : memref<64x576xf32, #tpu.memory_space<hbm>> -> memref<1x576xf32, #tpu.memory_space<hbm>>
      %dma_start3A_118 = tpu.memref_squeeze %dma_start3A_117 : memref<1x576xf32, #tpu.memory_space<hbm>> -> memref<576xf32, #tpu.memory_space<hbm>>
      %dma_start3A_119 = arith.constant 0 : i32
      %dma_start3A_120 = tpu.memref_slice %arg4[%add3A_4, %dma_start3A_119] : memref<64x576xf32, #tpu.memory_space<hbm>> -> memref<1x576xf32, #tpu.memory_space<hbm>>
      %dma_start3A_121 = tpu.memref_squeeze %dma_start3A_120 : memref<1x576xf32, #tpu.memory_space<hbm>> -> memref<576xf32, #tpu.memory_space<hbm>>
      tpu.enqueue_dma source(%dma_start3A_121 : memref<576xf32, #tpu.memory_space<hbm>>) target(%arg7 : memref<576xf32, #tpu.memory_space<vmem>>) target_semaphore(%run_scoped3A : memref<!tpu.dma_semaphore, #tpu.memory_space<semaphore_mem>>)
      %dma_wait3A_122 = arith.constant 0 : i32
      %dma_wait3A_123 = tpu.memref_slice %arg4[%add3A_4, %dma_wait3A_122] : memref<64x576xf32, #tpu.memory_space<hbm>> -> memref<1x576xf32, #tpu.memory_space<hbm>>
      %dma_wait3A_124 = tpu.memref_squeeze %dma_wait3A_123 : memref<1x576xf32, #tpu.memory_space<hbm>> -> memref<576xf32, #tpu.memory_space<hbm>>
      %dma_wait3A_125 = arith.constant 0 : i32
      %dma_wait3A_126 = tpu.memref_slice %arg4[%add3A_4, %dma_wait3A_125] : memref<64x576xf32, #tpu.memory_space<hbm>> -> memref<1x576xf32, #tpu.memory_space<hbm>>
      %dma_wait3A_127 = tpu.memref_squeeze %dma_wait3A_126 : memref<1x576xf32, #tpu.memory_space<hbm>> -> memref<576xf32, #tpu.memory_space<hbm>>
      tpu.wait_dma2 semaphore(%run_scoped3A : memref<!tpu.dma_semaphore, #tpu.memory_space<semaphore_mem>>) src(%dma_wait3A_127 : memref<576xf32, #tpu.memory_space<hbm>>) dst(%arg7 : memref<576xf32, #tpu.memory_space<vmem>>)
      tpu.yield
    }) : () -> ()
    %scan3A = arith.constant 0 : i32
    %scan3A_5 = arith.constant 0 : i32
    %scan3A_6 = arith.constant 36 : i32
    %scan3A_7 = arith.addi %scan3A_5, %scan3A_6 : i32
    %scan3A_8 = arith.constant 1 : i32
    %scan3A_9 = scf.for %scan3A_116 = %scan3A_5 to %scan3A_7 step %scan3A_8 iter_args(%scan3A_117 = %scan3A) -> (i32)  : i32 {
      %mul3A_118 = arith.constant 16 : i32
      %mul3A_119 = arith.muli %scan3A_116, %mul3A_118 : i32
      %get3A = arith.index_cast %mul3A_119 : i32 to index
      %get3A_120 = tpu.vector_load %arg6[%get3A] {strides = array<i32>} : memref<576xi32, #tpu.memory_space<vmem>>, vector<16xi32>,
      %ne3A = arith.constant 0 : i32
      %ne3A_121 = vector.broadcast %ne3A : i32 to vector<16xi32>
      %ne3A_122 = arith.cmpi ne, %get3A_120, %ne3A_121 : vector<16xi32>
      %broadcast_in_dim3A = arith.constant true
      %broadcast_in_dim3A_123 = vector.broadcast %broadcast_in_dim3A : i1 to vector<16xi1>
      %masked_cumsum3A = tpu.scan <sum>, %get3A_120 masked %broadcast_in_dim3A_123 : vector<16xi32>, vector<16xi1> -> vector<16xi32>
      %add3A_124 = vector.broadcast %scan3A_117 : i32 to vector<16xi32>
      %add3A_125 = arith.addi %add3A_124, %masked_cumsum3A : vector<16xi32>
      %sub3A = arith.constant 1 : i32
      %sub3A_126 = vector.broadcast %sub3A : i32 to vector<16xi32>
      %sub3A_127 = arith.subi %add3A_125, %sub3A_126 : vector<16xi32>
      %iota3A = tpu.iota {dimensions = array<i32: 0>} : vector<16xi32>
      %mul3A_128 = arith.constant 16 : i32
      %mul3A_129 = arith.muli %scan3A_116, %mul3A_128 : i32
      %mul3A_130 = arith.constant 576 : i32
      %mul3A_131 = arith.muli %add3A_4, %mul3A_130 : i32
      %add3A_132 = arith.addi %mul3A_129, %mul3A_131 : i32
      %add3A_133 = vector.broadcast %add3A_132 : i32 to vector<16xi32>
      %add3A_134 = arith.addi %iota3A, %add3A_133 : vector<16xi32>
      tpu.vector_store_idx %arg8[%sub3A_127], %add3A_134 masked %ne3A_122 : memref<144xi32, #tpu.memory_space<vmem>>[vector<16xi32>], vector<16xi32>, vector<16xi1>
      %reduce_sum3A = arith.constant true
      %reduce_sum3A_135 = vector.broadcast %reduce_sum3A : i1 to vector<16xi1>
      %reduce_sum3A_136 = tpu.scan <sum>, %get3A_120 masked %reduce_sum3A_135 : vector<16xi32>, vector<16xi1> -> vector<16xi32>
      %reduce_sum3A_137 = vector.extract %reduce_sum3A_136[15] : i32 from vector<16xi32>
      %add3A_138 = arith.addi %scan3A_117, %reduce_sum3A_137 : i32
      scf.yield %add3A_138 : i32
    }
    %scan3A_10 = arith.constant 36 : i32
    %scan3A_11 = arith.constant 0 : i32
    %scan3A_12 = arith.constant 0 : i32
    %scan3A_13 = arith.constant 9 : i32
    %scan3A_14 = arith.addi %scan3A_12, %scan3A_13 : i32
    %scan3A_15 = arith.constant 1 : i32
    %scan3A_16 = scf.for %scan3A_116 = %scan3A_12 to %scan3A_14 step %scan3A_15 iter_args(%scan3A_117 = %scan3A_11) -> (i32)  : i32 {
      %mul3A_118 = arith.constant 16 : i32
      %mul3A_119 = arith.muli %scan3A_116, %mul3A_118 : i32
      %get3A = arith.index_cast %mul3A_119 : i32 to index
      %get3A_120 = tpu.vector_load %arg8[%get3A] {strides = array<i32>} : memref<144xi32, #tpu.memory_space<vmem>>, vector<16xi32>,
      %mul3A_121 = arith.constant 576 : i32
      %mul3A_122 = arith.muli %add3A_4, %mul3A_121 : i32
      %sub3A = vector.broadcast %mul3A_122 : i32 to vector<16xi32>
      %sub3A_123 = arith.subi %get3A_120, %sub3A : vector<16xi32>
      %gather3A = tpu.vector_load_idx %arg7[%sub3A_123] : memref<576xf32, #tpu.memory_space<vmem>>[vector<16xi32>], vector<16xf32>,
      %mul3A_124 = arith.constant 16 : i32
      %mul3A_125 = arith.muli %scan3A_116, %mul3A_124 : i32
      %swap3A = arith.index_cast %mul3A_125 : i32 to index
      %swap3A_126 = tpu.vector_load %arg9[%swap3A] {strides = array<i32>} : memref<160xf32, #tpu.memory_space<vmem>>, vector<16xf32>,
      tpu.vector_store %arg9[%swap3A], %gather3A {strides = array<i32>} : memref<160xf32, #tpu.memory_space<vmem>>, vector<16xf32>,
      %scan3A_127 = arith.constant 0 : i32
      scf.yield %scan3A_127 : i32
    }
    %scan3A_17 = arith.constant 9 : i32
    %dma_start3A = arith.constant 0 : i32
    %dma_start3A_18 = arith.constant 0 : i32
    %dma_start3A_19 = tpu.memref_slice %arg10[%dma_start3A, %dma_start3A_18] : memref<144x768xf32, #tpu.memory_space<vmem>> -> memref<72x768xf32, #tpu.memory_space<vmem>>
    %dma_start3A_20 = arith.constant 0 : i32
    %dma_start3A_21 = tpu.memref_slice %arg8[%dma_start3A_20] : memref<144xi32, #tpu.memory_space<vmem>> -> memref<72xi32, #tpu.memory_space<vmem>>
    %dma_start3A_22 = arith.constant 0 : i32
    %dma_start3A_23 = arith.constant 0 : i32
    %dma_start3A_24 = tpu.memref_slice %arg2[%dma_start3A_22, %dma_start3A_23] : memref<36864x768xf32, #tpu.memory_space<hbm>> -> memref<36864x768xf32, #tpu.memory_space<hbm>>
    tpu.enqueue_indirect_dma source(%dma_start3A_24 : memref<36864x768xf32, #tpu.memory_space<hbm>>) target(%dma_start3A_19 : memref<72x768xf32, #tpu.memory_space<vmem>>) offsets(%dma_start3A_21 : memref<72xi32, #tpu.memory_space<vmem>>) semaphore(%arg11 : memref<!tpu.dma_semaphore, #tpu.memory_space<semaphore_mem>>)
    %dma_start3A_25 = arith.constant 72 : i32
    %dma_start3A_26 = arith.constant 0 : i32
    %dma_start3A_27 = tpu.memref_slice %arg10[%dma_start3A_25, %dma_start3A_26] : memref<144x768xf32, #tpu.memory_space<vmem>> -> memref<72x768xf32, #tpu.memory_space<vmem>>
    %dma_start3A_28 = arith.constant 72 : i32
    %dma_start3A_29 = tpu.memref_slice %arg8[%dma_start3A_28] : memref<144xi32, #tpu.memory_space<vmem>> -> memref<72xi32, #tpu.memory_space<vmem>>
    %dma_start3A_30 = arith.constant 0 : i32
    %dma_start3A_31 = arith.constant 0 : i32
    %dma_start3A_32 = tpu.memref_slice %arg2[%dma_start3A_30, %dma_start3A_31] : memref<36864x768xf32, #tpu.memory_space<hbm>> -> memref<36864x768xf32, #tpu.memory_space<hbm>>
    tpu.enqueue_indirect_dma source(%dma_start3A_32 : memref<36864x768xf32, #tpu.memory_space<hbm>>) target(%dma_start3A_27 : memref<72x768xf32, #tpu.memory_space<vmem>>) offsets(%dma_start3A_29 : memref<72xi32, #tpu.memory_space<vmem>>) semaphore(%arg11 : memref<!tpu.dma_semaphore, #tpu.memory_space<semaphore_mem>>)
    %dma_wait3A = arith.constant 0 : i32
    %dma_wait3A_33 = arith.constant 0 : i32
    %dma_wait3A_34 = tpu.memref_slice %arg10[%dma_wait3A, %dma_wait3A_33] : memref<144x768xf32, #tpu.memory_space<vmem>> -> memref<72x768xf32, #tpu.memory_space<vmem>>
    %dma_wait3A_35 = arith.constant 0 : i32
    %dma_wait3A_36 = tpu.memref_slice %arg8[%dma_wait3A_35] : memref<144xi32, #tpu.memory_space<vmem>> -> memref<72xi32, #tpu.memory_space<vmem>>
    %dma_wait3A_37 = arith.constant 0 : i32
    %dma_wait3A_38 = arith.constant 0 : i32
    %dma_wait3A_39 = tpu.memref_slice %arg2[%dma_wait3A_37, %dma_wait3A_38] : memref<36864x768xf32, #tpu.memory_space<hbm>> -> memref<36864x768xf32, #tpu.memory_space<hbm>>
    tpu.wait_indirect_dma semaphore(%arg11 : memref<!tpu.dma_semaphore, #tpu.memory_space<semaphore_mem>>) src(%dma_wait3A_39 : memref<36864x768xf32, #tpu.memory_space<hbm>>) dst(%dma_wait3A_34 : memref<72x768xf32, #tpu.memory_space<vmem>>)
    %dma_wait3A_40 = arith.constant 72 : i32
    %dma_wait3A_41 = arith.constant 0 : i32
    %dma_wait3A_42 = tpu.memref_slice %arg10[%dma_wait3A_40, %dma_wait3A_41] : memref<144x768xf32, #tpu.memory_space<vmem>> -> memref<72x768xf32, #tpu.memory_space<vmem>>
    %dma_wait3A_43 = arith.constant 72 : i32
    %dma_wait3A_44 = tpu.memref_slice %arg8[%dma_wait3A_43] : memref<144xi32, #tpu.memory_space<vmem>> -> memref<72xi32, #tpu.memory_space<vmem>>
    %dma_wait3A_45 = arith.constant 0 : i32
    %dma_wait3A_46 = arith.constant 0 : i32
    %dma_wait3A_47 = tpu.memref_slice %arg2[%dma_wait3A_45, %dma_wait3A_46] : memref<36864x768xf32, #tpu.memory_space<hbm>> -> memref<36864x768xf32, #tpu.memory_space<hbm>>
    tpu.wait_indirect_dma semaphore(%arg11 : memref<!tpu.dma_semaphore, #tpu.memory_space<semaphore_mem>>) src(%dma_wait3A_47 : memref<36864x768xf32, #tpu.memory_space<hbm>>) dst(%dma_wait3A_42 : memref<72x768xf32, #tpu.memory_space<vmem>>)
    %scan3A_48 = arith.constant 0 : i32
    %scan3A_49 = arith.constant 0 : i32
    %scan3A_50 = arith.constant 144 : i32
    %scan3A_51 = arith.addi %scan3A_49, %scan3A_50 : i32
    %scan3A_52 = arith.constant 1 : i32
    %scan3A_53 = scf.for %scan3A_116 = %scan3A_49 to %scan3A_51 step %scan3A_52 iter_args(%scan3A_117 = %scan3A_48) -> (i32)  : i32 {
      %get3A = arith.index_cast %scan3A_116 : i32 to index
      %get3A_118 = tpu.vector_load %arg9[%get3A] {strides = array<i32>} : memref<160xf32, #tpu.memory_space<vmem>>, vector<16xf32>,
      %slice3A = vector.extract_strided_slice %get3A_118 {offsets = [0], sizes = [1], strides = [1]} : vector<16xf32> to vector<1xf32>
      %squeeze3A = vector.extract %slice3A[0] : f32 from vector<1xf32>
      %get3A_119 = arith.index_cast %scan3A_116 : i32 to index
      %get3A_120 = arith.constant 0 : index
      %get3A_121 = tpu.vector_load %arg10[%get3A_119, %get3A_120] {strides = array<i32>} : memref<144x768xf32, #tpu.memory_space<vmem>>, vector<16xf32>,
      %mul3A_122 = vector.broadcast %squeeze3A : f32 to vector<16xf32>
      %mul3A_123 = arith.mulf %get3A_121, %mul3A_122 : vector<16xf32>
      %swap3A = arith.index_cast %scan3A_116 : i32 to index
      %swap3A_124 = arith.constant 0 : index
      %swap3A_125 = tpu.vector_load %arg10[%swap3A, %swap3A_124] {strides = array<i32>} : memref<144x768xf32, #tpu.memory_space<vmem>>, vector<16xf32>,
      tpu.vector_store %arg10[%swap3A, %swap3A_124], %mul3A_123 {strides = array<i32>} : memref<144x768xf32, #tpu.memory_space<vmem>>, vector<16xf32>,
      %get3A_126 = arith.index_cast %scan3A_116 : i32 to index
      %get3A_127 = arith.constant 16 : index
      %get3A_128 = tpu.vector_load %arg10[%get3A_126, %get3A_127] {strides = array<i32>} : memref<144x768xf32, #tpu.memory_space<vmem>>, vector<16xf32>,
      %mul3A_129 = vector.broadcast %squeeze3A : f32 to vector<16xf32>
      %mul3A_130 = arith.mulf %get3A_128, %mul3A_129 : vector<16xf32>
      %swap3A_131 = arith.index_cast %scan3A_116 : i32 to index
      %swap3A_132 = arith.constant 16 : index
      %swap3A_133 = tpu.vector_load %arg10[%swap3A_131, %swap3A_132] {strides = array<i32>} : memref<144x768xf32, #tpu.memory_space<vmem>>, vector<16xf32>,
      tpu.vector_store %arg10[%swap3A_131, %swap3A_132], %mul3A_130 {strides = array<i32>} : memref<144x768xf32, #tpu.memory_space<vmem>>, vector<16xf32>,
      %get3A_134 = arith.index_cast %scan3A_116 : i32 to index
      %get3A_135 = arith.constant 32 : index
      %get3A_136 = tpu.vector_load %arg10[%get3A_134, %get3A_135] {strides = array<i32>} : memref<144x768xf32, #tpu.memory_space<vmem>>, vector<16xf32>,
      %mul3A_137 = vector.broadcast %squeeze3A : f32 to vector<16xf32>
      %mul3A_138 = arith.mulf %get3A_136, %mul3A_137 : vector<16xf32>
      %swap3A_139 = arith.index_cast %scan3A_116 : i32 to index
      %swap3A_140 = arith.constant 32 : index
      %swap3A_141 = tpu.vector_load %arg10[%swap3A_139, %swap3A_140] {strides = array<i32>} : memref<144x768xf32, #tpu.memory_space<vmem>>, vector<16xf32>,
      tpu.vector_store %arg10[%swap3A_139, %swap3A_140], %mul3A_138 {strides = array<i32>} : memref<144x768xf32, #tpu.memory_space<vmem>>, vector<16xf32>,
      %get3A_142 = arith.index_cast %scan3A_116 : i32 to index
      %get3A_143 = arith.constant 48 : index
      %get3A_144 = tpu.vector_load %arg10[%get3A_142, %get3A_143] {strides = array<i32>} : memref<144x768xf32, #tpu.memory_space<vmem>>, vector<16xf32>,
      %mul3A_145 = vector.broadcast %squeeze3A : f32 to vector<16xf32>
      %mul3A_146 = arith.mulf %get3A_144, %mul3A_145 : vector<16xf32>
      %swap3A_147 = arith.index_cast %scan3A_116 : i32 to index
      %swap3A_148 = arith.constant 48 : index
      %swap3A_149 = tpu.vector_load %arg10[%swap3A_147, %swap3A_148] {strides = array<i32>} : memref<144x768xf32, #tpu.memory_space<vmem>>, vector<16xf32>,
      tpu.vector_store %arg10[%swap3A_147, %swap3A_148], %mul3A_146 {strides = array<i32>} : memref<144x768xf32, #tpu.memory_space<vmem>>, vector<16xf32>,
      %get3A_150 = arith.index_cast %scan3A_116 : i32 to index
      %get3A_151 = arith.constant 64 : index
      %get3A_152 = tpu.vector_load %arg10[%get3A_150, %get3A_151] {strides = array<i32>} : memref<144x768xf32, #tpu.memory_space<vmem>>, vector<16xf32>,
      %mul3A_153 = vector.broadcast %squeeze3A : f32 to vector<16xf32>
      %mul3A_154 = arith.mulf %get3A_152, %mul3A_153 : vector<16xf32>
      %swap3A_155 = arith.index_cast %scan3A_116 : i32 to index
      %swap3A_156 = arith.constant 64 : index
      %swap3A_157 = tpu.vector_load %arg10[%swap3A_155, %swap3A_156] {strides = array<i32>} : memref<144x768xf32, #tpu.memory_space<vmem>>, vector<16xf32>,
      tpu.vector_store %arg10[%swap3A_155, %swap3A_156], %mul3A_154 {strides = array<i32>} : memref<144x768xf32, #tpu.memory_space<vmem>>, vector<16xf32>,
      %get3A_158 = arith.index_cast %scan3A_116 : i32 to index
      %get3A_159 = arith.constant 80 : index
      %get3A_160 = tpu.vector_load %arg10[%get3A_158, %get3A_159] {strides = array<i32>} : memref<144x768xf32, #tpu.memory_space<vmem>>, vector<16xf32>,
      %mul3A_161 = vector.broadcast %squeeze3A : f32 to vector<16xf32>
      %mul3A_162 = arith.mulf %get3A_160, %mul3A_161 : vector<16xf32>
      %swap3A_163 = arith.index_cast %scan3A_116 : i32 to index
      %swap3A_164 = arith.constant 80 : index
      %swap3A_165 = tpu.vector_load %arg10[%swap3A_163, %swap3A_164] {strides = array<i32>} : memref<144x768xf32, #tpu.memory_space<vmem>>, vector<16xf32>,
      tpu.vector_store %arg10[%swap3A_163, %swap3A_164], %mul3A_162 {strides = array<i32>} : memref<144x768xf32, #tpu.memory_space<vmem>>, vector<16xf32>,
      %get3A_166 = arith.index_cast %scan3A_116 : i32 to index
      %get3A_167 = arith.constant 96 : index
      %get3A_168 = tpu.vector_load %arg10[%get3A_166, %get3A_167] {strides = array<i32>} : memref<144x768xf32, #tpu.memory_space<vmem>>, vector<16xf32>,
      %mul3A_169 = vector.broadcast %squeeze3A : f32 to vector<16xf32>
      %mul3A_170 = arith.mulf %get3A_168, %mul3A_169 : vector<16xf32>
      %swap3A_171 = arith.index_cast %scan3A_116 : i32 to index
      %swap3A_172 = arith.constant 96 : index
      %swap3A_173 = tpu.vector_load %arg10[%swap3A_171, %swap3A_172] {strides = array<i32>} : memref<144x768xf32, #tpu.memory_space<vmem>>, vector<16xf32>,
      tpu.vector_store %arg10[%swap3A_171, %swap3A_172], %mul3A_170 {strides = array<i32>} : memref<144x768xf32, #tpu.memory_space<vmem>>, vector<16xf32>,
      %get3A_174 = arith.index_cast %scan3A_116 : i32 to index
      %get3A_175 = arith.constant 112 : index
      %get3A_176 = tpu.vector_load %arg10[%get3A_174, %get3A_175] {strides = array<i32>} : memref<144x768xf32, #tpu.memory_space<vmem>>, vector<16xf32>,
      %mul3A_177 = vector.broadcast %squeeze3A : f32 to vector<16xf32>
      %mul3A_178 = arith.mulf %get3A_176, %mul3A_177 : vector<16xf32>
      %swap3A_179 = arith.index_cast %scan3A_116 : i32 to index
      %swap3A_180 = arith.constant 112 : index
      %swap3A_181 = tpu.vector_load %arg10[%swap3A_179, %swap3A_180] {strides = array<i32>} : memref<144x768xf32, #tpu.memory_space<vmem>>, vector<16xf32>,
      tpu.vector_store %arg10[%swap3A_179, %swap3A_180], %mul3A_178 {strides = array<i32>} : memref<144x768xf32, #tpu.memory_space<vmem>>, vector<16xf32>,
      %get3A_182 = arith.index_cast %scan3A_116 : i32 to index
      %get3A_183 = arith.constant 128 : index
      %get3A_184 = tpu.vector_load %arg10[%get3A_182, %get3A_183] {strides = array<i32>} : memref<144x768xf32, #tpu.memory_space<vmem>>, vector<16xf32>,
      %mul3A_185 = vector.broadcast %squeeze3A : f32 to vector<16xf32>
      %mul3A_186 = arith.mulf %get3A_184, %mul3A_185 : vector<16xf32>
      %swap3A_187 = arith.index_cast %scan3A_116 : i32 to index
      %swap3A_188 = arith.constant 128 : index
      %swap3A_189 = tpu.vector_load %arg10[%swap3A_187, %swap3A_188] {strides = array<i32>} : memref<144x768xf32, #tpu.memory_space<vmem>>, vector<16xf32>,
      tpu.vector_store %arg10[%swap3A_187, %swap3A_188], %mul3A_186 {strides = array<i32>} : memref<144x768xf32, #tpu.memory_space<vmem>>, vector<16xf32>,
      %get3A_190 = arith.index_cast %scan3A_116 : i32 to index
      %get3A_191 = arith.constant 144 : index
      %get3A_192 = tpu.vector_load %arg10[%get3A_190, %get3A_191] {strides = array<i32>} : memref<144x768xf32, #tpu.memory_space<vmem>>, vector<16xf32>,
      %mul3A_193 = vector.broadcast %squeeze3A : f32 to vector<16xf32>
      %mul3A_194 = arith.mulf %get3A_192, %mul3A_193 : vector<16xf32>
      %swap3A_195 = arith.index_cast %scan3A_116 : i32 to index
      %swap3A_196 = arith.constant 144 : index
      %swap3A_197 = tpu.vector_load %arg10[%swap3A_195, %swap3A_196] {strides = array<i32>} : memref<144x768xf32, #tpu.memory_space<vmem>>, vector<16xf32>,
      tpu.vector_store %arg10[%swap3A_195, %swap3A_196], %mul3A_194 {strides = array<i32>} : memref<144x768xf32, #tpu.memory_space<vmem>>, vector<16xf32>,
      %get3A_198 = arith.index_cast %scan3A_116 : i32 to index
      %get3A_199 = arith.constant 160 : index
      %get3A_200 = tpu.vector_load %arg10[%get3A_198, %get3A_199] {strides = array<i32>} : memref<144x768xf32, #tpu.memory_space<vmem>>, vector<16xf32>,
      %mul3A_201 = vector.broadcast %squeeze3A : f32 to vector<16xf32>
      %mul3A_202 = arith.mulf %get3A_200, %mul3A_201 : vector<16xf32>
      %swap3A_203 = arith.index_cast %scan3A_116 : i32 to index
      %swap3A_204 = arith.constant 160 : index
      %swap3A_205 = tpu.vector_load %arg10[%swap3A_203, %swap3A_204] {strides = array<i32>} : memref<144x768xf32, #tpu.memory_space<vmem>>, vector<16xf32>,
      tpu.vector_store %arg10[%swap3A_203, %swap3A_204], %mul3A_202 {strides = array<i32>} : memref<144x768xf32, #tpu.memory_space<vmem>>, vector<16xf32>,
      %get3A_206 = arith.index_cast %scan3A_116 : i32 to index
      %get3A_207 = arith.constant 176 : index
      %get3A_208 = tpu.vector_load %arg10[%get3A_206, %get3A_207] {strides = array<i32>} : memref<144x768xf32, #tpu.memory_space<vmem>>, vector<16xf32>,
      %mul3A_209 = vector.broadcast %squeeze3A : f32 to vector<16xf32>
      %mul3A_210 = arith.mulf %get3A_208, %mul3A_209 : vector<16xf32>
      %swap3A_211 = arith.index_cast %scan3A_116 : i32 to index
      %swap3A_212 = arith.constant 176 : index
      %swap3A_213 = tpu.vector_load %arg10[%swap3A_211, %swap3A_212] {strides = array<i32>} : memref<144x768xf32, #tpu.memory_space<vmem>>, vector<16xf32>,
      tpu.vector_store %arg10[%swap3A_211, %swap3A_212], %mul3A_210 {strides = array<i32>} : memref<144x768xf32, #tpu.memory_space<vmem>>, vector<16xf32>,
      %get3A_214 = arith.index_cast %scan3A_116 : i32 to index
      %get3A_215 = arith.constant 192 : index
      %get3A_216 = tpu.vector_load %arg10[%get3A_214, %get3A_215] {strides = array<i32>} : memref<144x768xf32, #tpu.memory_space<vmem>>, vector<16xf32>,
      %mul3A_217 = vector.broadcast %squeeze3A : f32 to vector<16xf32>
      %mul3A_218 = arith.mulf %get3A_216, %mul3A_217 : vector<16xf32>
      %swap3A_219 = arith.index_cast %scan3A_116 : i32 to index
      %swap3A_220 = arith.constant 192 : index
      %swap3A_221 = tpu.vector_load %arg10[%swap3A_219, %swap3A_220] {strides = array<i32>} : memref<144x768xf32, #tpu.memory_space<vmem>>, vector<16xf32>,
      tpu.vector_store %arg10[%swap3A_219, %swap3A_220], %mul3A_218 {strides = array<i32>} : memref<144x768xf32, #tpu.memory_space<vmem>>, vector<16xf32>,
      %get3A_222 = arith.index_cast %scan3A_116 : i32 to index
      %get3A_223 = arith.constant 208 : index
      %get3A_224 = tpu.vector_load %arg10[%get3A_222, %get3A_223] {strides = array<i32>} : memref<144x768xf32, #tpu.memory_space<vmem>>, vector<16xf32>,
      %mul3A_225 = vector.broadcast %squeeze3A : f32 to vector<16xf32>
      %mul3A_226 = arith.mulf %get3A_224, %mul3A_225 : vector<16xf32>
      %swap3A_227 = arith.index_cast %scan3A_116 : i32 to index
      %swap3A_228 = arith.constant 208 : index
      %swap3A_229 = tpu.vector_load %arg10[%swap3A_227, %swap3A_228] {strides = array<i32>} : memref<144x768xf32, #tpu.memory_space<vmem>>, vector<16xf32>,
      tpu.vector_store %arg10[%swap3A_227, %swap3A_228], %mul3A_226 {strides = array<i32>} : memref<144x768xf32, #tpu.memory_space<vmem>>, vector<16xf32>,
      %get3A_230 = arith.index_cast %scan3A_116 : i32 to index
      %get3A_231 = arith.constant 224 : index
      %get3A_232 = tpu.vector_load %arg10[%get3A_230, %get3A_231] {strides = array<i32>} : memref<144x768xf32, #tpu.memory_space<vmem>>, vector<16xf32>,
      %mul3A_233 = vector.broadcast %squeeze3A : f32 to vector<16xf32>
      %mul3A_234 = arith.mulf %get3A_232, %mul3A_233 : vector<16xf32>
      %swap3A_235 = arith.index_cast %scan3A_116 : i32 to index
      %swap3A_236 = arith.constant 224 : index
      %swap3A_237 = tpu.vector_load %arg10[%swap3A_235, %swap3A_236] {strides = array<i32>} : memref<144x768xf32, #tpu.memory_space<vmem>>, vector<16xf32>,
      tpu.vector_store %arg10[%swap3A_235, %swap3A_236], %mul3A_234 {strides = array<i32>} : memref<144x768xf32, #tpu.memory_space<vmem>>, vector<16xf32>,
      %get3A_238 = arith.index_cast %scan3A_116 : i32 to index
      %get3A_239 = arith.constant 240 : index
      %get3A_240 = tpu.vector_load %arg10[%get3A_238, %get3A_239] {strides = array<i32>} : memref<144x768xf32, #tpu.memory_space<vmem>>, vector<16xf32>,
      %mul3A_241 = vector.broadcast %squeeze3A : f32 to vector<16xf32>
      %mul3A_242 = arith.mulf %get3A_240, %mul3A_241 : vector<16xf32>
      %swap3A_243 = arith.index_cast %scan3A_116 : i32 to index
      %swap3A_244 = arith.constant 240 : index
      %swap3A_245 = tpu.vector_load %arg10[%swap3A_243, %swap3A_244] {strides = array<i32>} : memref<144x768xf32, #tpu.memory_space<vmem>>, vector<16xf32>,
      tpu.vector_store %arg10[%swap3A_243, %swap3A_244], %mul3A_242 {strides = array<i32>} : memref<144x768xf32, #tpu.memory_space<vmem>>, vector<16xf32>,
      %get3A_246 = arith.index_cast %scan3A_116 : i32 to index
      %get3A_247 = arith.constant 256 : index
      %get3A_248 = tpu.vector_load %arg10[%get3A_246, %get3A_247] {strides = array<i32>} : memref<144x768xf32, #tpu.memory_space<vmem>>, vector<16xf32>,
      %mul3A_249 = vector.broadcast %squeeze3A : f32 to vector<16xf32>
      %mul3A_250 = arith.mulf %get3A_248, %mul3A_249 : vector<16xf32>
      %swap3A_251 = arith.index_cast %scan3A_116 : i32 to index
      %swap3A_252 = arith.constant 256 : index
      %swap3A_253 = tpu.vector_load %arg10[%swap3A_251, %swap3A_252] {strides = array<i32>} : memref<144x768xf32, #tpu.memory_space<vmem>>, vector<16xf32>,
      tpu.vector_store %arg10[%swap3A_251, %swap3A_252], %mul3A_250 {strides = array<i32>} : memref<144x768xf32, #tpu.memory_space<vmem>>, vector<16xf32>,
      %get3A_254 = arith.index_cast %scan3A_116 : i32 to index
      %get3A_255 = arith.constant 272 : index
      %get3A_256 = tpu.vector_load %arg10[%get3A_254, %get3A_255] {strides = array<i32>} : memref<144x768xf32, #tpu.memory_space<vmem>>, vector<16xf32>,
      %mul3A_257 = vector.broadcast %squeeze3A : f32 to vector<16xf32>
      %mul3A_258 = arith.mulf %get3A_256, %mul3A_257 : vector<16xf32>
      %swap3A_259 = arith.index_cast %scan3A_116 : i32 to index
      %swap3A_260 = arith.constant 272 : index
      %swap3A_261 = tpu.vector_load %arg10[%swap3A_259, %swap3A_260] {strides = array<i32>} : memref<144x768xf32, #tpu.memory_space<vmem>>, vector<16xf32>,
      tpu.vector_store %arg10[%swap3A_259, %swap3A_260], %mul3A_258 {strides = array<i32>} : memref<144x768xf32, #tpu.memory_space<vmem>>, vector<16xf32>,
      %get3A_262 = arith.index_cast %scan3A_116 : i32 to index
      %get3A_263 = arith.constant 288 : index
      %get3A_264 = tpu.vector_load %arg10[%get3A_262, %get3A_263] {strides = array<i32>} : memref<144x768xf32, #tpu.memory_space<vmem>>, vector<16xf32>,
      %mul3A_265 = vector.broadcast %squeeze3A : f32 to vector<16xf32>
      %mul3A_266 = arith.mulf %get3A_264, %mul3A_265 : vector<16xf32>
      %swap3A_267 = arith.index_cast %scan3A_116 : i32 to index
      %swap3A_268 = arith.constant 288 : index
      %swap3A_269 = tpu.vector_load %arg10[%swap3A_267, %swap3A_268] {strides = array<i32>} : memref<144x768xf32, #tpu.memory_space<vmem>>, vector<16xf32>,
      tpu.vector_store %arg10[%swap3A_267, %swap3A_268], %mul3A_266 {strides = array<i32>} : memref<144x768xf32, #tpu.memory_space<vmem>>, vector<16xf32>,
      %get3A_270 = arith.index_cast %scan3A_116 : i32 to index
      %get3A_271 = arith.constant 304 : index
      %get3A_272 = tpu.vector_load %arg10[%get3A_270, %get3A_271] {strides = array<i32>} : memref<144x768xf32, #tpu.memory_space<vmem>>, vector<16xf32>,
      %mul3A_273 = vector.broadcast %squeeze3A : f32 to vector<16xf32>
      %mul3A_274 = arith.mulf %get3A_272, %mul3A_273 : vector<16xf32>
      %swap3A_275 = arith.index_cast %scan3A_116 : i32 to index
      %swap3A_276 = arith.constant 304 : index
      %swap3A_277 = tpu.vector_load %arg10[%swap3A_275, %swap3A_276] {strides = array<i32>} : memref<144x768xf32, #tpu.memory_space<vmem>>, vector<16xf32>,
      tpu.vector_store %arg10[%swap3A_275, %swap3A_276], %mul3A_274 {strides = array<i32>} : memref<144x768xf32, #tpu.memory_space<vmem>>, vector<16xf32>,
      %get3A_278 = arith.index_cast %scan3A_116 : i32 to index
      %get3A_279 = arith.constant 320 : index
      %get3A_280 = tpu.vector_load %arg10[%get3A_278, %get3A_279] {strides = array<i32>} : memref<144x768xf32, #tpu.memory_space<vmem>>, vector<16xf32>,
      %mul3A_281 = vector.broadcast %squeeze3A : f32 to vector<16xf32>
      %mul3A_282 = arith.mulf %get3A_280, %mul3A_281 : vector<16xf32>
      %swap3A_283 = arith.index_cast %scan3A_116 : i32 to index
      %swap3A_284 = arith.constant 320 : index
      %swap3A_285 = tpu.vector_load %arg10[%swap3A_283, %swap3A_284] {strides = array<i32>} : memref<144x768xf32, #tpu.memory_space<vmem>>, vector<16xf32>,
      tpu.vector_store %arg10[%swap3A_283, %swap3A_284], %mul3A_282 {strides = array<i32>} : memref<144x768xf32, #tpu.memory_space<vmem>>, vector<16xf32>,
      %get3A_286 = arith.index_cast %scan3A_116 : i32 to index
      %get3A_287 = arith.constant 336 : index
      %get3A_288 = tpu.vector_load %arg10[%get3A_286, %get3A_287] {strides = array<i32>} : memref<144x768xf32, #tpu.memory_space<vmem>>, vector<16xf32>,
      %mul3A_289 = vector.broadcast %squeeze3A : f32 to vector<16xf32>
      %mul3A_290 = arith.mulf %get3A_288, %mul3A_289 : vector<16xf32>
      %swap3A_291 = arith.index_cast %scan3A_116 : i32 to index
      %swap3A_292 = arith.constant 336 : index
      %swap3A_293 = tpu.vector_load %arg10[%swap3A_291, %swap3A_292] {strides = array<i32>} : memref<144x768xf32, #tpu.memory_space<vmem>>, vector<16xf32>,
      tpu.vector_store %arg10[%swap3A_291, %swap3A_292], %mul3A_290 {strides = array<i32>} : memref<144x768xf32, #tpu.memory_space<vmem>>, vector<16xf32>,
      %get3A_294 = arith.index_cast %scan3A_116 : i32 to index
      %get3A_295 = arith.constant 352 : index
      %get3A_296 = tpu.vector_load %arg10[%get3A_294, %get3A_295] {strides = array<i32>} : memref<144x768xf32, #tpu.memory_space<vmem>>, vector<16xf32>,
      %mul3A_297 = vector.broadcast %squeeze3A : f32 to vector<16xf32>
      %mul3A_298 = arith.mulf %get3A_296, %mul3A_297 : vector<16xf32>
      %swap3A_299 = arith.index_cast %scan3A_116 : i32 to index
      %swap3A_300 = arith.constant 352 : index
      %swap3A_301 = tpu.vector_load %arg10[%swap3A_299, %swap3A_300] {strides = array<i32>} : memref<144x768xf32, #tpu.memory_space<vmem>>, vector<16xf32>,
      tpu.vector_store %arg10[%swap3A_299, %swap3A_300], %mul3A_298 {strides = array<i32>} : memref<144x768xf32, #tpu.memory_space<vmem>>, vector<16xf32>,
      %get3A_302 = arith.index_cast %scan3A_116 : i32 to index
      %get3A_303 = arith.constant 368 : index
      %get3A_304 = tpu.vector_load %arg10[%get3A_302, %get3A_303] {strides = array<i32>} : memref<144x768xf32, #tpu.memory_space<vmem>>, vector<16xf32>,
      %mul3A_305 = vector.broadcast %squeeze3A : f32 to vector<16xf32>
      %mul3A_306 = arith.mulf %get3A_304, %mul3A_305 : vector<16xf32>
      %swap3A_307 = arith.index_cast %scan3A_116 : i32 to index
      %swap3A_308 = arith.constant 368 : index
      %swap3A_309 = tpu.vector_load %arg10[%swap3A_307, %swap3A_308] {strides = array<i32>} : memref<144x768xf32, #tpu.memory_space<vmem>>, vector<16xf32>,
      tpu.vector_store %arg10[%swap3A_307, %swap3A_308], %mul3A_306 {strides = array<i32>} : memref<144x768xf32, #tpu.memory_space<vmem>>, vector<16xf32>,
      %get3A_310 = arith.index_cast %scan3A_116 : i32 to index
      %get3A_311 = arith.constant 384 : index
      %get3A_312 = tpu.vector_load %arg10[%get3A_310, %get3A_311] {strides = array<i32>} : memref<144x768xf32, #tpu.memory_space<vmem>>, vector<16xf32>,
      %mul3A_313 = vector.broadcast %squeeze3A : f32 to vector<16xf32>
      %mul3A_314 = arith.mulf %get3A_312, %mul3A_313 : vector<16xf32>
      %swap3A_315 = arith.index_cast %scan3A_116 : i32 to index
      %swap3A_316 = arith.constant 384 : index
      %swap3A_317 = tpu.vector_load %arg10[%swap3A_315, %swap3A_316] {strides = array<i32>} : memref<144x768xf32, #tpu.memory_space<vmem>>, vector<16xf32>,
      tpu.vector_store %arg10[%swap3A_315, %swap3A_316], %mul3A_314 {strides = array<i32>} : memref<144x768xf32, #tpu.memory_space<vmem>>, vector<16xf32>,
      %get3A_318 = arith.index_cast %scan3A_116 : i32 to index
      %get3A_319 = arith.constant 400 : index
      %get3A_320 = tpu.vector_load %arg10[%get3A_318, %get3A_319] {strides = array<i32>} : memref<144x768xf32, #tpu.memory_space<vmem>>, vector<16xf32>,
      %mul3A_321 = vector.broadcast %squeeze3A : f32 to vector<16xf32>
      %mul3A_322 = arith.mulf %get3A_320, %mul3A_321 : vector<16xf32>
      %swap3A_323 = arith.index_cast %scan3A_116 : i32 to index
      %swap3A_324 = arith.constant 400 : index
      %swap3A_325 = tpu.vector_load %arg10[%swap3A_323, %swap3A_324] {strides = array<i32>} : memref<144x768xf32, #tpu.memory_space<vmem>>, vector<16xf32>,
      tpu.vector_store %arg10[%swap3A_323, %swap3A_324], %mul3A_322 {strides = array<i32>} : memref<144x768xf32, #tpu.memory_space<vmem>>, vector<16xf32>,
      %get3A_326 = arith.index_cast %scan3A_116 : i32 to index
      %get3A_327 = arith.constant 416 : index
      %get3A_328 = tpu.vector_load %arg10[%get3A_326, %get3A_327] {strides = array<i32>} : memref<144x768xf32, #tpu.memory_space<vmem>>, vector<16xf32>,
      %mul3A_329 = vector.broadcast %squeeze3A : f32 to vector<16xf32>
      %mul3A_330 = arith.mulf %get3A_328, %mul3A_329 : vector<16xf32>
      %swap3A_331 = arith.index_cast %scan3A_116 : i32 to index
      %swap3A_332 = arith.constant 416 : index
      %swap3A_333 = tpu.vector_load %arg10[%swap3A_331, %swap3A_332] {strides = array<i32>} : memref<144x768xf32, #tpu.memory_space<vmem>>, vector<16xf32>,
      tpu.vector_store %arg10[%swap3A_331, %swap3A_332], %mul3A_330 {strides = array<i32>} : memref<144x768xf32, #tpu.memory_space<vmem>>, vector<16xf32>,
      %get3A_334 = arith.index_cast %scan3A_116 : i32 to index
      %get3A_335 = arith.constant 432 : index
      %get3A_336 = tpu.vector_load %arg10[%get3A_334, %get3A_335] {strides = array<i32>} : memref<144x768xf32, #tpu.memory_space<vmem>>, vector<16xf32>,
      %mul3A_337 = vector.broadcast %squeeze3A : f32 to vector<16xf32>
      %mul3A_338 = arith.mulf %get3A_336, %mul3A_337 : vector<16xf32>
      %swap3A_339 = arith.index_cast %scan3A_116 : i32 to index
      %swap3A_340 = arith.constant 432 : index
      %swap3A_341 = tpu.vector_load %arg10[%swap3A_339, %swap3A_340] {strides = array<i32>} : memref<144x768xf32, #tpu.memory_space<vmem>>, vector<16xf32>,
      tpu.vector_store %arg10[%swap3A_339, %swap3A_340], %mul3A_338 {strides = array<i32>} : memref<144x768xf32, #tpu.memory_space<vmem>>, vector<16xf32>,
      %get3A_342 = arith.index_cast %scan3A_116 : i32 to index
      %get3A_343 = arith.constant 448 : index
      %get3A_344 = tpu.vector_load %arg10[%get3A_342, %get3A_343] {strides = array<i32>} : memref<144x768xf32, #tpu.memory_space<vmem>>, vector<16xf32>,
      %mul3A_345 = vector.broadcast %squeeze3A : f32 to vector<16xf32>
      %mul3A_346 = arith.mulf %get3A_344, %mul3A_345 : vector<16xf32>
      %swap3A_347 = arith.index_cast %scan3A_116 : i32 to index
      %swap3A_348 = arith.constant 448 : index
      %swap3A_349 = tpu.vector_load %arg10[%swap3A_347, %swap3A_348] {strides = array<i32>} : memref<144x768xf32, #tpu.memory_space<vmem>>, vector<16xf32>,
      tpu.vector_store %arg10[%swap3A_347, %swap3A_348], %mul3A_346 {strides = array<i32>} : memref<144x768xf32, #tpu.memory_space<vmem>>, vector<16xf32>,
      %get3A_350 = arith.index_cast %scan3A_116 : i32 to index
      %get3A_351 = arith.constant 464 : index
      %get3A_352 = tpu.vector_load %arg10[%get3A_350, %get3A_351] {strides = array<i32>} : memref<144x768xf32, #tpu.memory_space<vmem>>, vector<16xf32>,
      %mul3A_353 = vector.broadcast %squeeze3A : f32 to vector<16xf32>
      %mul3A_354 = arith.mulf %get3A_352, %mul3A_353 : vector<16xf32>
      %swap3A_355 = arith.index_cast %scan3A_116 : i32 to index
      %swap3A_356 = arith.constant 464 : index
      %swap3A_357 = tpu.vector_load %arg10[%swap3A_355, %swap3A_356] {strides = array<i32>} : memref<144x768xf32, #tpu.memory_space<vmem>>, vector<16xf32>,
      tpu.vector_store %arg10[%swap3A_355, %swap3A_356], %mul3A_354 {strides = array<i32>} : memref<144x768xf32, #tpu.memory_space<vmem>>, vector<16xf32>,
      %get3A_358 = arith.index_cast %scan3A_116 : i32 to index
      %get3A_359 = arith.constant 480 : index
      %get3A_360 = tpu.vector_load %arg10[%get3A_358, %get3A_359] {strides = array<i32>} : memref<144x768xf32, #tpu.memory_space<vmem>>, vector<16xf32>,
      %mul3A_361 = vector.broadcast %squeeze3A : f32 to vector<16xf32>
      %mul3A_362 = arith.mulf %get3A_360, %mul3A_361 : vector<16xf32>
      %swap3A_363 = arith.index_cast %scan3A_116 : i32 to index
      %swap3A_364 = arith.constant 480 : index
      %swap3A_365 = tpu.vector_load %arg10[%swap3A_363, %swap3A_364] {strides = array<i32>} : memref<144x768xf32, #tpu.memory_space<vmem>>, vector<16xf32>,
      tpu.vector_store %arg10[%swap3A_363, %swap3A_364], %mul3A_362 {strides = array<i32>} : memref<144x768xf32, #tpu.memory_space<vmem>>, vector<16xf32>,
      %get3A_366 = arith.index_cast %scan3A_116 : i32 to index
      %get3A_367 = arith.constant 496 : index
      %get3A_368 = tpu.vector_load %arg10[%get3A_366, %get3A_367] {strides = array<i32>} : memref<144x768xf32, #tpu.memory_space<vmem>>, vector<16xf32>,
      %mul3A_369 = vector.broadcast %squeeze3A : f32 to vector<16xf32>
      %mul3A_370 = arith.mulf %get3A_368, %mul3A_369 : vector<16xf32>
      %swap3A_371 = arith.index_cast %scan3A_116 : i32 to index
      %swap3A_372 = arith.constant 496 : index
      %swap3A_373 = tpu.vector_load %arg10[%swap3A_371, %swap3A_372] {strides = array<i32>} : memref<144x768xf32, #tpu.memory_space<vmem>>, vector<16xf32>,
      tpu.vector_store %arg10[%swap3A_371, %swap3A_372], %mul3A_370 {strides = array<i32>} : memref<144x768xf32, #tpu.memory_space<vmem>>, vector<16xf32>,
      %get3A_374 = arith.index_cast %scan3A_116 : i32 to index
      %get3A_375 = arith.constant 512 : index
      %get3A_376 = tpu.vector_load %arg10[%get3A_374, %get3A_375] {strides = array<i32>} : memref<144x768xf32, #tpu.memory_space<vmem>>, vector<16xf32>,
      %mul3A_377 = vector.broadcast %squeeze3A : f32 to vector<16xf32>
      %mul3A_378 = arith.mulf %get3A_376, %mul3A_377 : vector<16xf32>
      %swap3A_379 = arith.index_cast %scan3A_116 : i32 to index
      %swap3A_380 = arith.constant 512 : index
      %swap3A_381 = tpu.vector_load %arg10[%swap3A_379, %swap3A_380] {strides = array<i32>} : memref<144x768xf32, #tpu.memory_space<vmem>>, vector<16xf32>,
      tpu.vector_store %arg10[%swap3A_379, %swap3A_380], %mul3A_378 {strides = array<i32>} : memref<144x768xf32, #tpu.memory_space<vmem>>, vector<16xf32>,
      %get3A_382 = arith.index_cast %scan3A_116 : i32 to index
      %get3A_383 = arith.constant 528 : index
      %get3A_384 = tpu.vector_load %arg10[%get3A_382, %get3A_383] {strides = array<i32>} : memref<144x768xf32, #tpu.memory_space<vmem>>, vector<16xf32>,
      %mul3A_385 = vector.broadcast %squeeze3A : f32 to vector<16xf32>
      %mul3A_386 = arith.mulf %get3A_384, %mul3A_385 : vector<16xf32>
      %swap3A_387 = arith.index_cast %scan3A_116 : i32 to index
      %swap3A_388 = arith.constant 528 : index
      %swap3A_389 = tpu.vector_load %arg10[%swap3A_387, %swap3A_388] {strides = array<i32>} : memref<144x768xf32, #tpu.memory_space<vmem>>, vector<16xf32>,
      tpu.vector_store %arg10[%swap3A_387, %swap3A_388], %mul3A_386 {strides = array<i32>} : memref<144x768xf32, #tpu.memory_space<vmem>>, vector<16xf32>,
      %get3A_390 = arith.index_cast %scan3A_116 : i32 to index
      %get3A_391 = arith.constant 544 : index
      %get3A_392 = tpu.vector_load %arg10[%get3A_390, %get3A_391] {strides = array<i32>} : memref<144x768xf32, #tpu.memory_space<vmem>>, vector<16xf32>,
      %mul3A_393 = vector.broadcast %squeeze3A : f32 to vector<16xf32>
      %mul3A_394 = arith.mulf %get3A_392, %mul3A_393 : vector<16xf32>
      %swap3A_395 = arith.index_cast %scan3A_116 : i32 to index
      %swap3A_396 = arith.constant 544 : index
      %swap3A_397 = tpu.vector_load %arg10[%swap3A_395, %swap3A_396] {strides = array<i32>} : memref<144x768xf32, #tpu.memory_space<vmem>>, vector<16xf32>,
      tpu.vector_store %arg10[%swap3A_395, %swap3A_396], %mul3A_394 {strides = array<i32>} : memref<144x768xf32, #tpu.memory_space<vmem>>, vector<16xf32>,
      %get3A_398 = arith.index_cast %scan3A_116 : i32 to index
      %get3A_399 = arith.constant 560 : index
      %get3A_400 = tpu.vector_load %arg10[%get3A_398, %get3A_399] {strides = array<i32>} : memref<144x768xf32, #tpu.memory_space<vmem>>, vector<16xf32>,
      %mul3A_401 = vector.broadcast %squeeze3A : f32 to vector<16xf32>
      %mul3A_402 = arith.mulf %get3A_400, %mul3A_401 : vector<16xf32>
      %swap3A_403 = arith.index_cast %scan3A_116 : i32 to index
      %swap3A_404 = arith.constant 560 : index
      %swap3A_405 = tpu.vector_load %arg10[%swap3A_403, %swap3A_404] {strides = array<i32>} : memref<144x768xf32, #tpu.memory_space<vmem>>, vector<16xf32>,
      tpu.vector_store %arg10[%swap3A_403, %swap3A_404], %mul3A_402 {strides = array<i32>} : memref<144x768xf32, #tpu.memory_space<vmem>>, vector<16xf32>,
      %get3A_406 = arith.index_cast %scan3A_116 : i32 to index
      %get3A_407 = arith.constant 576 : index
      %get3A_408 = tpu.vector_load %arg10[%get3A_406, %get3A_407] {strides = array<i32>} : memref<144x768xf32, #tpu.memory_space<vmem>>, vector<16xf32>,
      %mul3A_409 = vector.broadcast %squeeze3A : f32 to vector<16xf32>
      %mul3A_410 = arith.mulf %get3A_408, %mul3A_409 : vector<16xf32>
      %swap3A_411 = arith.index_cast %scan3A_116 : i32 to index
      %swap3A_412 = arith.constant 576 : index
      %swap3A_413 = tpu.vector_load %arg10[%swap3A_411, %swap3A_412] {strides = array<i32>} : memref<144x768xf32, #tpu.memory_space<vmem>>, vector<16xf32>,
      tpu.vector_store %arg10[%swap3A_411, %swap3A_412], %mul3A_410 {strides = array<i32>} : memref<144x768xf32, #tpu.memory_space<vmem>>, vector<16xf32>,
      %get3A_414 = arith.index_cast %scan3A_116 : i32 to index
      %get3A_415 = arith.constant 592 : index
      %get3A_416 = tpu.vector_load %arg10[%get3A_414, %get3A_415] {strides = array<i32>} : memref<144x768xf32, #tpu.memory_space<vmem>>, vector<16xf32>,
      %mul3A_417 = vector.broadcast %squeeze3A : f32 to vector<16xf32>
      %mul3A_418 = arith.mulf %get3A_416, %mul3A_417 : vector<16xf32>
      %swap3A_419 = arith.index_cast %scan3A_116 : i32 to index
      %swap3A_420 = arith.constant 592 : index
      %swap3A_421 = tpu.vector_load %arg10[%swap3A_419, %swap3A_420] {strides = array<i32>} : memref<144x768xf32, #tpu.memory_space<vmem>>, vector<16xf32>,
      tpu.vector_store %arg10[%swap3A_419, %swap3A_420], %mul3A_418 {strides = array<i32>} : memref<144x768xf32, #tpu.memory_space<vmem>>, vector<16xf32>,
      %get3A_422 = arith.index_cast %scan3A_116 : i32 to index
      %get3A_423 = arith.constant 608 : index
      %get3A_424 = tpu.vector_load %arg10[%get3A_422, %get3A_423] {strides = array<i32>} : memref<144x768xf32, #tpu.memory_space<vmem>>, vector<16xf32>,
      %mul3A_425 = vector.broadcast %squeeze3A : f32 to vector<16xf32>
      %mul3A_426 = arith.mulf %get3A_424, %mul3A_425 : vector<16xf32>
      %swap3A_427 = arith.index_cast %scan3A_116 : i32 to index
      %swap3A_428 = arith.constant 608 : index
      %swap3A_429 = tpu.vector_load %arg10[%swap3A_427, %swap3A_428] {strides = array<i32>} : memref<144x768xf32, #tpu.memory_space<vmem>>, vector<16xf32>,
      tpu.vector_store %arg10[%swap3A_427, %swap3A_428], %mul3A_426 {strides = array<i32>} : memref<144x768xf32, #tpu.memory_space<vmem>>, vector<16xf32>,
      %get3A_430 = arith.index_cast %scan3A_116 : i32 to index
      %get3A_431 = arith.constant 624 : index
      %get3A_432 = tpu.vector_load %arg10[%get3A_430, %get3A_431] {strides = array<i32>} : memref<144x768xf32, #tpu.memory_space<vmem>>, vector<16xf32>,
      %mul3A_433 = vector.broadcast %squeeze3A : f32 to vector<16xf32>
      %mul3A_434 = arith.mulf %get3A_432, %mul3A_433 : vector<16xf32>
      %swap3A_435 = arith.index_cast %scan3A_116 : i32 to index
      %swap3A_436 = arith.constant 624 : index
      %swap3A_437 = tpu.vector_load %arg10[%swap3A_435, %swap3A_436] {strides = array<i32>} : memref<144x768xf32, #tpu.memory_space<vmem>>, vector<16xf32>,
      tpu.vector_store %arg10[%swap3A_435, %swap3A_436], %mul3A_434 {strides = array<i32>} : memref<144x768xf32, #tpu.memory_space<vmem>>, vector<16xf32>,
      %get3A_438 = arith.index_cast %scan3A_116 : i32 to index
      %get3A_439 = arith.constant 640 : index
      %get3A_440 = tpu.vector_load %arg10[%get3A_438, %get3A_439] {strides = array<i32>} : memref<144x768xf32, #tpu.memory_space<vmem>>, vector<16xf32>,
      %mul3A_441 = vector.broadcast %squeeze3A : f32 to vector<16xf32>
      %mul3A_442 = arith.mulf %get3A_440, %mul3A_441 : vector<16xf32>
      %swap3A_443 = arith.index_cast %scan3A_116 : i32 to index
      %swap3A_444 = arith.constant 640 : index
      %swap3A_445 = tpu.vector_load %arg10[%swap3A_443, %swap3A_444] {strides = array<i32>} : memref<144x768xf32, #tpu.memory_space<vmem>>, vector<16xf32>,
      tpu.vector_store %arg10[%swap3A_443, %swap3A_444], %mul3A_442 {strides = array<i32>} : memref<144x768xf32, #tpu.memory_space<vmem>>, vector<16xf32>,
      %get3A_446 = arith.index_cast %scan3A_116 : i32 to index
      %get3A_447 = arith.constant 656 : index
      %get3A_448 = tpu.vector_load %arg10[%get3A_446, %get3A_447] {strides = array<i32>} : memref<144x768xf32, #tpu.memory_space<vmem>>, vector<16xf32>,
      %mul3A_449 = vector.broadcast %squeeze3A : f32 to vector<16xf32>
      %mul3A_450 = arith.mulf %get3A_448, %mul3A_449 : vector<16xf32>
      %swap3A_451 = arith.index_cast %scan3A_116 : i32 to index
      %swap3A_452 = arith.constant 656 : index
      %swap3A_453 = tpu.vector_load %arg10[%swap3A_451, %swap3A_452] {strides = array<i32>} : memref<144x768xf32, #tpu.memory_space<vmem>>, vector<16xf32>,
      tpu.vector_store %arg10[%swap3A_451, %swap3A_452], %mul3A_450 {strides = array<i32>} : memref<144x768xf32, #tpu.memory_space<vmem>>, vector<16xf32>,
      %get3A_454 = arith.index_cast %scan3A_116 : i32 to index
      %get3A_455 = arith.constant 672 : index
      %get3A_456 = tpu.vector_load %arg10[%get3A_454, %get3A_455] {strides = array<i32>} : memref<144x768xf32, #tpu.memory_space<vmem>>, vector<16xf32>,
      %mul3A_457 = vector.broadcast %squeeze3A : f32 to vector<16xf32>
      %mul3A_458 = arith.mulf %get3A_456, %mul3A_457 : vector<16xf32>
      %swap3A_459 = arith.index_cast %scan3A_116 : i32 to index
      %swap3A_460 = arith.constant 672 : index
      %swap3A_461 = tpu.vector_load %arg10[%swap3A_459, %swap3A_460] {strides = array<i32>} : memref<144x768xf32, #tpu.memory_space<vmem>>, vector<16xf32>,
      tpu.vector_store %arg10[%swap3A_459, %swap3A_460], %mul3A_458 {strides = array<i32>} : memref<144x768xf32, #tpu.memory_space<vmem>>, vector<16xf32>,
      %get3A_462 = arith.index_cast %scan3A_116 : i32 to index
      %get3A_463 = arith.constant 688 : index
      %get3A_464 = tpu.vector_load %arg10[%get3A_462, %get3A_463] {strides = array<i32>} : memref<144x768xf32, #tpu.memory_space<vmem>>, vector<16xf32>,
      %mul3A_465 = vector.broadcast %squeeze3A : f32 to vector<16xf32>
      %mul3A_466 = arith.mulf %get3A_464, %mul3A_465 : vector<16xf32>
      %swap3A_467 = arith.index_cast %scan3A_116 : i32 to index
      %swap3A_468 = arith.constant 688 : index
      %swap3A_469 = tpu.vector_load %arg10[%swap3A_467, %swap3A_468] {strides = array<i32>} : memref<144x768xf32, #tpu.memory_space<vmem>>, vector<16xf32>,
      tpu.vector_store %arg10[%swap3A_467, %swap3A_468], %mul3A_466 {strides = array<i32>} : memref<144x768xf32, #tpu.memory_space<vmem>>, vector<16xf32>,
      %get3A_470 = arith.index_cast %scan3A_116 : i32 to index
      %get3A_471 = arith.constant 704 : index
      %get3A_472 = tpu.vector_load %arg10[%get3A_470, %get3A_471] {strides = array<i32>} : memref<144x768xf32, #tpu.memory_space<vmem>>, vector<16xf32>,
      %mul3A_473 = vector.broadcast %squeeze3A : f32 to vector<16xf32>
      %mul3A_474 = arith.mulf %get3A_472, %mul3A_473 : vector<16xf32>
      %swap3A_475 = arith.index_cast %scan3A_116 : i32 to index
      %swap3A_476 = arith.constant 704 : index
      %swap3A_477 = tpu.vector_load %arg10[%swap3A_475, %swap3A_476] {strides = array<i32>} : memref<144x768xf32, #tpu.memory_space<vmem>>, vector<16xf32>,
      tpu.vector_store %arg10[%swap3A_475, %swap3A_476], %mul3A_474 {strides = array<i32>} : memref<144x768xf32, #tpu.memory_space<vmem>>, vector<16xf32>,
      %get3A_478 = arith.index_cast %scan3A_116 : i32 to index
      %get3A_479 = arith.constant 720 : index
      %get3A_480 = tpu.vector_load %arg10[%get3A_478, %get3A_479] {strides = array<i32>} : memref<144x768xf32, #tpu.memory_space<vmem>>, vector<16xf32>,
      %mul3A_481 = vector.broadcast %squeeze3A : f32 to vector<16xf32>
      %mul3A_482 = arith.mulf %get3A_480, %mul3A_481 : vector<16xf32>
      %swap3A_483 = arith.index_cast %scan3A_116 : i32 to index
      %swap3A_484 = arith.constant 720 : index
      %swap3A_485 = tpu.vector_load %arg10[%swap3A_483, %swap3A_484] {strides = array<i32>} : memref<144x768xf32, #tpu.memory_space<vmem>>, vector<16xf32>,
      tpu.vector_store %arg10[%swap3A_483, %swap3A_484], %mul3A_482 {strides = array<i32>} : memref<144x768xf32, #tpu.memory_space<vmem>>, vector<16xf32>,
      %get3A_486 = arith.index_cast %scan3A_116 : i32 to index
      %get3A_487 = arith.constant 736 : index
      %get3A_488 = tpu.vector_load %arg10[%get3A_486, %get3A_487] {strides = array<i32>} : memref<144x768xf32, #tpu.memory_space<vmem>>, vector<16xf32>,
      %mul3A_489 = vector.broadcast %squeeze3A : f32 to vector<16xf32>
      %mul3A_490 = arith.mulf %get3A_488, %mul3A_489 : vector<16xf32>
      %swap3A_491 = arith.index_cast %scan3A_116 : i32 to index
      %swap3A_492 = arith.constant 736 : index
      %swap3A_493 = tpu.vector_load %arg10[%swap3A_491, %swap3A_492] {strides = array<i32>} : memref<144x768xf32, #tpu.memory_space<vmem>>, vector<16xf32>,
      tpu.vector_store %arg10[%swap3A_491, %swap3A_492], %mul3A_490 {strides = array<i32>} : memref<144x768xf32, #tpu.memory_space<vmem>>, vector<16xf32>,
      %get3A_494 = arith.index_cast %scan3A_116 : i32 to index
      %get3A_495 = arith.constant 752 : index
      %get3A_496 = tpu.vector_load %arg10[%get3A_494, %get3A_495] {strides = array<i32>} : memref<144x768xf32, #tpu.memory_space<vmem>>, vector<16xf32>,
      %mul3A_497 = vector.broadcast %squeeze3A : f32 to vector<16xf32>
      %mul3A_498 = arith.mulf %get3A_496, %mul3A_497 : vector<16xf32>
      %swap3A_499 = arith.index_cast %scan3A_116 : i32 to index
      %swap3A_500 = arith.constant 752 : index
      %swap3A_501 = tpu.vector_load %arg10[%swap3A_499, %swap3A_500] {strides = array<i32>} : memref<144x768xf32, #tpu.memory_space<vmem>>, vector<16xf32>,
      tpu.vector_store %arg10[%swap3A_499, %swap3A_500], %mul3A_498 {strides = array<i32>} : memref<144x768xf32, #tpu.memory_space<vmem>>, vector<16xf32>,
      %scan3A_502 = arith.constant 0 : i32
      scf.yield %scan3A_502 : i32
    }
    %scan3A_54 = arith.constant 144 : i32
    %mul3A_55 = arith.constant 144 : i32
    %mul3A_56 = arith.muli %add3A_4, %mul3A_55 : i32
    "tpu.region"() ({
      %run_scoped3A = tpu.sem_alloc : memref<!tpu.dma_semaphore, #tpu.memory_space<semaphore_mem>>
      %dma_start3A_116 = arith.constant 0 : i32
      %dma_start3A_117 = tpu.memref_slice %arg5[%mul3A_56, %dma_start3A_116] : memref<9216x768xf32, #tpu.memory_space<hbm>> -> memref<144x768xf32, #tpu.memory_space<hbm>>
      %dma_start3A_118 = arith.constant 0 : i32
      %dma_start3A_119 = tpu.memref_slice %arg5[%mul3A_56, %dma_start3A_118] : memref<9216x768xf32, #tpu.memory_space<hbm>> -> memref<144x768xf32, #tpu.memory_space<hbm>>
      tpu.enqueue_dma source(%arg10 : memref<144x768xf32, #tpu.memory_space<vmem>>) target(%dma_start3A_119 : memref<144x768xf32, #tpu.memory_space<hbm>>) target_semaphore(%run_scoped3A : memref<!tpu.dma_semaphore, #tpu.memory_space<semaphore_mem>>)
      %dma_wait3A_120 = arith.constant 0 : i32
      %dma_wait3A_121 = tpu.memref_slice %arg5[%mul3A_56, %dma_wait3A_120] : memref<9216x768xf32, #tpu.memory_space<hbm>> -> memref<144x768xf32, #tpu.memory_space<hbm>>
      %dma_wait3A_122 = arith.constant 0 : i32
      %dma_wait3A_123 = tpu.memref_slice %arg5[%mul3A_56, %dma_wait3A_122] : memref<9216x768xf32, #tpu.memory_space<hbm>> -> memref<144x768xf32, #tpu.memory_space<hbm>>
      tpu.wait_dma2 semaphore(%run_scoped3A : memref<!tpu.dma_semaphore, #tpu.memory_space<semaphore_mem>>) src(%arg10 : memref<144x768xf32, #tpu.memory_space<vmem>>) dst(%dma_wait3A_123 : memref<144x768xf32, #tpu.memory_space<hbm>>)
      tpu.yield
    }) : () -> ()
    %mul3A_57 = arith.constant 2 : i32
    %mul3A_58 = arith.muli %add3A, %mul3A_57 : i32
    %add3A_59 = arith.constant 1 : i32
    %add3A_60 = arith.addi %mul3A_58, %add3A_59 : i32
    "tpu.region"() ({
      %run_scoped3A = tpu.sem_alloc : memref<!tpu.dma_semaphore, #tpu.memory_space<semaphore_mem>>
      %dma_start3A_116 = arith.constant 0 : i32
      %dma_start3A_117 = tpu.memref_slice %arg3[%add3A_60, %dma_start3A_116] : memref<64x576xi32, #tpu.memory_space<hbm>> -> memref<1x576xi32, #tpu.memory_space<hbm>>
      %dma_start3A_118 = tpu.memref_squeeze %dma_start3A_117 : memref<1x576xi32, #tpu.memory_space<hbm>> -> memref<576xi32, #tpu.memory_space<hbm>>
      %dma_start3A_119 = arith.constant 0 : i32
      %dma_start3A_120 = tpu.memref_slice %arg3[%add3A_60, %dma_start3A_119] : memref<64x576xi32, #tpu.memory_space<hbm>> -> memref<1x576xi32, #tpu.memory_space<hbm>>
      %dma_start3A_121 = tpu.memref_squeeze %dma_start3A_120 : memref<1x576xi32, #tpu.memory_space<hbm>> -> memref<576xi32, #tpu.memory_space<hbm>>
      tpu.enqueue_dma source(%dma_start3A_121 : memref<576xi32, #tpu.memory_space<hbm>>) target(%arg6 : memref<576xi32, #tpu.memory_space<vmem>>) target_semaphore(%run_scoped3A : memref<!tpu.dma_semaphore, #tpu.memory_space<semaphore_mem>>)
      %dma_wait3A_122 = arith.constant 0 : i32
      %dma_wait3A_123 = tpu.memref_slice %arg3[%add3A_60, %dma_wait3A_122] : memref<64x576xi32, #tpu.memory_space<hbm>> -> memref<1x576xi32, #tpu.memory_space<hbm>>
      %dma_wait3A_124 = tpu.memref_squeeze %dma_wait3A_123 : memref<1x576xi32, #tpu.memory_space<hbm>> -> memref<576xi32, #tpu.memory_space<hbm>>
      %dma_wait3A_125 = arith.constant 0 : i32
      %dma_wait3A_126 = tpu.memref_slice %arg3[%add3A_60, %dma_wait3A_125] : memref<64x576xi32, #tpu.memory_space<hbm>> -> memref<1x576xi32, #tpu.memory_space<hbm>>
      %dma_wait3A_127 = tpu.memref_squeeze %dma_wait3A_126 : memref<1x576xi32, #tpu.memory_space<hbm>> -> memref<576xi32, #tpu.memory_space<hbm>>
      tpu.wait_dma2 semaphore(%run_scoped3A : memref<!tpu.dma_semaphore, #tpu.memory_space<semaphore_mem>>) src(%dma_wait3A_127 : memref<576xi32, #tpu.memory_space<hbm>>) dst(%arg6 : memref<576xi32, #tpu.memory_space<vmem>>)
      tpu.yield
    }) : () -> ()
    "tpu.region"() ({
      %run_scoped3A = tpu.sem_alloc : memref<!tpu.dma_semaphore, #tpu.memory_space<semaphore_mem>>
      %dma_start3A_116 = arith.constant 0 : i32
      %dma_start3A_117 = tpu.memref_slice %arg4[%add3A_60, %dma_start3A_116] : memref<64x576xf32, #tpu.memory_space<hbm>> -> memref<1x576xf32, #tpu.memory_space<hbm>>
      %dma_start3A_118 = tpu.memref_squeeze %dma_start3A_117 : memref<1x576xf32, #tpu.memory_space<hbm>> -> memref<576xf32, #tpu.memory_space<hbm>>
      %dma_start3A_119 = arith.constant 0 : i32
      %dma_start3A_120 = tpu.memref_slice %arg4[%add3A_60, %dma_start3A_119] : memref<64x576xf32, #tpu.memory_space<hbm>> -> memref<1x576xf32, #tpu.memory_space<hbm>>
      %dma_start3A_121 = tpu.memref_squeeze %dma_start3A_120 : memref<1x576xf32, #tpu.memory_space<hbm>> -> memref<576xf32, #tpu.memory_space<hbm>>
      tpu.enqueue_dma source(%dma_start3A_121 : memref<576xf32, #tpu.memory_space<hbm>>) target(%arg7 : memref<576xf32, #tpu.memory_space<vmem>>) target_semaphore(%run_scoped3A : memref<!tpu.dma_semaphore, #tpu.memory_space<semaphore_mem>>)
      %dma_wait3A_122 = arith.constant 0 : i32
      %dma_wait3A_123 = tpu.memref_slice %arg4[%add3A_60, %dma_wait3A_122] : memref<64x576xf32, #tpu.memory_space<hbm>> -> memref<1x576xf32, #tpu.memory_space<hbm>>
      %dma_wait3A_124 = tpu.memref_squeeze %dma_wait3A_123 : memref<1x576xf32, #tpu.memory_space<hbm>> -> memref<576xf32, #tpu.memory_space<hbm>>
      %dma_wait3A_125 = arith.constant 0 : i32
      %dma_wait3A_126 = tpu.memref_slice %arg4[%add3A_60, %dma_wait3A_125] : memref<64x576xf32, #tpu.memory_space<hbm>> -> memref<1x576xf32, #tpu.memory_space<hbm>>
      %dma_wait3A_127 = tpu.memref_squeeze %dma_wait3A_126 : memref<1x576xf32, #tpu.memory_space<hbm>> -> memref<576xf32, #tpu.memory_space<hbm>>
      tpu.wait_dma2 semaphore(%run_scoped3A : memref<!tpu.dma_semaphore, #tpu.memory_space<semaphore_mem>>) src(%dma_wait3A_127 : memref<576xf32, #tpu.memory_space<hbm>>) dst(%arg7 : memref<576xf32, #tpu.memory_space<vmem>>)
      tpu.yield
    }) : () -> ()
    %scan3A_61 = arith.constant 0 : i32
    %scan3A_62 = arith.constant 0 : i32
    %scan3A_63 = arith.constant 36 : i32
    %scan3A_64 = arith.addi %scan3A_62, %scan3A_63 : i32
    %scan3A_65 = arith.constant 1 : i32
    %scan3A_66 = scf.for %scan3A_116 = %scan3A_62 to %scan3A_64 step %scan3A_65 iter_args(%scan3A_117 = %scan3A_61) -> (i32)  : i32 {
      %mul3A_118 = arith.constant 16 : i32
      %mul3A_119 = arith.muli %scan3A_116, %mul3A_118 : i32
      %get3A = arith.index_cast %mul3A_119 : i32 to index
      %get3A_120 = tpu.vector_load %arg6[%get3A] {strides = array<i32>} : memref<576xi32, #tpu.memory_space<vmem>>, vector<16xi32>,
      %ne3A = arith.constant 0 : i32
      %ne3A_121 = vector.broadcast %ne3A : i32 to vector<16xi32>
      %ne3A_122 = arith.cmpi ne, %get3A_120, %ne3A_121 : vector<16xi32>
      %broadcast_in_dim3A = arith.constant true
      %broadcast_in_dim3A_123 = vector.broadcast %broadcast_in_dim3A : i1 to vector<16xi1>
      %masked_cumsum3A = tpu.scan <sum>, %get3A_120 masked %broadcast_in_dim3A_123 : vector<16xi32>, vector<16xi1> -> vector<16xi32>
      %add3A_124 = vector.broadcast %scan3A_117 : i32 to vector<16xi32>
      %add3A_125 = arith.addi %add3A_124, %masked_cumsum3A : vector<16xi32>
      %sub3A = arith.constant 1 : i32
      %sub3A_126 = vector.broadcast %sub3A : i32 to vector<16xi32>
      %sub3A_127 = arith.subi %add3A_125, %sub3A_126 : vector<16xi32>
      %iota3A = tpu.iota {dimensions = array<i32: 0>} : vector<16xi32>
      %mul3A_128 = arith.constant 16 : i32
      %mul3A_129 = arith.muli %scan3A_116, %mul3A_128 : i32
      %mul3A_130 = arith.constant 576 : i32
      %mul3A_131 = arith.muli %add3A_60, %mul3A_130 : i32
      %add3A_132 = arith.addi %mul3A_129, %mul3A_131 : i32
      %add3A_133 = vector.broadcast %add3A_132 : i32 to vector<16xi32>
      %add3A_134 = arith.addi %iota3A, %add3A_133 : vector<16xi32>
      tpu.vector_store_idx %arg8[%sub3A_127], %add3A_134 masked %ne3A_122 : memref<144xi32, #tpu.memory_space<vmem>>[vector<16xi32>], vector<16xi32>, vector<16xi1>
      %reduce_sum3A = arith.constant true
      %reduce_sum3A_135 = vector.broadcast %reduce_sum3A : i1 to vector<16xi1>
      %reduce_sum3A_136 = tpu.scan <sum>, %get3A_120 masked %reduce_sum3A_135 : vector<16xi32>, vector<16xi1> -> vector<16xi32>
      %reduce_sum3A_137 = vector.extract %reduce_sum3A_136[15] : i32 from vector<16xi32>
      %add3A_138 = arith.addi %scan3A_117, %reduce_sum3A_137 : i32
      scf.yield %add3A_138 : i32
    }
    %scan3A_67 = arith.constant 36 : i32
    %scan3A_68 = arith.constant 0 : i32
    %scan3A_69 = arith.constant 0 : i32
    %scan3A_70 = arith.constant 9 : i32
    %scan3A_71 = arith.addi %scan3A_69, %scan3A_70 : i32
    %scan3A_72 = arith.constant 1 : i32
    %scan3A_73 = scf.for %scan3A_116 = %scan3A_69 to %scan3A_71 step %scan3A_72 iter_args(%scan3A_117 = %scan3A_68) -> (i32)  : i32 {
      %mul3A_118 = arith.constant 16 : i32
      %mul3A_119 = arith.muli %scan3A_116, %mul3A_118 : i32
      %get3A = arith.index_cast %mul3A_119 : i32 to index
      %get3A_120 = tpu.vector_load %arg8[%get3A] {strides = array<i32>} : memref<144xi32, #tpu.memory_space<vmem>>, vector<16xi32>,
      %mul3A_121 = arith.constant 576 : i32
      %mul3A_122 = arith.muli %add3A_60, %mul3A_121 : i32
      %sub3A = vector.broadcast %mul3A_122 : i32 to vector<16xi32>
      %sub3A_123 = arith.subi %get3A_120, %sub3A : vector<16xi32>
      %gather3A = tpu.vector_load_idx %arg7[%sub3A_123] : memref<576xf32, #tpu.memory_space<vmem>>[vector<16xi32>], vector<16xf32>,
      %mul3A_124 = arith.constant 16 : i32
      %mul3A_125 = arith.muli %scan3A_116, %mul3A_124 : i32
      %swap3A = arith.index_cast %mul3A_125 : i32 to index
      %swap3A_126 = tpu.vector_load %arg9[%swap3A] {strides = array<i32>} : memref<160xf32, #tpu.memory_space<vmem>>, vector<16xf32>,
      tpu.vector_store %arg9[%swap3A], %gather3A {strides = array<i32>} : memref<160xf32, #tpu.memory_space<vmem>>, vector<16xf32>,
      %scan3A_127 = arith.constant 0 : i32
      scf.yield %scan3A_127 : i32
    }
    %scan3A_74 = arith.constant 9 : i32
    %dma_start3A_75 = arith.constant 0 : i32
    %dma_start3A_76 = arith.constant 0 : i32
    %dma_start3A_77 = tpu.memref_slice %arg10[%dma_start3A_75, %dma_start3A_76] : memref<144x768xf32, #tpu.memory_space<vmem>> -> memref<72x768xf32, #tpu.memory_space<vmem>>
    %dma_start3A_78 = arith.constant 0 : i32
    %dma_start3A_79 = tpu.memref_slice %arg8[%dma_start3A_78] : memref<144xi32, #tpu.memory_space<vmem>> -> memref<72xi32, #tpu.memory_space<vmem>>
    %dma_start3A_80 = arith.constant 0 : i32
    %dma_start3A_81 = arith.constant 0 : i32
    %dma_start3A_82 = tpu.memref_slice %arg2[%dma_start3A_80, %dma_start3A_81] : memref<36864x768xf32, #tpu.memory_space<hbm>> -> memref<36864x768xf32, #tpu.memory_space<hbm>>
    tpu.enqueue_indirect_dma source(%dma_start3A_82 : memref<36864x768xf32, #tpu.memory_space<hbm>>) target(%dma_start3A_77 : memref<72x768xf32, #tpu.memory_space<vmem>>) offsets(%dma_start3A_79 : memref<72xi32, #tpu.memory_space<vmem>>) semaphore(%arg11 : memref<!tpu.dma_semaphore, #tpu.memory_space<semaphore_mem>>)
    %dma_start3A_83 = arith.constant 72 : i32
    %dma_start3A_84 = arith.constant 0 : i32
    %dma_start3A_85 = tpu.memref_slice %arg10[%dma_start3A_83, %dma_start3A_84] : memref<144x768xf32, #tpu.memory_space<vmem>> -> memref<72x768xf32, #tpu.memory_space<vmem>>
    %dma_start3A_86 = arith.constant 72 : i32
    %dma_start3A_87 = tpu.memref_slice %arg8[%dma_start3A_86] : memref<144xi32, #tpu.memory_space<vmem>> -> memref<72xi32, #tpu.memory_space<vmem>>
    %dma_start3A_88 = arith.constant 0 : i32
    %dma_start3A_89 = arith.constant 0 : i32
    %dma_start3A_90 = tpu.memref_slice %arg2[%dma_start3A_88, %dma_start3A_89] : memref<36864x768xf32, #tpu.memory_space<hbm>> -> memref<36864x768xf32, #tpu.memory_space<hbm>>
    tpu.enqueue_indirect_dma source(%dma_start3A_90 : memref<36864x768xf32, #tpu.memory_space<hbm>>) target(%dma_start3A_85 : memref<72x768xf32, #tpu.memory_space<vmem>>) offsets(%dma_start3A_87 : memref<72xi32, #tpu.memory_space<vmem>>) semaphore(%arg11 : memref<!tpu.dma_semaphore, #tpu.memory_space<semaphore_mem>>)
    %dma_wait3A_91 = arith.constant 0 : i32
    %dma_wait3A_92 = arith.constant 0 : i32
    %dma_wait3A_93 = tpu.memref_slice %arg10[%dma_wait3A_91, %dma_wait3A_92] : memref<144x768xf32, #tpu.memory_space<vmem>> -> memref<72x768xf32, #tpu.memory_space<vmem>>
    %dma_wait3A_94 = arith.constant 0 : i32
    %dma_wait3A_95 = tpu.memref_slice %arg8[%dma_wait3A_94] : memref<144xi32, #tpu.memory_space<vmem>> -> memref<72xi32, #tpu.memory_space<vmem>>
    %dma_wait3A_96 = arith.constant 0 : i32
    %dma_wait3A_97 = arith.constant 0 : i32
    %dma_wait3A_98 = tpu.memref_slice %arg2[%dma_wait3A_96, %dma_wait3A_97] : memref<36864x768xf32, #tpu.memory_space<hbm>> -> memref<36864x768xf32, #tpu.memory_space<hbm>>
    tpu.wait_indirect_dma semaphore(%arg11 : memref<!tpu.dma_semaphore, #tpu.memory_space<semaphore_mem>>) src(%dma_wait3A_98 : memref<36864x768xf32, #tpu.memory_space<hbm>>) dst(%dma_wait3A_93 : memref<72x768xf32, #tpu.memory_space<vmem>>)
    %dma_wait3A_99 = arith.constant 72 : i32
    %dma_wait3A_100 = arith.constant 0 : i32
    %dma_wait3A_101 = tpu.memref_slice %arg10[%dma_wait3A_99, %dma_wait3A_100] : memref<144x768xf32, #tpu.memory_space<vmem>> -> memref<72x768xf32, #tpu.memory_space<vmem>>
    %dma_wait3A_102 = arith.constant 72 : i32
    %dma_wait3A_103 = tpu.memref_slice %arg8[%dma_wait3A_102] : memref<144xi32, #tpu.memory_space<vmem>> -> memref<72xi32, #tpu.memory_space<vmem>>
    %dma_wait3A_104 = arith.constant 0 : i32
    %dma_wait3A_105 = arith.constant 0 : i32
    %dma_wait3A_106 = tpu.memref_slice %arg2[%dma_wait3A_104, %dma_wait3A_105] : memref<36864x768xf32, #tpu.memory_space<hbm>> -> memref<36864x768xf32, #tpu.memory_space<hbm>>
    tpu.wait_indirect_dma semaphore(%arg11 : memref<!tpu.dma_semaphore, #tpu.memory_space<semaphore_mem>>) src(%dma_wait3A_106 : memref<36864x768xf32, #tpu.memory_space<hbm>>) dst(%dma_wait3A_101 : memref<72x768xf32, #tpu.memory_space<vmem>>)
    %scan3A_107 = arith.constant 0 : i32
    %scan3A_108 = arith.constant 0 : i32
    %scan3A_109 = arith.constant 144 : i32
    %scan3A_110 = arith.addi %scan3A_108, %scan3A_109 : i32
    %scan3A_111 = arith.constant 1 : i32
    %scan3A_112 = scf.for %scan3A_116 = %scan3A_108 to %scan3A_110 step %scan3A_111 iter_args(%scan3A_117 = %scan3A_107) -> (i32)  : i32 {
      %get3A = arith.index_cast %scan3A_116 : i32 to index
      %get3A_118 = tpu.vector_load %arg9[%get3A] {strides = array<i32>} : memref<160xf32, #tpu.memory_space<vmem>>, vector<16xf32>,
      %slice3A = vector.extract_strided_slice %get3A_118 {offsets = [0], sizes = [1], strides = [1]} : vector<16xf32> to vector<1xf32>
      %squeeze3A = vector.extract %slice3A[0] : f32 from vector<1xf32>
      %get3A_119 = arith.index_cast %scan3A_116 : i32 to index
      %get3A_120 = arith.constant 0 : index
      %get3A_121 = tpu.vector_load %arg10[%get3A_119, %get3A_120] {strides = array<i32>} : memref<144x768xf32, #tpu.memory_space<vmem>>, vector<16xf32>,
      %mul3A_122 = vector.broadcast %squeeze3A : f32 to vector<16xf32>
      %mul3A_123 = arith.mulf %get3A_121, %mul3A_122 : vector<16xf32>
      %swap3A = arith.index_cast %scan3A_116 : i32 to index
      %swap3A_124 = arith.constant 0 : index
      %swap3A_125 = tpu.vector_load %arg10[%swap3A, %swap3A_124] {strides = array<i32>} : memref<144x768xf32, #tpu.memory_space<vmem>>, vector<16xf32>,
      tpu.vector_store %arg10[%swap3A, %swap3A_124], %mul3A_123 {strides = array<i32>} : memref<144x768xf32, #tpu.memory_space<vmem>>, vector<16xf32>,
      %get3A_126 = arith.index_cast %scan3A_116 : i32 to index
      %get3A_127 = arith.constant 16 : index
      %get3A_128 = tpu.vector_load %arg10[%get3A_126, %get3A_127] {strides = array<i32>} : memref<144x768xf32, #tpu.memory_space<vmem>>, vector<16xf32>,
      %mul3A_129 = vector.broadcast %squeeze3A : f32 to vector<16xf32>
      %mul3A_130 = arith.mulf %get3A_128, %mul3A_129 : vector<16xf32>
      %swap3A_131 = arith.index_cast %scan3A_116 : i32 to index
      %swap3A_132 = arith.constant 16 : index
      %swap3A_133 = tpu.vector_load %arg10[%swap3A_131, %swap3A_132] {strides = array<i32>} : memref<144x768xf32, #tpu.memory_space<vmem>>, vector<16xf32>,
      tpu.vector_store %arg10[%swap3A_131, %swap3A_132], %mul3A_130 {strides = array<i32>} : memref<144x768xf32, #tpu.memory_space<vmem>>, vector<16xf32>,
      %get3A_134 = arith.index_cast %scan3A_116 : i32 to index
      %get3A_135 = arith.constant 32 : index
      %get3A_136 = tpu.vector_load %arg10[%get3A_134, %get3A_135] {strides = array<i32>} : memref<144x768xf32, #tpu.memory_space<vmem>>, vector<16xf32>,
      %mul3A_137 = vector.broadcast %squeeze3A : f32 to vector<16xf32>
      %mul3A_138 = arith.mulf %get3A_136, %mul3A_137 : vector<16xf32>
      %swap3A_139 = arith.index_cast %scan3A_116 : i32 to index
      %swap3A_140 = arith.constant 32 : index
      %swap3A_141 = tpu.vector_load %arg10[%swap3A_139, %swap3A_140] {strides = array<i32>} : memref<144x768xf32, #tpu.memory_space<vmem>>, vector<16xf32>,
      tpu.vector_store %arg10[%swap3A_139, %swap3A_140], %mul3A_138 {strides = array<i32>} : memref<144x768xf32, #tpu.memory_space<vmem>>, vector<16xf32>,
      %get3A_142 = arith.index_cast %scan3A_116 : i32 to index
      %get3A_143 = arith.constant 48 : index
      %get3A_144 = tpu.vector_load %arg10[%get3A_142, %get3A_143] {strides = array<i32>} : memref<144x768xf32, #tpu.memory_space<vmem>>, vector<16xf32>,
      %mul3A_145 = vector.broadcast %squeeze3A : f32 to vector<16xf32>
      %mul3A_146 = arith.mulf %get3A_144, %mul3A_145 : vector<16xf32>
      %swap3A_147 = arith.index_cast %scan3A_116 : i32 to index
      %swap3A_148 = arith.constant 48 : index
      %swap3A_149 = tpu.vector_load %arg10[%swap3A_147, %swap3A_148] {strides = array<i32>} : memref<144x768xf32, #tpu.memory_space<vmem>>, vector<16xf32>,
      tpu.vector_store %arg10[%swap3A_147, %swap3A_148], %mul3A_146 {strides = array<i32>} : memref<144x768xf32, #tpu.memory_space<vmem>>, vector<16xf32>,
      %get3A_150 = arith.index_cast %scan3A_116 : i32 to index
      %get3A_151 = arith.constant 64 : index
      %get3A_152 = tpu.vector_load %arg10[%get3A_150, %get3A_151] {strides = array<i32>} : memref<144x768xf32, #tpu.memory_space<vmem>>, vector<16xf32>,
      %mul3A_153 = vector.broadcast %squeeze3A : f32 to vector<16xf32>
      %mul3A_154 = arith.mulf %get3A_152, %mul3A_153 : vector<16xf32>
      %swap3A_155 = arith.index_cast %scan3A_116 : i32 to index
      %swap3A_156 = arith.constant 64 : index
      %swap3A_157 = tpu.vector_load %arg10[%swap3A_155, %swap3A_156] {strides = array<i32>} : memref<144x768xf32, #tpu.memory_space<vmem>>, vector<16xf32>,
      tpu.vector_store %arg10[%swap3A_155, %swap3A_156], %mul3A_154 {strides = array<i32>} : memref<144x768xf32, #tpu.memory_space<vmem>>, vector<16xf32>,
      %get3A_158 = arith.index_cast %scan3A_116 : i32 to index
      %get3A_159 = arith.constant 80 : index
      %get3A_160 = tpu.vector_load %arg10[%get3A_158, %get3A_159] {strides = array<i32>} : memref<144x768xf32, #tpu.memory_space<vmem>>, vector<16xf32>,
      %mul3A_161 = vector.broadcast %squeeze3A : f32 to vector<16xf32>
      %mul3A_162 = arith.mulf %get3A_160, %mul3A_161 : vector<16xf32>
      %swap3A_163 = arith.index_cast %scan3A_116 : i32 to index
      %swap3A_164 = arith.constant 80 : index
      %swap3A_165 = tpu.vector_load %arg10[%swap3A_163, %swap3A_164] {strides = array<i32>} : memref<144x768xf32, #tpu.memory_space<vmem>>, vector<16xf32>,
      tpu.vector_store %arg10[%swap3A_163, %swap3A_164], %mul3A_162 {strides = array<i32>} : memref<144x768xf32, #tpu.memory_space<vmem>>, vector<16xf32>,
      %get3A_166 = arith.index_cast %scan3A_116 : i32 to index
      %get3A_167 = arith.constant 96 : index
      %get3A_168 = tpu.vector_load %arg10[%get3A_166, %get3A_167] {strides = array<i32>} : memref<144x768xf32, #tpu.memory_space<vmem>>, vector<16xf32>,
      %mul3A_169 = vector.broadcast %squeeze3A : f32 to vector<16xf32>
      %mul3A_170 = arith.mulf %get3A_168, %mul3A_169 : vector<16xf32>
      %swap3A_171 = arith.index_cast %scan3A_116 : i32 to index
      %swap3A_172 = arith.constant 96 : index
      %swap3A_173 = tpu.vector_load %arg10[%swap3A_171, %swap3A_172] {strides = array<i32>} : memref<144x768xf32, #tpu.memory_space<vmem>>, vector<16xf32>,
      tpu.vector_store %arg10[%swap3A_171, %swap3A_172], %mul3A_170 {strides = array<i32>} : memref<144x768xf32, #tpu.memory_space<vmem>>, vector<16xf32>,
      %get3A_174 = arith.index_cast %scan3A_116 : i32 to index
      %get3A_175 = arith.constant 112 : index
      %get3A_176 = tpu.vector_load %arg10[%get3A_174, %get3A_175] {strides = array<i32>} : memref<144x768xf32, #tpu.memory_space<vmem>>, vector<16xf32>,
      %mul3A_177 = vector.broadcast %squeeze3A : f32 to vector<16xf32>
      %mul3A_178 = arith.mulf %get3A_176, %mul3A_177 : vector<16xf32>
      %swap3A_179 = arith.index_cast %scan3A_116 : i32 to index
      %swap3A_180 = arith.constant 112 : index
      %swap3A_181 = tpu.vector_load %arg10[%swap3A_179, %swap3A_180] {strides = array<i32>} : memref<144x768xf32, #tpu.memory_space<vmem>>, vector<16xf32>,
      tpu.vector_store %arg10[%swap3A_179, %swap3A_180], %mul3A_178 {strides = array<i32>} : memref<144x768xf32, #tpu.memory_space<vmem>>, vector<16xf32>,
      %get3A_182 = arith.index_cast %scan3A_116 : i32 to index
      %get3A_183 = arith.constant 128 : index
      %get3A_184 = tpu.vector_load %arg10[%get3A_182, %get3A_183] {strides = array<i32>} : memref<144x768xf32, #tpu.memory_space<vmem>>, vector<16xf32>,
      %mul3A_185 = vector.broadcast %squeeze3A : f32 to vector<16xf32>
      %mul3A_186 = arith.mulf %get3A_184, %mul3A_185 : vector<16xf32>
      %swap3A_187 = arith.index_cast %scan3A_116 : i32 to index
      %swap3A_188 = arith.constant 128 : index
      %swap3A_189 = tpu.vector_load %arg10[%swap3A_187, %swap3A_188] {strides = array<i32>} : memref<144x768xf32, #tpu.memory_space<vmem>>, vector<16xf32>,
      tpu.vector_store %arg10[%swap3A_187, %swap3A_188], %mul3A_186 {strides = array<i32>} : memref<144x768xf32, #tpu.memory_space<vmem>>, vector<16xf32>,
      %get3A_190 = arith.index_cast %scan3A_116 : i32 to index
      %get3A_191 = arith.constant 144 : index
      %get3A_192 = tpu.vector_load %arg10[%get3A_190, %get3A_191] {strides = array<i32>} : memref<144x768xf32, #tpu.memory_space<vmem>>, vector<16xf32>,
      %mul3A_193 = vector.broadcast %squeeze3A : f32 to vector<16xf32>
      %mul3A_194 = arith.mulf %get3A_192, %mul3A_193 : vector<16xf32>
      %swap3A_195 = arith.index_cast %scan3A_116 : i32 to index
      %swap3A_196 = arith.constant 144 : index
      %swap3A_197 = tpu.vector_load %arg10[%swap3A_195, %swap3A_196] {strides = array<i32>} : memref<144x768xf32, #tpu.memory_space<vmem>>, vector<16xf32>,
      tpu.vector_store %arg10[%swap3A_195, %swap3A_196], %mul3A_194 {strides = array<i32>} : memref<144x768xf32, #tpu.memory_space<vmem>>, vector<16xf32>,
      %get3A_198 = arith.index_cast %scan3A_116 : i32 to index
      %get3A_199 = arith.constant 160 : index
      %get3A_200 = tpu.vector_load %arg10[%get3A_198, %get3A_199] {strides = array<i32>} : memref<144x768xf32, #tpu.memory_space<vmem>>, vector<16xf32>,
      %mul3A_201 = vector.broadcast %squeeze3A : f32 to vector<16xf32>
      %mul3A_202 = arith.mulf %get3A_200, %mul3A_201 : vector<16xf32>
      %swap3A_203 = arith.index_cast %scan3A_116 : i32 to index
      %swap3A_204 = arith.constant 160 : index
      %swap3A_205 = tpu.vector_load %arg10[%swap3A_203, %swap3A_204] {strides = array<i32>} : memref<144x768xf32, #tpu.memory_space<vmem>>, vector<16xf32>,
      tpu.vector_store %arg10[%swap3A_203, %swap3A_204], %mul3A_202 {strides = array<i32>} : memref<144x768xf32, #tpu.memory_space<vmem>>, vector<16xf32>,
      %get3A_206 = arith.index_cast %scan3A_116 : i32 to index
      %get3A_207 = arith.constant 176 : index
      %get3A_208 = tpu.vector_load %arg10[%get3A_206, %get3A_207] {strides = array<i32>} : memref<144x768xf32, #tpu.memory_space<vmem>>, vector<16xf32>,
      %mul3A_209 = vector.broadcast %squeeze3A : f32 to vector<16xf32>
      %mul3A_210 = arith.mulf %get3A_208, %mul3A_209 : vector<16xf32>
      %swap3A_211 = arith.index_cast %scan3A_116 : i32 to index
      %swap3A_212 = arith.constant 176 : index
      %swap3A_213 = tpu.vector_load %arg10[%swap3A_211, %swap3A_212] {strides = array<i32>} : memref<144x768xf32, #tpu.memory_space<vmem>>, vector<16xf32>,
      tpu.vector_store %arg10[%swap3A_211, %swap3A_212], %mul3A_210 {strides = array<i32>} : memref<144x768xf32, #tpu.memory_space<vmem>>, vector<16xf32>,
      %get3A_214 = arith.index_cast %scan3A_116 : i32 to index
      %get3A_215 = arith.constant 192 : index
      %get3A_216 = tpu.vector_load %arg10[%get3A_214, %get3A_215] {strides = array<i32>} : memref<144x768xf32, #tpu.memory_space<vmem>>, vector<16xf32>,
      %mul3A_217 = vector.broadcast %squeeze3A : f32 to vector<16xf32>
      %mul3A_218 = arith.mulf %get3A_216, %mul3A_217 : vector<16xf32>
      %swap3A_219 = arith.index_cast %scan3A_116 : i32 to index
      %swap3A_220 = arith.constant 192 : index
      %swap3A_221 = tpu.vector_load %arg10[%swap3A_219, %swap3A_220] {strides = array<i32>} : memref<144x768xf32, #tpu.memory_space<vmem>>, vector<16xf32>,
      tpu.vector_store %arg10[%swap3A_219, %swap3A_220], %mul3A_218 {strides = array<i32>} : memref<144x768xf32, #tpu.memory_space<vmem>>, vector<16xf32>,
      %get3A_222 = arith.index_cast %scan3A_116 : i32 to index
      %get3A_223 = arith.constant 208 : index
      %get3A_224 = tpu.vector_load %arg10[%get3A_222, %get3A_223] {strides = array<i32>} : memref<144x768xf32, #tpu.memory_space<vmem>>, vector<16xf32>,
      %mul3A_225 = vector.broadcast %squeeze3A : f32 to vector<16xf32>
      %mul3A_226 = arith.mulf %get3A_224, %mul3A_225 : vector<16xf32>
      %swap3A_227 = arith.index_cast %scan3A_116 : i32 to index
      %swap3A_228 = arith.constant 208 : index
      %swap3A_229 = tpu.vector_load %arg10[%swap3A_227, %swap3A_228] {strides = array<i32>} : memref<144x768xf32, #tpu.memory_space<vmem>>, vector<16xf32>,
      tpu.vector_store %arg10[%swap3A_227, %swap3A_228], %mul3A_226 {strides = array<i32>} : memref<144x768xf32, #tpu.memory_space<vmem>>, vector<16xf32>,
      %get3A_230 = arith.index_cast %scan3A_116 : i32 to index
      %get3A_231 = arith.constant 224 : index
      %get3A_232 = tpu.vector_load %arg10[%get3A_230, %get3A_231] {strides = array<i32>} : memref<144x768xf32, #tpu.memory_space<vmem>>, vector<16xf32>,
      %mul3A_233 = vector.broadcast %squeeze3A : f32 to vector<16xf32>
      %mul3A_234 = arith.mulf %get3A_232, %mul3A_233 : vector<16xf32>
      %swap3A_235 = arith.index_cast %scan3A_116 : i32 to index
      %swap3A_236 = arith.constant 224 : index
      %swap3A_237 = tpu.vector_load %arg10[%swap3A_235, %swap3A_236] {strides = array<i32>} : memref<144x768xf32, #tpu.memory_space<vmem>>, vector<16xf32>,
      tpu.vector_store %arg10[%swap3A_235, %swap3A_236], %mul3A_234 {strides = array<i32>} : memref<144x768xf32, #tpu.memory_space<vmem>>, vector<16xf32>,
      %get3A_238 = arith.index_cast %scan3A_116 : i32 to index
      %get3A_239 = arith.constant 240 : index
      %get3A_240 = tpu.vector_load %arg10[%get3A_238, %get3A_239] {strides = array<i32>} : memref<144x768xf32, #tpu.memory_space<vmem>>, vector<16xf32>,
      %mul3A_241 = vector.broadcast %squeeze3A : f32 to vector<16xf32>
      %mul3A_242 = arith.mulf %get3A_240, %mul3A_241 : vector<16xf32>
      %swap3A_243 = arith.index_cast %scan3A_116 : i32 to index
      %swap3A_244 = arith.constant 240 : index
      %swap3A_245 = tpu.vector_load %arg10[%swap3A_243, %swap3A_244] {strides = array<i32>} : memref<144x768xf32, #tpu.memory_space<vmem>>, vector<16xf32>,
      tpu.vector_store %arg10[%swap3A_243, %swap3A_244], %mul3A_242 {strides = array<i32>} : memref<144x768xf32, #tpu.memory_space<vmem>>, vector<16xf32>,
      %get3A_246 = arith.index_cast %scan3A_116 : i32 to index
      %get3A_247 = arith.constant 256 : index
      %get3A_248 = tpu.vector_load %arg10[%get3A_246, %get3A_247] {strides = array<i32>} : memref<144x768xf32, #tpu.memory_space<vmem>>, vector<16xf32>,
      %mul3A_249 = vector.broadcast %squeeze3A : f32 to vector<16xf32>
      %mul3A_250 = arith.mulf %get3A_248, %mul3A_249 : vector<16xf32>
      %swap3A_251 = arith.index_cast %scan3A_116 : i32 to index
      %swap3A_252 = arith.constant 256 : index
      %swap3A_253 = tpu.vector_load %arg10[%swap3A_251, %swap3A_252] {strides = array<i32>} : memref<144x768xf32, #tpu.memory_space<vmem>>, vector<16xf32>,
      tpu.vector_store %arg10[%swap3A_251, %swap3A_252], %mul3A_250 {strides = array<i32>} : memref<144x768xf32, #tpu.memory_space<vmem>>, vector<16xf32>,
      %get3A_254 = arith.index_cast %scan3A_116 : i32 to index
      %get3A_255 = arith.constant 272 : index
      %get3A_256 = tpu.vector_load %arg10[%get3A_254, %get3A_255] {strides = array<i32>} : memref<144x768xf32, #tpu.memory_space<vmem>>, vector<16xf32>,
      %mul3A_257 = vector.broadcast %squeeze3A : f32 to vector<16xf32>
      %mul3A_258 = arith.mulf %get3A_256, %mul3A_257 : vector<16xf32>
      %swap3A_259 = arith.index_cast %scan3A_116 : i32 to index
      %swap3A_260 = arith.constant 272 : index
      %swap3A_261 = tpu.vector_load %arg10[%swap3A_259, %swap3A_260] {strides = array<i32>} : memref<144x768xf32, #tpu.memory_space<vmem>>, vector<16xf32>,
      tpu.vector_store %arg10[%swap3A_259, %swap3A_260], %mul3A_258 {strides = array<i32>} : memref<144x768xf32, #tpu.memory_space<vmem>>, vector<16xf32>,
      %get3A_262 = arith.index_cast %scan3A_116 : i32 to index
      %get3A_263 = arith.constant 288 : index
      %get3A_264 = tpu.vector_load %arg10[%get3A_262, %get3A_263] {strides = array<i32>} : memref<144x768xf32, #tpu.memory_space<vmem>>, vector<16xf32>,
      %mul3A_265 = vector.broadcast %squeeze3A : f32 to vector<16xf32>
      %mul3A_266 = arith.mulf %get3A_264, %mul3A_265 : vector<16xf32>
      %swap3A_267 = arith.index_cast %scan3A_116 : i32 to index
      %swap3A_268 = arith.constant 288 : index
      %swap3A_269 = tpu.vector_load %arg10[%swap3A_267, %swap3A_268] {strides = array<i32>} : memref<144x768xf32, #tpu.memory_space<vmem>>, vector<16xf32>,
      tpu.vector_store %arg10[%swap3A_267, %swap3A_268], %mul3A_266 {strides = array<i32>} : memref<144x768xf32, #tpu.memory_space<vmem>>, vector<16xf32>,
      %get3A_270 = arith.index_cast %scan3A_116 : i32 to index
      %get3A_271 = arith.constant 304 : index
      %get3A_272 = tpu.vector_load %arg10[%get3A_270, %get3A_271] {strides = array<i32>} : memref<144x768xf32, #tpu.memory_space<vmem>>, vector<16xf32>,
      %mul3A_273 = vector.broadcast %squeeze3A : f32 to vector<16xf32>
      %mul3A_274 = arith.mulf %get3A_272, %mul3A_273 : vector<16xf32>
      %swap3A_275 = arith.index_cast %scan3A_116 : i32 to index
      %swap3A_276 = arith.constant 304 : index
      %swap3A_277 = tpu.vector_load %arg10[%swap3A_275, %swap3A_276] {strides = array<i32>} : memref<144x768xf32, #tpu.memory_space<vmem>>, vector<16xf32>,
      tpu.vector_store %arg10[%swap3A_275, %swap3A_276], %mul3A_274 {strides = array<i32>} : memref<144x768xf32, #tpu.memory_space<vmem>>, vector<16xf32>,
      %get3A_278 = arith.index_cast %scan3A_116 : i32 to index
      %get3A_279 = arith.constant 320 : index
      %get3A_280 = tpu.vector_load %arg10[%get3A_278, %get3A_279] {strides = array<i32>} : memref<144x768xf32, #tpu.memory_space<vmem>>, vector<16xf32>,
      %mul3A_281 = vector.broadcast %squeeze3A : f32 to vector<16xf32>
      %mul3A_282 = arith.mulf %get3A_280, %mul3A_281 : vector<16xf32>
      %swap3A_283 = arith.index_cast %scan3A_116 : i32 to index
      %swap3A_284 = arith.constant 320 : index
      %swap3A_285 = tpu.vector_load %arg10[%swap3A_283, %swap3A_284] {strides = array<i32>} : memref<144x768xf32, #tpu.memory_space<vmem>>, vector<16xf32>,
      tpu.vector_store %arg10[%swap3A_283, %swap3A_284], %mul3A_282 {strides = array<i32>} : memref<144x768xf32, #tpu.memory_space<vmem>>, vector<16xf32>,
      %get3A_286 = arith.index_cast %scan3A_116 : i32 to index
      %get3A_287 = arith.constant 336 : index
      %get3A_288 = tpu.vector_load %arg10[%get3A_286, %get3A_287] {strides = array<i32>} : memref<144x768xf32, #tpu.memory_space<vmem>>, vector<16xf32>,
      %mul3A_289 = vector.broadcast %squeeze3A : f32 to vector<16xf32>
      %mul3A_290 = arith.mulf %get3A_288, %mul3A_289 : vector<16xf32>
      %swap3A_291 = arith.index_cast %scan3A_116 : i32 to index
      %swap3A_292 = arith.constant 336 : index
      %swap3A_293 = tpu.vector_load %arg10[%swap3A_291, %swap3A_292] {strides = array<i32>} : memref<144x768xf32, #tpu.memory_space<vmem>>, vector<16xf32>,
      tpu.vector_store %arg10[%swap3A_291, %swap3A_292], %mul3A_290 {strides = array<i32>} : memref<144x768xf32, #tpu.memory_space<vmem>>, vector<16xf32>,
      %get3A_294 = arith.index_cast %scan3A_116 : i32 to index
      %get3A_295 = arith.constant 352 : index
      %get3A_296 = tpu.vector_load %arg10[%get3A_294, %get3A_295] {strides = array<i32>} : memref<144x768xf32, #tpu.memory_space<vmem>>, vector<16xf32>,
      %mul3A_297 = vector.broadcast %squeeze3A : f32 to vector<16xf32>
      %mul3A_298 = arith.mulf %get3A_296, %mul3A_297 : vector<16xf32>
      %swap3A_299 = arith.index_cast %scan3A_116 : i32 to index
      %swap3A_300 = arith.constant 352 : index
      %swap3A_301 = tpu.vector_load %arg10[%swap3A_299, %swap3A_300] {strides = array<i32>} : memref<144x768xf32, #tpu.memory_space<vmem>>, vector<16xf32>,
      tpu.vector_store %arg10[%swap3A_299, %swap3A_300], %mul3A_298 {strides = array<i32>} : memref<144x768xf32, #tpu.memory_space<vmem>>, vector<16xf32>,
      %get3A_302 = arith.index_cast %scan3A_116 : i32 to index
      %get3A_303 = arith.constant 368 : index
      %get3A_304 = tpu.vector_load %arg10[%get3A_302, %get3A_303] {strides = array<i32>} : memref<144x768xf32, #tpu.memory_space<vmem>>, vector<16xf32>,
      %mul3A_305 = vector.broadcast %squeeze3A : f32 to vector<16xf32>
      %mul3A_306 = arith.mulf %get3A_304, %mul3A_305 : vector<16xf32>
      %swap3A_307 = arith.index_cast %scan3A_116 : i32 to index
      %swap3A_308 = arith.constant 368 : index
      %swap3A_309 = tpu.vector_load %arg10[%swap3A_307, %swap3A_308] {strides = array<i32>} : memref<144x768xf32, #tpu.memory_space<vmem>>, vector<16xf32>,
      tpu.vector_store %arg10[%swap3A_307, %swap3A_308], %mul3A_306 {strides = array<i32>} : memref<144x768xf32, #tpu.memory_space<vmem>>, vector<16xf32>,
      %get3A_310 = arith.index_cast %scan3A_116 : i32 to index
      %get3A_311 = arith.constant 384 : index
      %get3A_312 = tpu.vector_load %arg10[%get3A_310, %get3A_311] {strides = array<i32>} : memref<144x768xf32, #tpu.memory_space<vmem>>, vector<16xf32>,
      %mul3A_313 = vector.broadcast %squeeze3A : f32 to vector<16xf32>
      %mul3A_314 = arith.mulf %get3A_312, %mul3A_313 : vector<16xf32>
      %swap3A_315 = arith.index_cast %scan3A_116 : i32 to index
      %swap3A_316 = arith.constant 384 : index
      %swap3A_317 = tpu.vector_load %arg10[%swap3A_315, %swap3A_316] {strides = array<i32>} : memref<144x768xf32, #tpu.memory_space<vmem>>, vector<16xf32>,
      tpu.vector_store %arg10[%swap3A_315, %swap3A_316], %mul3A_314 {strides = array<i32>} : memref<144x768xf32, #tpu.memory_space<vmem>>, vector<16xf32>,
      %get3A_318 = arith.index_cast %scan3A_116 : i32 to index
      %get3A_319 = arith.constant 400 : index
      %get3A_320 = tpu.vector_load %arg10[%get3A_318, %get3A_319] {strides = array<i32>} : memref<144x768xf32, #tpu.memory_space<vmem>>, vector<16xf32>,
      %mul3A_321 = vector.broadcast %squeeze3A : f32 to vector<16xf32>
      %mul3A_322 = arith.mulf %get3A_320, %mul3A_321 : vector<16xf32>
      %swap3A_323 = arith.index_cast %scan3A_116 : i32 to index
      %swap3A_324 = arith.constant 400 : index
      %swap3A_325 = tpu.vector_load %arg10[%swap3A_323, %swap3A_324] {strides = array<i32>} : memref<144x768xf32, #tpu.memory_space<vmem>>, vector<16xf32>,
      tpu.vector_store %arg10[%swap3A_323, %swap3A_324], %mul3A_322 {strides = array<i32>} : memref<144x768xf32, #tpu.memory_space<vmem>>, vector<16xf32>,
      %get3A_326 = arith.index_cast %scan3A_116 : i32 to index
      %get3A_327 = arith.constant 416 : index
      %get3A_328 = tpu.vector_load %arg10[%get3A_326, %get3A_327] {strides = array<i32>} : memref<144x768xf32, #tpu.memory_space<vmem>>, vector<16xf32>,
      %mul3A_329 = vector.broadcast %squeeze3A : f32 to vector<16xf32>
      %mul3A_330 = arith.mulf %get3A_328, %mul3A_329 : vector<16xf32>
      %swap3A_331 = arith.index_cast %scan3A_116 : i32 to index
      %swap3A_332 = arith.constant 416 : index
      %swap3A_333 = tpu.vector_load %arg10[%swap3A_331, %swap3A_332] {strides = array<i32>} : memref<144x768xf32, #tpu.memory_space<vmem>>, vector<16xf32>,
      tpu.vector_store %arg10[%swap3A_331, %swap3A_332], %mul3A_330 {strides = array<i32>} : memref<144x768xf32, #tpu.memory_space<vmem>>, vector<16xf32>,
      %get3A_334 = arith.index_cast %scan3A_116 : i32 to index
      %get3A_335 = arith.constant 432 : index
      %get3A_336 = tpu.vector_load %arg10[%get3A_334, %get3A_335] {strides = array<i32>} : memref<144x768xf32, #tpu.memory_space<vmem>>, vector<16xf32>,
      %mul3A_337 = vector.broadcast %squeeze3A : f32 to vector<16xf32>
      %mul3A_338 = arith.mulf %get3A_336, %mul3A_337 : vector<16xf32>
      %swap3A_339 = arith.index_cast %scan3A_116 : i32 to index
      %swap3A_340 = arith.constant 432 : index
      %swap3A_341 = tpu.vector_load %arg10[%swap3A_339, %swap3A_340] {strides = array<i32>} : memref<144x768xf32, #tpu.memory_space<vmem>>, vector<16xf32>,
      tpu.vector_store %arg10[%swap3A_339, %swap3A_340], %mul3A_338 {strides = array<i32>} : memref<144x768xf32, #tpu.memory_space<vmem>>, vector<16xf32>,
      %get3A_342 = arith.index_cast %scan3A_116 : i32 to index
      %get3A_343 = arith.constant 448 : index
      %get3A_344 = tpu.vector_load %arg10[%get3A_342, %get3A_343] {strides = array<i32>} : memref<144x768xf32, #tpu.memory_space<vmem>>, vector<16xf32>,
      %mul3A_345 = vector.broadcast %squeeze3A : f32 to vector<16xf32>
      %mul3A_346 = arith.mulf %get3A_344, %mul3A_345 : vector<16xf32>
      %swap3A_347 = arith.index_cast %scan3A_116 : i32 to index
      %swap3A_348 = arith.constant 448 : index
      %swap3A_349 = tpu.vector_load %arg10[%swap3A_347, %swap3A_348] {strides = array<i32>} : memref<144x768xf32, #tpu.memory_space<vmem>>, vector<16xf32>,
      tpu.vector_store %arg10[%swap3A_347, %swap3A_348], %mul3A_346 {strides = array<i32>} : memref<144x768xf32, #tpu.memory_space<vmem>>, vector<16xf32>,
      %get3A_350 = arith.index_cast %scan3A_116 : i32 to index
      %get3A_351 = arith.constant 464 : index
      %get3A_352 = tpu.vector_load %arg10[%get3A_350, %get3A_351] {strides = array<i32>} : memref<144x768xf32, #tpu.memory_space<vmem>>, vector<16xf32>,
      %mul3A_353 = vector.broadcast %squeeze3A : f32 to vector<16xf32>
      %mul3A_354 = arith.mulf %get3A_352, %mul3A_353 : vector<16xf32>
      %swap3A_355 = arith.index_cast %scan3A_116 : i32 to index
      %swap3A_356 = arith.constant 464 : index
      %swap3A_357 = tpu.vector_load %arg10[%swap3A_355, %swap3A_356] {strides = array<i32>} : memref<144x768xf32, #tpu.memory_space<vmem>>, vector<16xf32>,
      tpu.vector_store %arg10[%swap3A_355, %swap3A_356], %mul3A_354 {strides = array<i32>} : memref<144x768xf32, #tpu.memory_space<vmem>>, vector<16xf32>,
      %get3A_358 = arith.index_cast %scan3A_116 : i32 to index
      %get3A_359 = arith.constant 480 : index
      %get3A_360 = tpu.vector_load %arg10[%get3A_358, %get3A_359] {strides = array<i32>} : memref<144x768xf32, #tpu.memory_space<vmem>>, vector<16xf32>,
      %mul3A_361 = vector.broadcast %squeeze3A : f32 to vector<16xf32>
      %mul3A_362 = arith.mulf %get3A_360, %mul3A_361 : vector<16xf32>
      %swap3A_363 = arith.index_cast %scan3A_116 : i32 to index
      %swap3A_364 = arith.constant 480 : index
      %swap3A_365 = tpu.vector_load %arg10[%swap3A_363, %swap3A_364] {strides = array<i32>} : memref<144x768xf32, #tpu.memory_space<vmem>>, vector<16xf32>,
      tpu.vector_store %arg10[%swap3A_363, %swap3A_364], %mul3A_362 {strides = array<i32>} : memref<144x768xf32, #tpu.memory_space<vmem>>, vector<16xf32>,
      %get3A_366 = arith.index_cast %scan3A_116 : i32 to index
      %get3A_367 = arith.constant 496 : index
      %get3A_368 = tpu.vector_load %arg10[%get3A_366, %get3A_367] {strides = array<i32>} : memref<144x768xf32, #tpu.memory_space<vmem>>, vector<16xf32>,
      %mul3A_369 = vector.broadcast %squeeze3A : f32 to vector<16xf32>
      %mul3A_370 = arith.mulf %get3A_368, %mul3A_369 : vector<16xf32>
      %swap3A_371 = arith.index_cast %scan3A_116 : i32 to index
      %swap3A_372 = arith.constant 496 : index
      %swap3A_373 = tpu.vector_load %arg10[%swap3A_371, %swap3A_372] {strides = array<i32>} : memref<144x768xf32, #tpu.memory_space<vmem>>, vector<16xf32>,
      tpu.vector_store %arg10[%swap3A_371, %swap3A_372], %mul3A_370 {strides = array<i32>} : memref<144x768xf32, #tpu.memory_space<vmem>>, vector<16xf32>,
      %get3A_374 = arith.index_cast %scan3A_116 : i32 to index
      %get3A_375 = arith.constant 512 : index
      %get3A_376 = tpu.vector_load %arg10[%get3A_374, %get3A_375] {strides = array<i32>} : memref<144x768xf32, #tpu.memory_space<vmem>>, vector<16xf32>,
      %mul3A_377 = vector.broadcast %squeeze3A : f32 to vector<16xf32>
      %mul3A_378 = arith.mulf %get3A_376, %mul3A_377 : vector<16xf32>
      %swap3A_379 = arith.index_cast %scan3A_116 : i32 to index
      %swap3A_380 = arith.constant 512 : index
      %swap3A_381 = tpu.vector_load %arg10[%swap3A_379, %swap3A_380] {strides = array<i32>} : memref<144x768xf32, #tpu.memory_space<vmem>>, vector<16xf32>,
      tpu.vector_store %arg10[%swap3A_379, %swap3A_380], %mul3A_378 {strides = array<i32>} : memref<144x768xf32, #tpu.memory_space<vmem>>, vector<16xf32>,
      %get3A_382 = arith.index_cast %scan3A_116 : i32 to index
      %get3A_383 = arith.constant 528 : index
      %get3A_384 = tpu.vector_load %arg10[%get3A_382, %get3A_383] {strides = array<i32>} : memref<144x768xf32, #tpu.memory_space<vmem>>, vector<16xf32>,
      %mul3A_385 = vector.broadcast %squeeze3A : f32 to vector<16xf32>
      %mul3A_386 = arith.mulf %get3A_384, %mul3A_385 : vector<16xf32>
      %swap3A_387 = arith.index_cast %scan3A_116 : i32 to index
      %swap3A_388 = arith.constant 528 : index
      %swap3A_389 = tpu.vector_load %arg10[%swap3A_387, %swap3A_388] {strides = array<i32>} : memref<144x768xf32, #tpu.memory_space<vmem>>, vector<16xf32>,
      tpu.vector_store %arg10[%swap3A_387, %swap3A_388], %mul3A_386 {strides = array<i32>} : memref<144x768xf32, #tpu.memory_space<vmem>>, vector<16xf32>,
      %get3A_390 = arith.index_cast %scan3A_116 : i32 to index
      %get3A_391 = arith.constant 544 : index
      %get3A_392 = tpu.vector_load %arg10[%get3A_390, %get3A_391] {strides = array<i32>} : memref<144x768xf32, #tpu.memory_space<vmem>>, vector<16xf32>,
      %mul3A_393 = vector.broadcast %squeeze3A : f32 to vector<16xf32>
      %mul3A_394 = arith.mulf %get3A_392, %mul3A_393 : vector<16xf32>
      %swap3A_395 = arith.index_cast %scan3A_116 : i32 to index
      %swap3A_396 = arith.constant 544 : index
      %swap3A_397 = tpu.vector_load %arg10[%swap3A_395, %swap3A_396] {strides = array<i32>} : memref<144x768xf32, #tpu.memory_space<vmem>>, vector<16xf32>,
      tpu.vector_store %arg10[%swap3A_395, %swap3A_396], %mul3A_394 {strides = array<i32>} : memref<144x768xf32, #tpu.memory_space<vmem>>, vector<16xf32>,
      %get3A_398 = arith.index_cast %scan3A_116 : i32 to index
      %get3A_399 = arith.constant 560 : index
      %get3A_400 = tpu.vector_load %arg10[%get3A_398, %get3A_399] {strides = array<i32>} : memref<144x768xf32, #tpu.memory_space<vmem>>, vector<16xf32>,
      %mul3A_401 = vector.broadcast %squeeze3A : f32 to vector<16xf32>
      %mul3A_402 = arith.mulf %get3A_400, %mul3A_401 : vector<16xf32>
      %swap3A_403 = arith.index_cast %scan3A_116 : i32 to index
      %swap3A_404 = arith.constant 560 : index
      %swap3A_405 = tpu.vector_load %arg10[%swap3A_403, %swap3A_404] {strides = array<i32>} : memref<144x768xf32, #tpu.memory_space<vmem>>, vector<16xf32>,
      tpu.vector_store %arg10[%swap3A_403, %swap3A_404], %mul3A_402 {strides = array<i32>} : memref<144x768xf32, #tpu.memory_space<vmem>>, vector<16xf32>,
      %get3A_406 = arith.index_cast %scan3A_116 : i32 to index
      %get3A_407 = arith.constant 576 : index
      %get3A_408 = tpu.vector_load %arg10[%get3A_406, %get3A_407] {strides = array<i32>} : memref<144x768xf32, #tpu.memory_space<vmem>>, vector<16xf32>,
      %mul3A_409 = vector.broadcast %squeeze3A : f32 to vector<16xf32>
      %mul3A_410 = arith.mulf %get3A_408, %mul3A_409 : vector<16xf32>
      %swap3A_411 = arith.index_cast %scan3A_116 : i32 to index
      %swap3A_412 = arith.constant 576 : index
      %swap3A_413 = tpu.vector_load %arg10[%swap3A_411, %swap3A_412] {strides = array<i32>} : memref<144x768xf32, #tpu.memory_space<vmem>>, vector<16xf32>,
      tpu.vector_store %arg10[%swap3A_411, %swap3A_412], %mul3A_410 {strides = array<i32>} : memref<144x768xf32, #tpu.memory_space<vmem>>, vector<16xf32>,
      %get3A_414 = arith.index_cast %scan3A_116 : i32 to index
      %get3A_415 = arith.constant 592 : index
      %get3A_416 = tpu.vector_load %arg10[%get3A_414, %get3A_415] {strides = array<i32>} : memref<144x768xf32, #tpu.memory_space<vmem>>, vector<16xf32>,
      %mul3A_417 = vector.broadcast %squeeze3A : f32 to vector<16xf32>
      %mul3A_418 = arith.mulf %get3A_416, %mul3A_417 : vector<16xf32>
      %swap3A_419 = arith.index_cast %scan3A_116 : i32 to index
      %swap3A_420 = arith.constant 592 : index
      %swap3A_421 = tpu.vector_load %arg10[%swap3A_419, %swap3A_420] {strides = array<i32>} : memref<144x768xf32, #tpu.memory_space<vmem>>, vector<16xf32>,
      tpu.vector_store %arg10[%swap3A_419, %swap3A_420], %mul3A_418 {strides = array<i32>} : memref<144x768xf32, #tpu.memory_space<vmem>>, vector<16xf32>,
      %get3A_422 = arith.index_cast %scan3A_116 : i32 to index
      %get3A_423 = arith.constant 608 : index
      %get3A_424 = tpu.vector_load %arg10[%get3A_422, %get3A_423] {strides = array<i32>} : memref<144x768xf32, #tpu.memory_space<vmem>>, vector<16xf32>,
      %mul3A_425 = vector.broadcast %squeeze3A : f32 to vector<16xf32>
      %mul3A_426 = arith.mulf %get3A_424, %mul3A_425 : vector<16xf32>
      %swap3A_427 = arith.index_cast %scan3A_116 : i32 to index
      %swap3A_428 = arith.constant 608 : index
      %swap3A_429 = tpu.vector_load %arg10[%swap3A_427, %swap3A_428] {strides = array<i32>} : memref<144x768xf32, #tpu.memory_space<vmem>>, vector<16xf32>,
      tpu.vector_store %arg10[%swap3A_427, %swap3A_428], %mul3A_426 {strides = array<i32>} : memref<144x768xf32, #tpu.memory_space<vmem>>, vector<16xf32>,
      %get3A_430 = arith.index_cast %scan3A_116 : i32 to index
      %get3A_431 = arith.constant 624 : index
      %get3A_432 = tpu.vector_load %arg10[%get3A_430, %get3A_431] {strides = array<i32>} : memref<144x768xf32, #tpu.memory_space<vmem>>, vector<16xf32>,
      %mul3A_433 = vector.broadcast %squeeze3A : f32 to vector<16xf32>
      %mul3A_434 = arith.mulf %get3A_432, %mul3A_433 : vector<16xf32>
      %swap3A_435 = arith.index_cast %scan3A_116 : i32 to index
      %swap3A_436 = arith.constant 624 : index
      %swap3A_437 = tpu.vector_load %arg10[%swap3A_435, %swap3A_436] {strides = array<i32>} : memref<144x768xf32, #tpu.memory_space<vmem>>, vector<16xf32>,
      tpu.vector_store %arg10[%swap3A_435, %swap3A_436], %mul3A_434 {strides = array<i32>} : memref<144x768xf32, #tpu.memory_space<vmem>>, vector<16xf32>,
      %get3A_438 = arith.index_cast %scan3A_116 : i32 to index
      %get3A_439 = arith.constant 640 : index
      %get3A_440 = tpu.vector_load %arg10[%get3A_438, %get3A_439] {strides = array<i32>} : memref<144x768xf32, #tpu.memory_space<vmem>>, vector<16xf32>,
      %mul3A_441 = vector.broadcast %squeeze3A : f32 to vector<16xf32>
      %mul3A_442 = arith.mulf %get3A_440, %mul3A_441 : vector<16xf32>
      %swap3A_443 = arith.index_cast %scan3A_116 : i32 to index
      %swap3A_444 = arith.constant 640 : index
      %swap3A_445 = tpu.vector_load %arg10[%swap3A_443, %swap3A_444] {strides = array<i32>} : memref<144x768xf32, #tpu.memory_space<vmem>>, vector<16xf32>,
      tpu.vector_store %arg10[%swap3A_443, %swap3A_444], %mul3A_442 {strides = array<i32>} : memref<144x768xf32, #tpu.memory_space<vmem>>, vector<16xf32>,
      %get3A_446 = arith.index_cast %scan3A_116 : i32 to index
      %get3A_447 = arith.constant 656 : index
      %get3A_448 = tpu.vector_load %arg10[%get3A_446, %get3A_447] {strides = array<i32>} : memref<144x768xf32, #tpu.memory_space<vmem>>, vector<16xf32>,
      %mul3A_449 = vector.broadcast %squeeze3A : f32 to vector<16xf32>
      %mul3A_450 = arith.mulf %get3A_448, %mul3A_449 : vector<16xf32>
      %swap3A_451 = arith.index_cast %scan3A_116 : i32 to index
      %swap3A_452 = arith.constant 656 : index
      %swap3A_453 = tpu.vector_load %arg10[%swap3A_451, %swap3A_452] {strides = array<i32>} : memref<144x768xf32, #tpu.memory_space<vmem>>, vector<16xf32>,
      tpu.vector_store %arg10[%swap3A_451, %swap3A_452], %mul3A_450 {strides = array<i32>} : memref<144x768xf32, #tpu.memory_space<vmem>>, vector<16xf32>,
      %get3A_454 = arith.index_cast %scan3A_116 : i32 to index
      %get3A_455 = arith.constant 672 : index
      %get3A_456 = tpu.vector_load %arg10[%get3A_454, %get3A_455] {strides = array<i32>} : memref<144x768xf32, #tpu.memory_space<vmem>>, vector<16xf32>,
      %mul3A_457 = vector.broadcast %squeeze3A : f32 to vector<16xf32>
      %mul3A_458 = arith.mulf %get3A_456, %mul3A_457 : vector<16xf32>
      %swap3A_459 = arith.index_cast %scan3A_116 : i32 to index
      %swap3A_460 = arith.constant 672 : index
      %swap3A_461 = tpu.vector_load %arg10[%swap3A_459, %swap3A_460] {strides = array<i32>} : memref<144x768xf32, #tpu.memory_space<vmem>>, vector<16xf32>,
      tpu.vector_store %arg10[%swap3A_459, %swap3A_460], %mul3A_458 {strides = array<i32>} : memref<144x768xf32, #tpu.memory_space<vmem>>, vector<16xf32>,
      %get3A_462 = arith.index_cast %scan3A_116 : i32 to index
      %get3A_463 = arith.constant 688 : index
      %get3A_464 = tpu.vector_load %arg10[%get3A_462, %get3A_463] {strides = array<i32>} : memref<144x768xf32, #tpu.memory_space<vmem>>, vector<16xf32>,
      %mul3A_465 = vector.broadcast %squeeze3A : f32 to vector<16xf32>
      %mul3A_466 = arith.mulf %get3A_464, %mul3A_465 : vector<16xf32>
      %swap3A_467 = arith.index_cast %scan3A_116 : i32 to index
      %swap3A_468 = arith.constant 688 : index
      %swap3A_469 = tpu.vector_load %arg10[%swap3A_467, %swap3A_468] {strides = array<i32>} : memref<144x768xf32, #tpu.memory_space<vmem>>, vector<16xf32>,
      tpu.vector_store %arg10[%swap3A_467, %swap3A_468], %mul3A_466 {strides = array<i32>} : memref<144x768xf32, #tpu.memory_space<vmem>>, vector<16xf32>,
      %get3A_470 = arith.index_cast %scan3A_116 : i32 to index
      %get3A_471 = arith.constant 704 : index
      %get3A_472 = tpu.vector_load %arg10[%get3A_470, %get3A_471] {strides = array<i32>} : memref<144x768xf32, #tpu.memory_space<vmem>>, vector<16xf32>,
      %mul3A_473 = vector.broadcast %squeeze3A : f32 to vector<16xf32>
      %mul3A_474 = arith.mulf %get3A_472, %mul3A_473 : vector<16xf32>
      %swap3A_475 = arith.index_cast %scan3A_116 : i32 to index
      %swap3A_476 = arith.constant 704 : index
      %swap3A_477 = tpu.vector_load %arg10[%swap3A_475, %swap3A_476] {strides = array<i32>} : memref<144x768xf32, #tpu.memory_space<vmem>>, vector<16xf32>,
      tpu.vector_store %arg10[%swap3A_475, %swap3A_476], %mul3A_474 {strides = array<i32>} : memref<144x768xf32, #tpu.memory_space<vmem>>, vector<16xf32>,
      %get3A_478 = arith.index_cast %scan3A_116 : i32 to index
      %get3A_479 = arith.constant 720 : index
      %get3A_480 = tpu.vector_load %arg10[%get3A_478, %get3A_479] {strides = array<i32>} : memref<144x768xf32, #tpu.memory_space<vmem>>, vector<16xf32>,
      %mul3A_481 = vector.broadcast %squeeze3A : f32 to vector<16xf32>
      %mul3A_482 = arith.mulf %get3A_480, %mul3A_481 : vector<16xf32>
      %swap3A_483 = arith.index_cast %scan3A_116 : i32 to index
      %swap3A_484 = arith.constant 720 : index
      %swap3A_485 = tpu.vector_load %arg10[%swap3A_483, %swap3A_484] {strides = array<i32>} : memref<144x768xf32, #tpu.memory_space<vmem>>, vector<16xf32>,
      tpu.vector_store %arg10[%swap3A_483, %swap3A_484], %mul3A_482 {strides = array<i32>} : memref<144x768xf32, #tpu.memory_space<vmem>>, vector<16xf32>,
      %get3A_486 = arith.index_cast %scan3A_116 : i32 to index
      %get3A_487 = arith.constant 736 : index
      %get3A_488 = tpu.vector_load %arg10[%get3A_486, %get3A_487] {strides = array<i32>} : memref<144x768xf32, #tpu.memory_space<vmem>>, vector<16xf32>,
      %mul3A_489 = vector.broadcast %squeeze3A : f32 to vector<16xf32>
      %mul3A_490 = arith.mulf %get3A_488, %mul3A_489 : vector<16xf32>
      %swap3A_491 = arith.index_cast %scan3A_116 : i32 to index
      %swap3A_492 = arith.constant 736 : index
      %swap3A_493 = tpu.vector_load %arg10[%swap3A_491, %swap3A_492] {strides = array<i32>} : memref<144x768xf32, #tpu.memory_space<vmem>>, vector<16xf32>,
      tpu.vector_store %arg10[%swap3A_491, %swap3A_492], %mul3A_490 {strides = array<i32>} : memref<144x768xf32, #tpu.memory_space<vmem>>, vector<16xf32>,
      %get3A_494 = arith.index_cast %scan3A_116 : i32 to index
      %get3A_495 = arith.constant 752 : index
      %get3A_496 = tpu.vector_load %arg10[%get3A_494, %get3A_495] {strides = array<i32>} : memref<144x768xf32, #tpu.memory_space<vmem>>, vector<16xf32>,
      %mul3A_497 = vector.broadcast %squeeze3A : f32 to vector<16xf32>
      %mul3A_498 = arith.mulf %get3A_496, %mul3A_497 : vector<16xf32>
      %swap3A_499 = arith.index_cast %scan3A_116 : i32 to index
      %swap3A_500 = arith.constant 752 : index
      %swap3A_501 = tpu.vector_load %arg10[%swap3A_499, %swap3A_500] {strides = array<i32>} : memref<144x768xf32, #tpu.memory_space<vmem>>, vector<16xf32>,
      tpu.vector_store %arg10[%swap3A_499, %swap3A_500], %mul3A_498 {strides = array<i32>} : memref<144x768xf32, #tpu.memory_space<vmem>>, vector<16xf32>,
      %scan3A_502 = arith.constant 0 : i32
      scf.yield %scan3A_502 : i32
    }
    %scan3A_113 = arith.constant 144 : i32
    %mul3A_114 = arith.constant 144 : i32
    %mul3A_115 = arith.muli %add3A_60, %mul3A_114 : i32
    "tpu.region"() ({
      %run_scoped3A = tpu.sem_alloc : memref<!tpu.dma_semaphore, #tpu.memory_space<semaphore_mem>>
      %dma_start3A_116 = arith.constant 0 : i32
      %dma_start3A_117 = tpu.memref_slice %arg5[%mul3A_115, %dma_start3A_116] : memref<9216x768xf32, #tpu.memory_space<hbm>> -> memref<144x768xf32, #tpu.memory_space<hbm>>
      %dma_start3A_118 = arith.constant 0 : i32
      %dma_start3A_119 = tpu.memref_slice %arg5[%mul3A_115, %dma_start3A_118] : memref<9216x768xf32, #tpu.memory_space<hbm>> -> memref<144x768xf32, #tpu.memory_space<hbm>>
      tpu.enqueue_dma source(%arg10 : memref<144x768xf32, #tpu.memory_space<vmem>>) target(%dma_start3A_119 : memref<144x768xf32, #tpu.memory_space<hbm>>) target_semaphore(%run_scoped3A : memref<!tpu.dma_semaphore, #tpu.memory_space<semaphore_mem>>)
      %dma_wait3A_120 = arith.constant 0 : i32
      %dma_wait3A_121 = tpu.memref_slice %arg5[%mul3A_115, %dma_wait3A_120] : memref<9216x768xf32, #tpu.memory_space<hbm>> -> memref<144x768xf32, #tpu.memory_space<hbm>>
      %dma_wait3A_122 = arith.constant 0 : i32
      %dma_wait3A_123 = tpu.memref_slice %arg5[%mul3A_115, %dma_wait3A_122] : memref<9216x768xf32, #tpu.memory_space<hbm>> -> memref<144x768xf32, #tpu.memory_space<hbm>>
      tpu.wait_dma2 semaphore(%run_scoped3A : memref<!tpu.dma_semaphore, #tpu.memory_space<semaphore_mem>>) src(%arg10 : memref<144x768xf32, #tpu.memory_space<vmem>>) dst(%dma_wait3A_123 : memref<144x768xf32, #tpu.memory_space<hbm>>)
      tpu.yield
    }) : () -> ()
    return
  }
}

module attributes {stable_mosaic.version = 14 : i64} {
  func.func @_proj_body(%arg0: memref<64x512xf32, #tpu.memory_space<vmem>>, %arg1: memref<768x512xf32, #tpu.memory_space<vmem>>, %arg2: memref<1x768xf32, #tpu.memory_space<vmem>>, %arg3: memref<64x1x768xf32, #tpu.memory_space<vmem>>) attributes {dimension_semantics = [], scalar_prefetch = 0 : i64, scratch_operands = 0 : i64, tpu.core_type = #tpu.core_type<tc>} {
    %get3A = arith.constant 0 : index
    %get3A_0 = arith.constant 0 : index
    %get3A_1 = vector.load %arg0[%get3A, %get3A_0] : memref<64x512xf32, #tpu.memory_space<vmem>>, vector<64x512xf32>
    %get3A_2 = arith.constant 0 : index
    %get3A_3 = arith.constant 0 : index
    %get3A_4 = vector.load %arg1[%get3A_2, %get3A_3] : memref<768x512xf32, #tpu.memory_space<vmem>>, vector<768x512xf32>
    %dot_general3A = arith.constant dense<0.000000e+00> : vector<64x768xf32>
    %dot_general3A_5 = tpu.matmul %get3A_1, %get3A_4, %dot_general3A {dimension_numbers = #tpu.dot_dimension_numbers<[1], [1], [0], [0], [0, 0, 1, 0], [], []>, transpose_lhs_hint = false} : vector<64x512xf32>, vector<768x512xf32>, vector<64x768xf32> -> vector<64x768xf32>
    %get3A_6 = arith.constant 0 : index
    %get3A_7 = arith.constant 0 : index
    %get3A_8 = vector.load %arg2[%get3A_6, %get3A_7] : memref<1x768xf32, #tpu.memory_space<vmem>>, vector<1x768xf32>
    %add3A = vector.broadcast %get3A_8 : vector<1x768xf32> to vector<64x768xf32>
    %add3A_9 = arith.addf %dot_general3A_5, %add3A : vector<64x768xf32>
    %mul3A = arith.mulf %add3A_9, %add3A_9 : vector<64x768xf32>
    %reduce_sum3A = arith.constant dense<0.000000e+00> : vector<64xf32>
    %reduce_sum3A_10 = vector.multi_reduction <add>, %mul3A, %reduce_sum3A [1] : vector<64x768xf32> to vector<64xf32>
    %broadcast_in_dim3A = vector.shape_cast %reduce_sum3A_10 : vector<64xf32> to vector<64x1xf32>
    %sqrt3A = math.sqrt %broadcast_in_dim3A : vector<64x1xf32>
    %div3A = vector.broadcast %sqrt3A : vector<64x1xf32> to vector<64x768xf32>
    %div3A_11 = arith.divf %add3A_9, %div3A : vector<64x768xf32>
    %convert_element_type3A = arith.truncf %div3A_11 : vector<64x768xf32> to vector<64x768xbf16>
    %convert_element_type3A_12 = arith.extf %convert_element_type3A : vector<64x768xbf16> to vector<64x768xf32>
    %swap3A = arith.constant 0 : index
    %swap3A_13 = arith.constant 0 : index
    %swap3A_14 = arith.constant 0 : index
    %swap3A_15 = vector.load %arg3[%swap3A, %swap3A_13, %swap3A_14] : memref<64x1x768xf32, #tpu.memory_space<vmem>>, vector<64x1x768xf32>
    %swap3A_16 = vector.shape_cast %swap3A_15 : vector<64x1x768xf32> to vector<64x768xf32>
    %swap3A_17 = vector.shape_cast %convert_element_type3A_12 : vector<64x768xf32> to vector<64x1x768xf32>
    tpu.vector_store %arg3[%swap3A, %swap3A_13, %swap3A_14], %swap3A_17 {strides = array<i32>} : memref<64x1x768xf32, #tpu.memory_space<vmem>>, vector<64x1x768xf32>,
    return
  }
}

module attributes {stable_mosaic.version = 14 : i64} {
  func.func @_topk_body(%arg0: memref<64x576xf32, #tpu.memory_space<vmem>>, %arg1: memref<64x576xi32, #tpu.memory_space<vmem>>) attributes {dimension_semantics = [], scalar_prefetch = 0 : i64, scratch_operands = 0 : i64, tpu.core_type = #tpu.core_type<tc>} {
    %get3A = arith.constant 0 : index
    %get3A_0 = arith.constant 0 : index
    %get3A_1 = vector.load %arg0[%get3A, %get3A_0] : memref<64x576xf32, #tpu.memory_space<vmem>>, vector<64x576xf32>
    %reduce_max3A = arith.constant dense<0xFF800000> : vector<64xf32>
    %reduce_max3A_2 = vector.multi_reduction <maximumf>, %get3A_1, %reduce_max3A [1] : vector<64x576xf32> to vector<64xf32>
    %broadcast_in_dim3A = vector.shape_cast %reduce_max3A_2 : vector<64xf32> to vector<64x1xf32>
    %sub3A = vector.broadcast %broadcast_in_dim3A : vector<64x1xf32> to vector<64x576xf32>
    %sub3A_3 = arith.subf %get3A_1, %sub3A : vector<64x576xf32>
    %exp3A = math.exp %sub3A_3 : vector<64x576xf32>
    %reduce_sum3A = arith.constant dense<0.000000e+00> : vector<64xf32>
    %reduce_sum3A_4 = vector.multi_reduction <add>, %exp3A, %reduce_sum3A [1] : vector<64x576xf32> to vector<64xf32>
    %broadcast_in_dim3A_5 = vector.shape_cast %reduce_sum3A_4 : vector<64xf32> to vector<64x1xf32>
    %div3A = vector.broadcast %broadcast_in_dim3A_5 : vector<64x1xf32> to vector<64x576xf32>
    %div3A_6 = arith.divf %exp3A, %div3A : vector<64x576xf32>
    %bitcast_convert_type3A = tpu.bitcast %div3A_6 : vector<64x576xf32> -> vector<64x576xi32>
    %broadcast_in_dim3A_7 = arith.constant 0 : i32
    %broadcast_in_dim3A_8 = vector.broadcast %broadcast_in_dim3A_7 : i32 to vector<64x1xi32>
    %or3A = arith.constant 1073741824 : i32
    %or3A_9 = vector.broadcast %or3A : i32 to vector<64x1xi32>
    %or3A_10 = arith.ori %broadcast_in_dim3A_8, %or3A_9 : vector<64x1xi32>
    %ge3A = vector.broadcast %or3A_10 : vector<64x1xi32> to vector<64x576xi32>
    %ge3A_11 = arith.cmpi sge, %bitcast_convert_type3A, %ge3A : vector<64x576xi32>
    %convert_element_type3A = arith.extui %ge3A_11 : vector<64x576xi1> to vector<64x576xi32>
    %reduce_sum3A_12 = arith.constant dense<0> : vector<64xi32>
    %reduce_sum3A_13 = vector.multi_reduction <add>, %convert_element_type3A, %reduce_sum3A_12 [1] : vector<64x576xi32> to vector<64xi32>
    %broadcast_in_dim3A_14 = vector.shape_cast %reduce_sum3A_13 : vector<64xi32> to vector<64x1xi32>
    %ge3A_15 = arith.constant 144 : i32
    %ge3A_16 = vector.broadcast %ge3A_15 : i32 to vector<64x1xi32>
    %ge3A_17 = arith.cmpi sge, %broadcast_in_dim3A_14, %ge3A_16 : vector<64x1xi32>
    %select_n3A = arith.select %ge3A_17, %or3A_10, %broadcast_in_dim3A_8 : vector<64x1xi1>, vector<64x1xi32>
    %or3A_18 = arith.constant 536870912 : i32
    %or3A_19 = vector.broadcast %or3A_18 : i32 to vector<64x1xi32>
    %or3A_20 = arith.ori %select_n3A, %or3A_19 : vector<64x1xi32>
    %ge3A_21 = vector.broadcast %or3A_20 : vector<64x1xi32> to vector<64x576xi32>
    %ge3A_22 = arith.cmpi sge, %bitcast_convert_type3A, %ge3A_21 : vector<64x576xi32>
    %convert_element_type3A_23 = arith.extui %ge3A_22 : vector<64x576xi1> to vector<64x576xi32>
    %reduce_sum3A_24 = arith.constant dense<0> : vector<64xi32>
    %reduce_sum3A_25 = vector.multi_reduction <add>, %convert_element_type3A_23, %reduce_sum3A_24 [1] : vector<64x576xi32> to vector<64xi32>
    %broadcast_in_dim3A_26 = vector.shape_cast %reduce_sum3A_25 : vector<64xi32> to vector<64x1xi32>
    %ge3A_27 = arith.constant 144 : i32
    %ge3A_28 = vector.broadcast %ge3A_27 : i32 to vector<64x1xi32>
    %ge3A_29 = arith.cmpi sge, %broadcast_in_dim3A_26, %ge3A_28 : vector<64x1xi32>
    %select_n3A_30 = arith.select %ge3A_29, %or3A_20, %select_n3A : vector<64x1xi1>, vector<64x1xi32>
    %or3A_31 = arith.constant 268435456 : i32
    %or3A_32 = vector.broadcast %or3A_31 : i32 to vector<64x1xi32>
    %or3A_33 = arith.ori %select_n3A_30, %or3A_32 : vector<64x1xi32>
    %ge3A_34 = vector.broadcast %or3A_33 : vector<64x1xi32> to vector<64x576xi32>
    %ge3A_35 = arith.cmpi sge, %bitcast_convert_type3A, %ge3A_34 : vector<64x576xi32>
    %convert_element_type3A_36 = arith.extui %ge3A_35 : vector<64x576xi1> to vector<64x576xi32>
    %reduce_sum3A_37 = arith.constant dense<0> : vector<64xi32>
    %reduce_sum3A_38 = vector.multi_reduction <add>, %convert_element_type3A_36, %reduce_sum3A_37 [1] : vector<64x576xi32> to vector<64xi32>
    %broadcast_in_dim3A_39 = vector.shape_cast %reduce_sum3A_38 : vector<64xi32> to vector<64x1xi32>
    %ge3A_40 = arith.constant 144 : i32
    %ge3A_41 = vector.broadcast %ge3A_40 : i32 to vector<64x1xi32>
    %ge3A_42 = arith.cmpi sge, %broadcast_in_dim3A_39, %ge3A_41 : vector<64x1xi32>
    %select_n3A_43 = arith.select %ge3A_42, %or3A_33, %select_n3A_30 : vector<64x1xi1>, vector<64x1xi32>
    %or3A_44 = arith.constant 134217728 : i32
    %or3A_45 = vector.broadcast %or3A_44 : i32 to vector<64x1xi32>
    %or3A_46 = arith.ori %select_n3A_43, %or3A_45 : vector<64x1xi32>
    %ge3A_47 = vector.broadcast %or3A_46 : vector<64x1xi32> to vector<64x576xi32>
    %ge3A_48 = arith.cmpi sge, %bitcast_convert_type3A, %ge3A_47 : vector<64x576xi32>
    %convert_element_type3A_49 = arith.extui %ge3A_48 : vector<64x576xi1> to vector<64x576xi32>
    %reduce_sum3A_50 = arith.constant dense<0> : vector<64xi32>
    %reduce_sum3A_51 = vector.multi_reduction <add>, %convert_element_type3A_49, %reduce_sum3A_50 [1] : vector<64x576xi32> to vector<64xi32>
    %broadcast_in_dim3A_52 = vector.shape_cast %reduce_sum3A_51 : vector<64xi32> to vector<64x1xi32>
    %ge3A_53 = arith.constant 144 : i32
    %ge3A_54 = vector.broadcast %ge3A_53 : i32 to vector<64x1xi32>
    %ge3A_55 = arith.cmpi sge, %broadcast_in_dim3A_52, %ge3A_54 : vector<64x1xi32>
    %select_n3A_56 = arith.select %ge3A_55, %or3A_46, %select_n3A_43 : vector<64x1xi1>, vector<64x1xi32>
    %or3A_57 = arith.constant 67108864 : i32
    %or3A_58 = vector.broadcast %or3A_57 : i32 to vector<64x1xi32>
    %or3A_59 = arith.ori %select_n3A_56, %or3A_58 : vector<64x1xi32>
    %ge3A_60 = vector.broadcast %or3A_59 : vector<64x1xi32> to vector<64x576xi32>
    %ge3A_61 = arith.cmpi sge, %bitcast_convert_type3A, %ge3A_60 : vector<64x576xi32>
    %convert_element_type3A_62 = arith.extui %ge3A_61 : vector<64x576xi1> to vector<64x576xi32>
    %reduce_sum3A_63 = arith.constant dense<0> : vector<64xi32>
    %reduce_sum3A_64 = vector.multi_reduction <add>, %convert_element_type3A_62, %reduce_sum3A_63 [1] : vector<64x576xi32> to vector<64xi32>
    %broadcast_in_dim3A_65 = vector.shape_cast %reduce_sum3A_64 : vector<64xi32> to vector<64x1xi32>
    %ge3A_66 = arith.constant 144 : i32
    %ge3A_67 = vector.broadcast %ge3A_66 : i32 to vector<64x1xi32>
    %ge3A_68 = arith.cmpi sge, %broadcast_in_dim3A_65, %ge3A_67 : vector<64x1xi32>
    %select_n3A_69 = arith.select %ge3A_68, %or3A_59, %select_n3A_56 : vector<64x1xi1>, vector<64x1xi32>
    %or3A_70 = arith.constant 33554432 : i32
    %or3A_71 = vector.broadcast %or3A_70 : i32 to vector<64x1xi32>
    %or3A_72 = arith.ori %select_n3A_69, %or3A_71 : vector<64x1xi32>
    %ge3A_73 = vector.broadcast %or3A_72 : vector<64x1xi32> to vector<64x576xi32>
    %ge3A_74 = arith.cmpi sge, %bitcast_convert_type3A, %ge3A_73 : vector<64x576xi32>
    %convert_element_type3A_75 = arith.extui %ge3A_74 : vector<64x576xi1> to vector<64x576xi32>
    %reduce_sum3A_76 = arith.constant dense<0> : vector<64xi32>
    %reduce_sum3A_77 = vector.multi_reduction <add>, %convert_element_type3A_75, %reduce_sum3A_76 [1] : vector<64x576xi32> to vector<64xi32>
    %broadcast_in_dim3A_78 = vector.shape_cast %reduce_sum3A_77 : vector<64xi32> to vector<64x1xi32>
    %ge3A_79 = arith.constant 144 : i32
    %ge3A_80 = vector.broadcast %ge3A_79 : i32 to vector<64x1xi32>
    %ge3A_81 = arith.cmpi sge, %broadcast_in_dim3A_78, %ge3A_80 : vector<64x1xi32>
    %select_n3A_82 = arith.select %ge3A_81, %or3A_72, %select_n3A_69 : vector<64x1xi1>, vector<64x1xi32>
    %or3A_83 = arith.constant 16777216 : i32
    %or3A_84 = vector.broadcast %or3A_83 : i32 to vector<64x1xi32>
    %or3A_85 = arith.ori %select_n3A_82, %or3A_84 : vector<64x1xi32>
    %ge3A_86 = vector.broadcast %or3A_85 : vector<64x1xi32> to vector<64x576xi32>
    %ge3A_87 = arith.cmpi sge, %bitcast_convert_type3A, %ge3A_86 : vector<64x576xi32>
    %convert_element_type3A_88 = arith.extui %ge3A_87 : vector<64x576xi1> to vector<64x576xi32>
    %reduce_sum3A_89 = arith.constant dense<0> : vector<64xi32>
    %reduce_sum3A_90 = vector.multi_reduction <add>, %convert_element_type3A_88, %reduce_sum3A_89 [1] : vector<64x576xi32> to vector<64xi32>
    %broadcast_in_dim3A_91 = vector.shape_cast %reduce_sum3A_90 : vector<64xi32> to vector<64x1xi32>
    %ge3A_92 = arith.constant 144 : i32
    %ge3A_93 = vector.broadcast %ge3A_92 : i32 to vector<64x1xi32>
    %ge3A_94 = arith.cmpi sge, %broadcast_in_dim3A_91, %ge3A_93 : vector<64x1xi32>
    %select_n3A_95 = arith.select %ge3A_94, %or3A_85, %select_n3A_82 : vector<64x1xi1>, vector<64x1xi32>
    %or3A_96 = arith.constant 8388608 : i32
    %or3A_97 = vector.broadcast %or3A_96 : i32 to vector<64x1xi32>
    %or3A_98 = arith.ori %select_n3A_95, %or3A_97 : vector<64x1xi32>
    %ge3A_99 = vector.broadcast %or3A_98 : vector<64x1xi32> to vector<64x576xi32>
    %ge3A_100 = arith.cmpi sge, %bitcast_convert_type3A, %ge3A_99 : vector<64x576xi32>
    %convert_element_type3A_101 = arith.extui %ge3A_100 : vector<64x576xi1> to vector<64x576xi32>
    %reduce_sum3A_102 = arith.constant dense<0> : vector<64xi32>
    %reduce_sum3A_103 = vector.multi_reduction <add>, %convert_element_type3A_101, %reduce_sum3A_102 [1] : vector<64x576xi32> to vector<64xi32>
    %broadcast_in_dim3A_104 = vector.shape_cast %reduce_sum3A_103 : vector<64xi32> to vector<64x1xi32>
    %ge3A_105 = arith.constant 144 : i32
    %ge3A_106 = vector.broadcast %ge3A_105 : i32 to vector<64x1xi32>
    %ge3A_107 = arith.cmpi sge, %broadcast_in_dim3A_104, %ge3A_106 : vector<64x1xi32>
    %select_n3A_108 = arith.select %ge3A_107, %or3A_98, %select_n3A_95 : vector<64x1xi1>, vector<64x1xi32>
    %or3A_109 = arith.constant 4194304 : i32
    %or3A_110 = vector.broadcast %or3A_109 : i32 to vector<64x1xi32>
    %or3A_111 = arith.ori %select_n3A_108, %or3A_110 : vector<64x1xi32>
    %ge3A_112 = vector.broadcast %or3A_111 : vector<64x1xi32> to vector<64x576xi32>
    %ge3A_113 = arith.cmpi sge, %bitcast_convert_type3A, %ge3A_112 : vector<64x576xi32>
    %convert_element_type3A_114 = arith.extui %ge3A_113 : vector<64x576xi1> to vector<64x576xi32>
    %reduce_sum3A_115 = arith.constant dense<0> : vector<64xi32>
    %reduce_sum3A_116 = vector.multi_reduction <add>, %convert_element_type3A_114, %reduce_sum3A_115 [1] : vector<64x576xi32> to vector<64xi32>
    %broadcast_in_dim3A_117 = vector.shape_cast %reduce_sum3A_116 : vector<64xi32> to vector<64x1xi32>
    %ge3A_118 = arith.constant 144 : i32
    %ge3A_119 = vector.broadcast %ge3A_118 : i32 to vector<64x1xi32>
    %ge3A_120 = arith.cmpi sge, %broadcast_in_dim3A_117, %ge3A_119 : vector<64x1xi32>
    %select_n3A_121 = arith.select %ge3A_120, %or3A_111, %select_n3A_108 : vector<64x1xi1>, vector<64x1xi32>
    %or3A_122 = arith.constant 2097152 : i32
    %or3A_123 = vector.broadcast %or3A_122 : i32 to vector<64x1xi32>
    %or3A_124 = arith.ori %select_n3A_121, %or3A_123 : vector<64x1xi32>
    %ge3A_125 = vector.broadcast %or3A_124 : vector<64x1xi32> to vector<64x576xi32>
    %ge3A_126 = arith.cmpi sge, %bitcast_convert_type3A, %ge3A_125 : vector<64x576xi32>
    %convert_element_type3A_127 = arith.extui %ge3A_126 : vector<64x576xi1> to vector<64x576xi32>
    %reduce_sum3A_128 = arith.constant dense<0> : vector<64xi32>
    %reduce_sum3A_129 = vector.multi_reduction <add>, %convert_element_type3A_127, %reduce_sum3A_128 [1] : vector<64x576xi32> to vector<64xi32>
    %broadcast_in_dim3A_130 = vector.shape_cast %reduce_sum3A_129 : vector<64xi32> to vector<64x1xi32>
    %ge3A_131 = arith.constant 144 : i32
    %ge3A_132 = vector.broadcast %ge3A_131 : i32 to vector<64x1xi32>
    %ge3A_133 = arith.cmpi sge, %broadcast_in_dim3A_130, %ge3A_132 : vector<64x1xi32>
    %select_n3A_134 = arith.select %ge3A_133, %or3A_124, %select_n3A_121 : vector<64x1xi1>, vector<64x1xi32>
    %or3A_135 = arith.constant 1048576 : i32
    %or3A_136 = vector.broadcast %or3A_135 : i32 to vector<64x1xi32>
    %or3A_137 = arith.ori %select_n3A_134, %or3A_136 : vector<64x1xi32>
    %ge3A_138 = vector.broadcast %or3A_137 : vector<64x1xi32> to vector<64x576xi32>
    %ge3A_139 = arith.cmpi sge, %bitcast_convert_type3A, %ge3A_138 : vector<64x576xi32>
    %convert_element_type3A_140 = arith.extui %ge3A_139 : vector<64x576xi1> to vector<64x576xi32>
    %reduce_sum3A_141 = arith.constant dense<0> : vector<64xi32>
    %reduce_sum3A_142 = vector.multi_reduction <add>, %convert_element_type3A_140, %reduce_sum3A_141 [1] : vector<64x576xi32> to vector<64xi32>
    %broadcast_in_dim3A_143 = vector.shape_cast %reduce_sum3A_142 : vector<64xi32> to vector<64x1xi32>
    %ge3A_144 = arith.constant 144 : i32
    %ge3A_145 = vector.broadcast %ge3A_144 : i32 to vector<64x1xi32>
    %ge3A_146 = arith.cmpi sge, %broadcast_in_dim3A_143, %ge3A_145 : vector<64x1xi32>
    %select_n3A_147 = arith.select %ge3A_146, %or3A_137, %select_n3A_134 : vector<64x1xi1>, vector<64x1xi32>
    %or3A_148 = arith.constant 524288 : i32
    %or3A_149 = vector.broadcast %or3A_148 : i32 to vector<64x1xi32>
    %or3A_150 = arith.ori %select_n3A_147, %or3A_149 : vector<64x1xi32>
    %ge3A_151 = vector.broadcast %or3A_150 : vector<64x1xi32> to vector<64x576xi32>
    %ge3A_152 = arith.cmpi sge, %bitcast_convert_type3A, %ge3A_151 : vector<64x576xi32>
    %convert_element_type3A_153 = arith.extui %ge3A_152 : vector<64x576xi1> to vector<64x576xi32>
    %reduce_sum3A_154 = arith.constant dense<0> : vector<64xi32>
    %reduce_sum3A_155 = vector.multi_reduction <add>, %convert_element_type3A_153, %reduce_sum3A_154 [1] : vector<64x576xi32> to vector<64xi32>
    %broadcast_in_dim3A_156 = vector.shape_cast %reduce_sum3A_155 : vector<64xi32> to vector<64x1xi32>
    %ge3A_157 = arith.constant 144 : i32
    %ge3A_158 = vector.broadcast %ge3A_157 : i32 to vector<64x1xi32>
    %ge3A_159 = arith.cmpi sge, %broadcast_in_dim3A_156, %ge3A_158 : vector<64x1xi32>
    %select_n3A_160 = arith.select %ge3A_159, %or3A_150, %select_n3A_147 : vector<64x1xi1>, vector<64x1xi32>
    %or3A_161 = arith.constant 262144 : i32
    %or3A_162 = vector.broadcast %or3A_161 : i32 to vector<64x1xi32>
    %or3A_163 = arith.ori %select_n3A_160, %or3A_162 : vector<64x1xi32>
    %ge3A_164 = vector.broadcast %or3A_163 : vector<64x1xi32> to vector<64x576xi32>
    %ge3A_165 = arith.cmpi sge, %bitcast_convert_type3A, %ge3A_164 : vector<64x576xi32>
    %convert_element_type3A_166 = arith.extui %ge3A_165 : vector<64x576xi1> to vector<64x576xi32>
    %reduce_sum3A_167 = arith.constant dense<0> : vector<64xi32>
    %reduce_sum3A_168 = vector.multi_reduction <add>, %convert_element_type3A_166, %reduce_sum3A_167 [1] : vector<64x576xi32> to vector<64xi32>
    %broadcast_in_dim3A_169 = vector.shape_cast %reduce_sum3A_168 : vector<64xi32> to vector<64x1xi32>
    %ge3A_170 = arith.constant 144 : i32
    %ge3A_171 = vector.broadcast %ge3A_170 : i32 to vector<64x1xi32>
    %ge3A_172 = arith.cmpi sge, %broadcast_in_dim3A_169, %ge3A_171 : vector<64x1xi32>
    %select_n3A_173 = arith.select %ge3A_172, %or3A_163, %select_n3A_160 : vector<64x1xi1>, vector<64x1xi32>
    %or3A_174 = arith.constant 131072 : i32
    %or3A_175 = vector.broadcast %or3A_174 : i32 to vector<64x1xi32>
    %or3A_176 = arith.ori %select_n3A_173, %or3A_175 : vector<64x1xi32>
    %ge3A_177 = vector.broadcast %or3A_176 : vector<64x1xi32> to vector<64x576xi32>
    %ge3A_178 = arith.cmpi sge, %bitcast_convert_type3A, %ge3A_177 : vector<64x576xi32>
    %convert_element_type3A_179 = arith.extui %ge3A_178 : vector<64x576xi1> to vector<64x576xi32>
    %reduce_sum3A_180 = arith.constant dense<0> : vector<64xi32>
    %reduce_sum3A_181 = vector.multi_reduction <add>, %convert_element_type3A_179, %reduce_sum3A_180 [1] : vector<64x576xi32> to vector<64xi32>
    %broadcast_in_dim3A_182 = vector.shape_cast %reduce_sum3A_181 : vector<64xi32> to vector<64x1xi32>
    %ge3A_183 = arith.constant 144 : i32
    %ge3A_184 = vector.broadcast %ge3A_183 : i32 to vector<64x1xi32>
    %ge3A_185 = arith.cmpi sge, %broadcast_in_dim3A_182, %ge3A_184 : vector<64x1xi32>
    %select_n3A_186 = arith.select %ge3A_185, %or3A_176, %select_n3A_173 : vector<64x1xi1>, vector<64x1xi32>
    %or3A_187 = arith.constant 65536 : i32
    %or3A_188 = vector.broadcast %or3A_187 : i32 to vector<64x1xi32>
    %or3A_189 = arith.ori %select_n3A_186, %or3A_188 : vector<64x1xi32>
    %ge3A_190 = vector.broadcast %or3A_189 : vector<64x1xi32> to vector<64x576xi32>
    %ge3A_191 = arith.cmpi sge, %bitcast_convert_type3A, %ge3A_190 : vector<64x576xi32>
    %convert_element_type3A_192 = arith.extui %ge3A_191 : vector<64x576xi1> to vector<64x576xi32>
    %reduce_sum3A_193 = arith.constant dense<0> : vector<64xi32>
    %reduce_sum3A_194 = vector.multi_reduction <add>, %convert_element_type3A_192, %reduce_sum3A_193 [1] : vector<64x576xi32> to vector<64xi32>
    %broadcast_in_dim3A_195 = vector.shape_cast %reduce_sum3A_194 : vector<64xi32> to vector<64x1xi32>
    %ge3A_196 = arith.constant 144 : i32
    %ge3A_197 = vector.broadcast %ge3A_196 : i32 to vector<64x1xi32>
    %ge3A_198 = arith.cmpi sge, %broadcast_in_dim3A_195, %ge3A_197 : vector<64x1xi32>
    %select_n3A_199 = arith.select %ge3A_198, %or3A_189, %select_n3A_186 : vector<64x1xi1>, vector<64x1xi32>
    %or3A_200 = arith.constant 32768 : i32
    %or3A_201 = vector.broadcast %or3A_200 : i32 to vector<64x1xi32>
    %or3A_202 = arith.ori %select_n3A_199, %or3A_201 : vector<64x1xi32>
    %ge3A_203 = vector.broadcast %or3A_202 : vector<64x1xi32> to vector<64x576xi32>
    %ge3A_204 = arith.cmpi sge, %bitcast_convert_type3A, %ge3A_203 : vector<64x576xi32>
    %convert_element_type3A_205 = arith.extui %ge3A_204 : vector<64x576xi1> to vector<64x576xi32>
    %reduce_sum3A_206 = arith.constant dense<0> : vector<64xi32>
    %reduce_sum3A_207 = vector.multi_reduction <add>, %convert_element_type3A_205, %reduce_sum3A_206 [1] : vector<64x576xi32> to vector<64xi32>
    %broadcast_in_dim3A_208 = vector.shape_cast %reduce_sum3A_207 : vector<64xi32> to vector<64x1xi32>
    %ge3A_209 = arith.constant 144 : i32
    %ge3A_210 = vector.broadcast %ge3A_209 : i32 to vector<64x1xi32>
    %ge3A_211 = arith.cmpi sge, %broadcast_in_dim3A_208, %ge3A_210 : vector<64x1xi32>
    %select_n3A_212 = arith.select %ge3A_211, %or3A_202, %select_n3A_199 : vector<64x1xi1>, vector<64x1xi32>
    %or3A_213 = arith.constant 16384 : i32
    %or3A_214 = vector.broadcast %or3A_213 : i32 to vector<64x1xi32>
    %or3A_215 = arith.ori %select_n3A_212, %or3A_214 : vector<64x1xi32>
    %ge3A_216 = vector.broadcast %or3A_215 : vector<64x1xi32> to vector<64x576xi32>
    %ge3A_217 = arith.cmpi sge, %bitcast_convert_type3A, %ge3A_216 : vector<64x576xi32>
    %convert_element_type3A_218 = arith.extui %ge3A_217 : vector<64x576xi1> to vector<64x576xi32>
    %reduce_sum3A_219 = arith.constant dense<0> : vector<64xi32>
    %reduce_sum3A_220 = vector.multi_reduction <add>, %convert_element_type3A_218, %reduce_sum3A_219 [1] : vector<64x576xi32> to vector<64xi32>
    %broadcast_in_dim3A_221 = vector.shape_cast %reduce_sum3A_220 : vector<64xi32> to vector<64x1xi32>
    %ge3A_222 = arith.constant 144 : i32
    %ge3A_223 = vector.broadcast %ge3A_222 : i32 to vector<64x1xi32>
    %ge3A_224 = arith.cmpi sge, %broadcast_in_dim3A_221, %ge3A_223 : vector<64x1xi32>
    %select_n3A_225 = arith.select %ge3A_224, %or3A_215, %select_n3A_212 : vector<64x1xi1>, vector<64x1xi32>
    %or3A_226 = arith.constant 8192 : i32
    %or3A_227 = vector.broadcast %or3A_226 : i32 to vector<64x1xi32>
    %or3A_228 = arith.ori %select_n3A_225, %or3A_227 : vector<64x1xi32>
    %ge3A_229 = vector.broadcast %or3A_228 : vector<64x1xi32> to vector<64x576xi32>
    %ge3A_230 = arith.cmpi sge, %bitcast_convert_type3A, %ge3A_229 : vector<64x576xi32>
    %convert_element_type3A_231 = arith.extui %ge3A_230 : vector<64x576xi1> to vector<64x576xi32>
    %reduce_sum3A_232 = arith.constant dense<0> : vector<64xi32>
    %reduce_sum3A_233 = vector.multi_reduction <add>, %convert_element_type3A_231, %reduce_sum3A_232 [1] : vector<64x576xi32> to vector<64xi32>
    %broadcast_in_dim3A_234 = vector.shape_cast %reduce_sum3A_233 : vector<64xi32> to vector<64x1xi32>
    %ge3A_235 = arith.constant 144 : i32
    %ge3A_236 = vector.broadcast %ge3A_235 : i32 to vector<64x1xi32>
    %ge3A_237 = arith.cmpi sge, %broadcast_in_dim3A_234, %ge3A_236 : vector<64x1xi32>
    %select_n3A_238 = arith.select %ge3A_237, %or3A_228, %select_n3A_225 : vector<64x1xi1>, vector<64x1xi32>
    %or3A_239 = arith.constant 4096 : i32
    %or3A_240 = vector.broadcast %or3A_239 : i32 to vector<64x1xi32>
    %or3A_241 = arith.ori %select_n3A_238, %or3A_240 : vector<64x1xi32>
    %ge3A_242 = vector.broadcast %or3A_241 : vector<64x1xi32> to vector<64x576xi32>
    %ge3A_243 = arith.cmpi sge, %bitcast_convert_type3A, %ge3A_242 : vector<64x576xi32>
    %convert_element_type3A_244 = arith.extui %ge3A_243 : vector<64x576xi1> to vector<64x576xi32>
    %reduce_sum3A_245 = arith.constant dense<0> : vector<64xi32>
    %reduce_sum3A_246 = vector.multi_reduction <add>, %convert_element_type3A_244, %reduce_sum3A_245 [1] : vector<64x576xi32> to vector<64xi32>
    %broadcast_in_dim3A_247 = vector.shape_cast %reduce_sum3A_246 : vector<64xi32> to vector<64x1xi32>
    %ge3A_248 = arith.constant 144 : i32
    %ge3A_249 = vector.broadcast %ge3A_248 : i32 to vector<64x1xi32>
    %ge3A_250 = arith.cmpi sge, %broadcast_in_dim3A_247, %ge3A_249 : vector<64x1xi32>
    %select_n3A_251 = arith.select %ge3A_250, %or3A_241, %select_n3A_238 : vector<64x1xi1>, vector<64x1xi32>
    %or3A_252 = arith.constant 2048 : i32
    %or3A_253 = vector.broadcast %or3A_252 : i32 to vector<64x1xi32>
    %or3A_254 = arith.ori %select_n3A_251, %or3A_253 : vector<64x1xi32>
    %ge3A_255 = vector.broadcast %or3A_254 : vector<64x1xi32> to vector<64x576xi32>
    %ge3A_256 = arith.cmpi sge, %bitcast_convert_type3A, %ge3A_255 : vector<64x576xi32>
    %convert_element_type3A_257 = arith.extui %ge3A_256 : vector<64x576xi1> to vector<64x576xi32>
    %reduce_sum3A_258 = arith.constant dense<0> : vector<64xi32>
    %reduce_sum3A_259 = vector.multi_reduction <add>, %convert_element_type3A_257, %reduce_sum3A_258 [1] : vector<64x576xi32> to vector<64xi32>
    %broadcast_in_dim3A_260 = vector.shape_cast %reduce_sum3A_259 : vector<64xi32> to vector<64x1xi32>
    %ge3A_261 = arith.constant 144 : i32
    %ge3A_262 = vector.broadcast %ge3A_261 : i32 to vector<64x1xi32>
    %ge3A_263 = arith.cmpi sge, %broadcast_in_dim3A_260, %ge3A_262 : vector<64x1xi32>
    %select_n3A_264 = arith.select %ge3A_263, %or3A_254, %select_n3A_251 : vector<64x1xi1>, vector<64x1xi32>
    %or3A_265 = arith.constant 1024 : i32
    %or3A_266 = vector.broadcast %or3A_265 : i32 to vector<64x1xi32>
    %or3A_267 = arith.ori %select_n3A_264, %or3A_266 : vector<64x1xi32>
    %ge3A_268 = vector.broadcast %or3A_267 : vector<64x1xi32> to vector<64x576xi32>
    %ge3A_269 = arith.cmpi sge, %bitcast_convert_type3A, %ge3A_268 : vector<64x576xi32>
    %convert_element_type3A_270 = arith.extui %ge3A_269 : vector<64x576xi1> to vector<64x576xi32>
    %reduce_sum3A_271 = arith.constant dense<0> : vector<64xi32>
    %reduce_sum3A_272 = vector.multi_reduction <add>, %convert_element_type3A_270, %reduce_sum3A_271 [1] : vector<64x576xi32> to vector<64xi32>
    %broadcast_in_dim3A_273 = vector.shape_cast %reduce_sum3A_272 : vector<64xi32> to vector<64x1xi32>
    %ge3A_274 = arith.constant 144 : i32
    %ge3A_275 = vector.broadcast %ge3A_274 : i32 to vector<64x1xi32>
    %ge3A_276 = arith.cmpi sge, %broadcast_in_dim3A_273, %ge3A_275 : vector<64x1xi32>
    %select_n3A_277 = arith.select %ge3A_276, %or3A_267, %select_n3A_264 : vector<64x1xi1>, vector<64x1xi32>
    %or3A_278 = arith.constant 512 : i32
    %or3A_279 = vector.broadcast %or3A_278 : i32 to vector<64x1xi32>
    %or3A_280 = arith.ori %select_n3A_277, %or3A_279 : vector<64x1xi32>
    %ge3A_281 = vector.broadcast %or3A_280 : vector<64x1xi32> to vector<64x576xi32>
    %ge3A_282 = arith.cmpi sge, %bitcast_convert_type3A, %ge3A_281 : vector<64x576xi32>
    %convert_element_type3A_283 = arith.extui %ge3A_282 : vector<64x576xi1> to vector<64x576xi32>
    %reduce_sum3A_284 = arith.constant dense<0> : vector<64xi32>
    %reduce_sum3A_285 = vector.multi_reduction <add>, %convert_element_type3A_283, %reduce_sum3A_284 [1] : vector<64x576xi32> to vector<64xi32>
    %broadcast_in_dim3A_286 = vector.shape_cast %reduce_sum3A_285 : vector<64xi32> to vector<64x1xi32>
    %ge3A_287 = arith.constant 144 : i32
    %ge3A_288 = vector.broadcast %ge3A_287 : i32 to vector<64x1xi32>
    %ge3A_289 = arith.cmpi sge, %broadcast_in_dim3A_286, %ge3A_288 : vector<64x1xi32>
    %select_n3A_290 = arith.select %ge3A_289, %or3A_280, %select_n3A_277 : vector<64x1xi1>, vector<64x1xi32>
    %or3A_291 = arith.constant 256 : i32
    %or3A_292 = vector.broadcast %or3A_291 : i32 to vector<64x1xi32>
    %or3A_293 = arith.ori %select_n3A_290, %or3A_292 : vector<64x1xi32>
    %ge3A_294 = vector.broadcast %or3A_293 : vector<64x1xi32> to vector<64x576xi32>
    %ge3A_295 = arith.cmpi sge, %bitcast_convert_type3A, %ge3A_294 : vector<64x576xi32>
    %convert_element_type3A_296 = arith.extui %ge3A_295 : vector<64x576xi1> to vector<64x576xi32>
    %reduce_sum3A_297 = arith.constant dense<0> : vector<64xi32>
    %reduce_sum3A_298 = vector.multi_reduction <add>, %convert_element_type3A_296, %reduce_sum3A_297 [1] : vector<64x576xi32> to vector<64xi32>
    %broadcast_in_dim3A_299 = vector.shape_cast %reduce_sum3A_298 : vector<64xi32> to vector<64x1xi32>
    %ge3A_300 = arith.constant 144 : i32
    %ge3A_301 = vector.broadcast %ge3A_300 : i32 to vector<64x1xi32>
    %ge3A_302 = arith.cmpi sge, %broadcast_in_dim3A_299, %ge3A_301 : vector<64x1xi32>
    %select_n3A_303 = arith.select %ge3A_302, %or3A_293, %select_n3A_290 : vector<64x1xi1>, vector<64x1xi32>
    %or3A_304 = arith.constant 128 : i32
    %or3A_305 = vector.broadcast %or3A_304 : i32 to vector<64x1xi32>
    %or3A_306 = arith.ori %select_n3A_303, %or3A_305 : vector<64x1xi32>
    %ge3A_307 = vector.broadcast %or3A_306 : vector<64x1xi32> to vector<64x576xi32>
    %ge3A_308 = arith.cmpi sge, %bitcast_convert_type3A, %ge3A_307 : vector<64x576xi32>
    %convert_element_type3A_309 = arith.extui %ge3A_308 : vector<64x576xi1> to vector<64x576xi32>
    %reduce_sum3A_310 = arith.constant dense<0> : vector<64xi32>
    %reduce_sum3A_311 = vector.multi_reduction <add>, %convert_element_type3A_309, %reduce_sum3A_310 [1] : vector<64x576xi32> to vector<64xi32>
    %broadcast_in_dim3A_312 = vector.shape_cast %reduce_sum3A_311 : vector<64xi32> to vector<64x1xi32>
    %ge3A_313 = arith.constant 144 : i32
    %ge3A_314 = vector.broadcast %ge3A_313 : i32 to vector<64x1xi32>
    %ge3A_315 = arith.cmpi sge, %broadcast_in_dim3A_312, %ge3A_314 : vector<64x1xi32>
    %select_n3A_316 = arith.select %ge3A_315, %or3A_306, %select_n3A_303 : vector<64x1xi1>, vector<64x1xi32>
    %or3A_317 = arith.constant 64 : i32
    %or3A_318 = vector.broadcast %or3A_317 : i32 to vector<64x1xi32>
    %or3A_319 = arith.ori %select_n3A_316, %or3A_318 : vector<64x1xi32>
    %ge3A_320 = vector.broadcast %or3A_319 : vector<64x1xi32> to vector<64x576xi32>
    %ge3A_321 = arith.cmpi sge, %bitcast_convert_type3A, %ge3A_320 : vector<64x576xi32>
    %convert_element_type3A_322 = arith.extui %ge3A_321 : vector<64x576xi1> to vector<64x576xi32>
    %reduce_sum3A_323 = arith.constant dense<0> : vector<64xi32>
    %reduce_sum3A_324 = vector.multi_reduction <add>, %convert_element_type3A_322, %reduce_sum3A_323 [1] : vector<64x576xi32> to vector<64xi32>
    %broadcast_in_dim3A_325 = vector.shape_cast %reduce_sum3A_324 : vector<64xi32> to vector<64x1xi32>
    %ge3A_326 = arith.constant 144 : i32
    %ge3A_327 = vector.broadcast %ge3A_326 : i32 to vector<64x1xi32>
    %ge3A_328 = arith.cmpi sge, %broadcast_in_dim3A_325, %ge3A_327 : vector<64x1xi32>
    %select_n3A_329 = arith.select %ge3A_328, %or3A_319, %select_n3A_316 : vector<64x1xi1>, vector<64x1xi32>
    %or3A_330 = arith.constant 32 : i32
    %or3A_331 = vector.broadcast %or3A_330 : i32 to vector<64x1xi32>
    %or3A_332 = arith.ori %select_n3A_329, %or3A_331 : vector<64x1xi32>
    %ge3A_333 = vector.broadcast %or3A_332 : vector<64x1xi32> to vector<64x576xi32>
    %ge3A_334 = arith.cmpi sge, %bitcast_convert_type3A, %ge3A_333 : vector<64x576xi32>
    %convert_element_type3A_335 = arith.extui %ge3A_334 : vector<64x576xi1> to vector<64x576xi32>
    %reduce_sum3A_336 = arith.constant dense<0> : vector<64xi32>
    %reduce_sum3A_337 = vector.multi_reduction <add>, %convert_element_type3A_335, %reduce_sum3A_336 [1] : vector<64x576xi32> to vector<64xi32>
    %broadcast_in_dim3A_338 = vector.shape_cast %reduce_sum3A_337 : vector<64xi32> to vector<64x1xi32>
    %ge3A_339 = arith.constant 144 : i32
    %ge3A_340 = vector.broadcast %ge3A_339 : i32 to vector<64x1xi32>
    %ge3A_341 = arith.cmpi sge, %broadcast_in_dim3A_338, %ge3A_340 : vector<64x1xi32>
    %select_n3A_342 = arith.select %ge3A_341, %or3A_332, %select_n3A_329 : vector<64x1xi1>, vector<64x1xi32>
    %or3A_343 = arith.constant 16 : i32
    %or3A_344 = vector.broadcast %or3A_343 : i32 to vector<64x1xi32>
    %or3A_345 = arith.ori %select_n3A_342, %or3A_344 : vector<64x1xi32>
    %ge3A_346 = vector.broadcast %or3A_345 : vector<64x1xi32> to vector<64x576xi32>
    %ge3A_347 = arith.cmpi sge, %bitcast_convert_type3A, %ge3A_346 : vector<64x576xi32>
    %convert_element_type3A_348 = arith.extui %ge3A_347 : vector<64x576xi1> to vector<64x576xi32>
    %reduce_sum3A_349 = arith.constant dense<0> : vector<64xi32>
    %reduce_sum3A_350 = vector.multi_reduction <add>, %convert_element_type3A_348, %reduce_sum3A_349 [1] : vector<64x576xi32> to vector<64xi32>
    %broadcast_in_dim3A_351 = vector.shape_cast %reduce_sum3A_350 : vector<64xi32> to vector<64x1xi32>
    %ge3A_352 = arith.constant 144 : i32
    %ge3A_353 = vector.broadcast %ge3A_352 : i32 to vector<64x1xi32>
    %ge3A_354 = arith.cmpi sge, %broadcast_in_dim3A_351, %ge3A_353 : vector<64x1xi32>
    %select_n3A_355 = arith.select %ge3A_354, %or3A_345, %select_n3A_342 : vector<64x1xi1>, vector<64x1xi32>
    %or3A_356 = arith.constant 8 : i32
    %or3A_357 = vector.broadcast %or3A_356 : i32 to vector<64x1xi32>
    %or3A_358 = arith.ori %select_n3A_355, %or3A_357 : vector<64x1xi32>
    %ge3A_359 = vector.broadcast %or3A_358 : vector<64x1xi32> to vector<64x576xi32>
    %ge3A_360 = arith.cmpi sge, %bitcast_convert_type3A, %ge3A_359 : vector<64x576xi32>
    %convert_element_type3A_361 = arith.extui %ge3A_360 : vector<64x576xi1> to vector<64x576xi32>
    %reduce_sum3A_362 = arith.constant dense<0> : vector<64xi32>
    %reduce_sum3A_363 = vector.multi_reduction <add>, %convert_element_type3A_361, %reduce_sum3A_362 [1] : vector<64x576xi32> to vector<64xi32>
    %broadcast_in_dim3A_364 = vector.shape_cast %reduce_sum3A_363 : vector<64xi32> to vector<64x1xi32>
    %ge3A_365 = arith.constant 144 : i32
    %ge3A_366 = vector.broadcast %ge3A_365 : i32 to vector<64x1xi32>
    %ge3A_367 = arith.cmpi sge, %broadcast_in_dim3A_364, %ge3A_366 : vector<64x1xi32>
    %select_n3A_368 = arith.select %ge3A_367, %or3A_358, %select_n3A_355 : vector<64x1xi1>, vector<64x1xi32>
    %or3A_369 = arith.constant 4 : i32
    %or3A_370 = vector.broadcast %or3A_369 : i32 to vector<64x1xi32>
    %or3A_371 = arith.ori %select_n3A_368, %or3A_370 : vector<64x1xi32>
    %ge3A_372 = vector.broadcast %or3A_371 : vector<64x1xi32> to vector<64x576xi32>
    %ge3A_373 = arith.cmpi sge, %bitcast_convert_type3A, %ge3A_372 : vector<64x576xi32>
    %convert_element_type3A_374 = arith.extui %ge3A_373 : vector<64x576xi1> to vector<64x576xi32>
    %reduce_sum3A_375 = arith.constant dense<0> : vector<64xi32>
    %reduce_sum3A_376 = vector.multi_reduction <add>, %convert_element_type3A_374, %reduce_sum3A_375 [1] : vector<64x576xi32> to vector<64xi32>
    %broadcast_in_dim3A_377 = vector.shape_cast %reduce_sum3A_376 : vector<64xi32> to vector<64x1xi32>
    %ge3A_378 = arith.constant 144 : i32
    %ge3A_379 = vector.broadcast %ge3A_378 : i32 to vector<64x1xi32>
    %ge3A_380 = arith.cmpi sge, %broadcast_in_dim3A_377, %ge3A_379 : vector<64x1xi32>
    %select_n3A_381 = arith.select %ge3A_380, %or3A_371, %select_n3A_368 : vector<64x1xi1>, vector<64x1xi32>
    %or3A_382 = arith.constant 2 : i32
    %or3A_383 = vector.broadcast %or3A_382 : i32 to vector<64x1xi32>
    %or3A_384 = arith.ori %select_n3A_381, %or3A_383 : vector<64x1xi32>
    %ge3A_385 = vector.broadcast %or3A_384 : vector<64x1xi32> to vector<64x576xi32>
    %ge3A_386 = arith.cmpi sge, %bitcast_convert_type3A, %ge3A_385 : vector<64x576xi32>
    %convert_element_type3A_387 = arith.extui %ge3A_386 : vector<64x576xi1> to vector<64x576xi32>
    %reduce_sum3A_388 = arith.constant dense<0> : vector<64xi32>
    %reduce_sum3A_389 = vector.multi_reduction <add>, %convert_element_type3A_387, %reduce_sum3A_388 [1] : vector<64x576xi32> to vector<64xi32>
    %broadcast_in_dim3A_390 = vector.shape_cast %reduce_sum3A_389 : vector<64xi32> to vector<64x1xi32>
    %ge3A_391 = arith.constant 144 : i32
    %ge3A_392 = vector.broadcast %ge3A_391 : i32 to vector<64x1xi32>
    %ge3A_393 = arith.cmpi sge, %broadcast_in_dim3A_390, %ge3A_392 : vector<64x1xi32>
    %select_n3A_394 = arith.select %ge3A_393, %or3A_384, %select_n3A_381 : vector<64x1xi1>, vector<64x1xi32>
    %or3A_395 = arith.constant 1 : i32
    %or3A_396 = vector.broadcast %or3A_395 : i32 to vector<64x1xi32>
    %or3A_397 = arith.ori %select_n3A_394, %or3A_396 : vector<64x1xi32>
    %ge3A_398 = vector.broadcast %or3A_397 : vector<64x1xi32> to vector<64x576xi32>
    %ge3A_399 = arith.cmpi sge, %bitcast_convert_type3A, %ge3A_398 : vector<64x576xi32>
    %convert_element_type3A_400 = arith.extui %ge3A_399 : vector<64x576xi1> to vector<64x576xi32>
    %reduce_sum3A_401 = arith.constant dense<0> : vector<64xi32>
    %reduce_sum3A_402 = vector.multi_reduction <add>, %convert_element_type3A_400, %reduce_sum3A_401 [1] : vector<64x576xi32> to vector<64xi32>
    %broadcast_in_dim3A_403 = vector.shape_cast %reduce_sum3A_402 : vector<64xi32> to vector<64x1xi32>
    %ge3A_404 = arith.constant 144 : i32
    %ge3A_405 = vector.broadcast %ge3A_404 : i32 to vector<64x1xi32>
    %ge3A_406 = arith.cmpi sge, %broadcast_in_dim3A_403, %ge3A_405 : vector<64x1xi32>
    %select_n3A_407 = arith.select %ge3A_406, %or3A_397, %select_n3A_394 : vector<64x1xi1>, vector<64x1xi32>
    %gt3A = vector.broadcast %select_n3A_407 : vector<64x1xi32> to vector<64x576xi32>
    %gt3A_408 = arith.cmpi sgt, %bitcast_convert_type3A, %gt3A : vector<64x576xi32>
    %eq3A = vector.broadcast %select_n3A_407 : vector<64x1xi32> to vector<64x576xi32>
    %eq3A_409 = arith.cmpi eq, %bitcast_convert_type3A, %eq3A : vector<64x576xi32>
    %convert_element_type3A_410 = arith.extui %gt3A_408 : vector<64x576xi1> to vector<64x576xi32>
    %reduce_sum3A_411 = arith.constant dense<0> : vector<64xi32>
    %reduce_sum3A_412 = vector.multi_reduction <add>, %convert_element_type3A_410, %reduce_sum3A_411 [1] : vector<64x576xi32> to vector<64xi32>
    %broadcast_in_dim3A_413 = vector.shape_cast %reduce_sum3A_412 : vector<64xi32> to vector<64x1xi32>
    %sub3A_414 = arith.constant 144 : i32
    %sub3A_415 = vector.broadcast %sub3A_414 : i32 to vector<64x1xi32>
    %sub3A_416 = arith.subi %sub3A_415, %broadcast_in_dim3A_413 : vector<64x1xi32>
    %iota3A = tpu.iota {dimensions = array<i32: 1>} : vector<64x576xi32>
    %sub3A_417 = arith.constant 1023 : i32
    %sub3A_418 = vector.broadcast %sub3A_417 : i32 to vector<64x576xi32>
    %sub3A_419 = arith.subi %sub3A_418, %iota3A : vector<64x576xi32>
    %jit3A = arith.constant -1 : i32
    %broadcast_in_dim3A_420 = vector.broadcast %jit3A : i32 to vector<64x576xi32>
    %select_n3A_421 = arith.select %eq3A_409, %sub3A_419, %broadcast_in_dim3A_420 : vector<64x576xi1>, vector<64x576xi32>
    %broadcast_in_dim3A_422 = arith.constant 0 : i32
    %broadcast_in_dim3A_423 = vector.broadcast %broadcast_in_dim3A_422 : i32 to vector<64x1xi32>
    %or3A_424 = arith.constant 512 : i32
    %or3A_425 = vector.broadcast %or3A_424 : i32 to vector<64x1xi32>
    %or3A_426 = arith.ori %broadcast_in_dim3A_423, %or3A_425 : vector<64x1xi32>
    %ge3A_427 = vector.broadcast %or3A_426 : vector<64x1xi32> to vector<64x576xi32>
    %ge3A_428 = arith.cmpi sge, %select_n3A_421, %ge3A_427 : vector<64x576xi32>
    %convert_element_type3A_429 = arith.extui %ge3A_428 : vector<64x576xi1> to vector<64x576xi32>
    %reduce_sum3A_430 = arith.constant dense<0> : vector<64xi32>
    %reduce_sum3A_431 = vector.multi_reduction <add>, %convert_element_type3A_429, %reduce_sum3A_430 [1] : vector<64x576xi32> to vector<64xi32>
    %broadcast_in_dim3A_432 = vector.shape_cast %reduce_sum3A_431 : vector<64xi32> to vector<64x1xi32>
    %ge3A_433 = arith.cmpi sge, %broadcast_in_dim3A_432, %sub3A_416 : vector<64x1xi32>
    %select_n3A_434 = arith.select %ge3A_433, %or3A_426, %broadcast_in_dim3A_423 : vector<64x1xi1>, vector<64x1xi32>
    %or3A_435 = arith.constant 256 : i32
    %or3A_436 = vector.broadcast %or3A_435 : i32 to vector<64x1xi32>
    %or3A_437 = arith.ori %select_n3A_434, %or3A_436 : vector<64x1xi32>
    %ge3A_438 = vector.broadcast %or3A_437 : vector<64x1xi32> to vector<64x576xi32>
    %ge3A_439 = arith.cmpi sge, %select_n3A_421, %ge3A_438 : vector<64x576xi32>
    %convert_element_type3A_440 = arith.extui %ge3A_439 : vector<64x576xi1> to vector<64x576xi32>
    %reduce_sum3A_441 = arith.constant dense<0> : vector<64xi32>
    %reduce_sum3A_442 = vector.multi_reduction <add>, %convert_element_type3A_440, %reduce_sum3A_441 [1] : vector<64x576xi32> to vector<64xi32>
    %broadcast_in_dim3A_443 = vector.shape_cast %reduce_sum3A_442 : vector<64xi32> to vector<64x1xi32>
    %ge3A_444 = arith.cmpi sge, %broadcast_in_dim3A_443, %sub3A_416 : vector<64x1xi32>
    %select_n3A_445 = arith.select %ge3A_444, %or3A_437, %select_n3A_434 : vector<64x1xi1>, vector<64x1xi32>
    %or3A_446 = arith.constant 128 : i32
    %or3A_447 = vector.broadcast %or3A_446 : i32 to vector<64x1xi32>
    %or3A_448 = arith.ori %select_n3A_445, %or3A_447 : vector<64x1xi32>
    %ge3A_449 = vector.broadcast %or3A_448 : vector<64x1xi32> to vector<64x576xi32>
    %ge3A_450 = arith.cmpi sge, %select_n3A_421, %ge3A_449 : vector<64x576xi32>
    %convert_element_type3A_451 = arith.extui %ge3A_450 : vector<64x576xi1> to vector<64x576xi32>
    %reduce_sum3A_452 = arith.constant dense<0> : vector<64xi32>
    %reduce_sum3A_453 = vector.multi_reduction <add>, %convert_element_type3A_451, %reduce_sum3A_452 [1] : vector<64x576xi32> to vector<64xi32>
    %broadcast_in_dim3A_454 = vector.shape_cast %reduce_sum3A_453 : vector<64xi32> to vector<64x1xi32>
    %ge3A_455 = arith.cmpi sge, %broadcast_in_dim3A_454, %sub3A_416 : vector<64x1xi32>
    %select_n3A_456 = arith.select %ge3A_455, %or3A_448, %select_n3A_445 : vector<64x1xi1>, vector<64x1xi32>
    %or3A_457 = arith.constant 64 : i32
    %or3A_458 = vector.broadcast %or3A_457 : i32 to vector<64x1xi32>
    %or3A_459 = arith.ori %select_n3A_456, %or3A_458 : vector<64x1xi32>
    %ge3A_460 = vector.broadcast %or3A_459 : vector<64x1xi32> to vector<64x576xi32>
    %ge3A_461 = arith.cmpi sge, %select_n3A_421, %ge3A_460 : vector<64x576xi32>
    %convert_element_type3A_462 = arith.extui %ge3A_461 : vector<64x576xi1> to vector<64x576xi32>
    %reduce_sum3A_463 = arith.constant dense<0> : vector<64xi32>
    %reduce_sum3A_464 = vector.multi_reduction <add>, %convert_element_type3A_462, %reduce_sum3A_463 [1] : vector<64x576xi32> to vector<64xi32>
    %broadcast_in_dim3A_465 = vector.shape_cast %reduce_sum3A_464 : vector<64xi32> to vector<64x1xi32>
    %ge3A_466 = arith.cmpi sge, %broadcast_in_dim3A_465, %sub3A_416 : vector<64x1xi32>
    %select_n3A_467 = arith.select %ge3A_466, %or3A_459, %select_n3A_456 : vector<64x1xi1>, vector<64x1xi32>
    %or3A_468 = arith.constant 32 : i32
    %or3A_469 = vector.broadcast %or3A_468 : i32 to vector<64x1xi32>
    %or3A_470 = arith.ori %select_n3A_467, %or3A_469 : vector<64x1xi32>
    %ge3A_471 = vector.broadcast %or3A_470 : vector<64x1xi32> to vector<64x576xi32>
    %ge3A_472 = arith.cmpi sge, %select_n3A_421, %ge3A_471 : vector<64x576xi32>
    %convert_element_type3A_473 = arith.extui %ge3A_472 : vector<64x576xi1> to vector<64x576xi32>
    %reduce_sum3A_474 = arith.constant dense<0> : vector<64xi32>
    %reduce_sum3A_475 = vector.multi_reduction <add>, %convert_element_type3A_473, %reduce_sum3A_474 [1] : vector<64x576xi32> to vector<64xi32>
    %broadcast_in_dim3A_476 = vector.shape_cast %reduce_sum3A_475 : vector<64xi32> to vector<64x1xi32>
    %ge3A_477 = arith.cmpi sge, %broadcast_in_dim3A_476, %sub3A_416 : vector<64x1xi32>
    %select_n3A_478 = arith.select %ge3A_477, %or3A_470, %select_n3A_467 : vector<64x1xi1>, vector<64x1xi32>
    %or3A_479 = arith.constant 16 : i32
    %or3A_480 = vector.broadcast %or3A_479 : i32 to vector<64x1xi32>
    %or3A_481 = arith.ori %select_n3A_478, %or3A_480 : vector<64x1xi32>
    %ge3A_482 = vector.broadcast %or3A_481 : vector<64x1xi32> to vector<64x576xi32>
    %ge3A_483 = arith.cmpi sge, %select_n3A_421, %ge3A_482 : vector<64x576xi32>
    %convert_element_type3A_484 = arith.extui %ge3A_483 : vector<64x576xi1> to vector<64x576xi32>
    %reduce_sum3A_485 = arith.constant dense<0> : vector<64xi32>
    %reduce_sum3A_486 = vector.multi_reduction <add>, %convert_element_type3A_484, %reduce_sum3A_485 [1] : vector<64x576xi32> to vector<64xi32>
    %broadcast_in_dim3A_487 = vector.shape_cast %reduce_sum3A_486 : vector<64xi32> to vector<64x1xi32>
    %ge3A_488 = arith.cmpi sge, %broadcast_in_dim3A_487, %sub3A_416 : vector<64x1xi32>
    %select_n3A_489 = arith.select %ge3A_488, %or3A_481, %select_n3A_478 : vector<64x1xi1>, vector<64x1xi32>
    %or3A_490 = arith.constant 8 : i32
    %or3A_491 = vector.broadcast %or3A_490 : i32 to vector<64x1xi32>
    %or3A_492 = arith.ori %select_n3A_489, %or3A_491 : vector<64x1xi32>
    %ge3A_493 = vector.broadcast %or3A_492 : vector<64x1xi32> to vector<64x576xi32>
    %ge3A_494 = arith.cmpi sge, %select_n3A_421, %ge3A_493 : vector<64x576xi32>
    %convert_element_type3A_495 = arith.extui %ge3A_494 : vector<64x576xi1> to vector<64x576xi32>
    %reduce_sum3A_496 = arith.constant dense<0> : vector<64xi32>
    %reduce_sum3A_497 = vector.multi_reduction <add>, %convert_element_type3A_495, %reduce_sum3A_496 [1] : vector<64x576xi32> to vector<64xi32>
    %broadcast_in_dim3A_498 = vector.shape_cast %reduce_sum3A_497 : vector<64xi32> to vector<64x1xi32>
    %ge3A_499 = arith.cmpi sge, %broadcast_in_dim3A_498, %sub3A_416 : vector<64x1xi32>
    %select_n3A_500 = arith.select %ge3A_499, %or3A_492, %select_n3A_489 : vector<64x1xi1>, vector<64x1xi32>
    %or3A_501 = arith.constant 4 : i32
    %or3A_502 = vector.broadcast %or3A_501 : i32 to vector<64x1xi32>
    %or3A_503 = arith.ori %select_n3A_500, %or3A_502 : vector<64x1xi32>
    %ge3A_504 = vector.broadcast %or3A_503 : vector<64x1xi32> to vector<64x576xi32>
    %ge3A_505 = arith.cmpi sge, %select_n3A_421, %ge3A_504 : vector<64x576xi32>
    %convert_element_type3A_506 = arith.extui %ge3A_505 : vector<64x576xi1> to vector<64x576xi32>
    %reduce_sum3A_507 = arith.constant dense<0> : vector<64xi32>
    %reduce_sum3A_508 = vector.multi_reduction <add>, %convert_element_type3A_506, %reduce_sum3A_507 [1] : vector<64x576xi32> to vector<64xi32>
    %broadcast_in_dim3A_509 = vector.shape_cast %reduce_sum3A_508 : vector<64xi32> to vector<64x1xi32>
    %ge3A_510 = arith.cmpi sge, %broadcast_in_dim3A_509, %sub3A_416 : vector<64x1xi32>
    %select_n3A_511 = arith.select %ge3A_510, %or3A_503, %select_n3A_500 : vector<64x1xi1>, vector<64x1xi32>
    %or3A_512 = arith.constant 2 : i32
    %or3A_513 = vector.broadcast %or3A_512 : i32 to vector<64x1xi32>
    %or3A_514 = arith.ori %select_n3A_511, %or3A_513 : vector<64x1xi32>
    %ge3A_515 = vector.broadcast %or3A_514 : vector<64x1xi32> to vector<64x576xi32>
    %ge3A_516 = arith.cmpi sge, %select_n3A_421, %ge3A_515 : vector<64x576xi32>
    %convert_element_type3A_517 = arith.extui %ge3A_516 : vector<64x576xi1> to vector<64x576xi32>
    %reduce_sum3A_518 = arith.constant dense<0> : vector<64xi32>
    %reduce_sum3A_519 = vector.multi_reduction <add>, %convert_element_type3A_517, %reduce_sum3A_518 [1] : vector<64x576xi32> to vector<64xi32>
    %broadcast_in_dim3A_520 = vector.shape_cast %reduce_sum3A_519 : vector<64xi32> to vector<64x1xi32>
    %ge3A_521 = arith.cmpi sge, %broadcast_in_dim3A_520, %sub3A_416 : vector<64x1xi32>
    %select_n3A_522 = arith.select %ge3A_521, %or3A_514, %select_n3A_511 : vector<64x1xi1>, vector<64x1xi32>
    %or3A_523 = arith.constant 1 : i32
    %or3A_524 = vector.broadcast %or3A_523 : i32 to vector<64x1xi32>
    %or3A_525 = arith.ori %select_n3A_522, %or3A_524 : vector<64x1xi32>
    %ge3A_526 = vector.broadcast %or3A_525 : vector<64x1xi32> to vector<64x576xi32>
    %ge3A_527 = arith.cmpi sge, %select_n3A_421, %ge3A_526 : vector<64x576xi32>
    %convert_element_type3A_528 = arith.extui %ge3A_527 : vector<64x576xi1> to vector<64x576xi32>
    %reduce_sum3A_529 = arith.constant dense<0> : vector<64xi32>
    %reduce_sum3A_530 = vector.multi_reduction <add>, %convert_element_type3A_528, %reduce_sum3A_529 [1] : vector<64x576xi32> to vector<64xi32>
    %broadcast_in_dim3A_531 = vector.shape_cast %reduce_sum3A_530 : vector<64xi32> to vector<64x1xi32>
    %ge3A_532 = arith.cmpi sge, %broadcast_in_dim3A_531, %sub3A_416 : vector<64x1xi32>
    %select_n3A_533 = arith.select %ge3A_532, %or3A_525, %select_n3A_522 : vector<64x1xi1>, vector<64x1xi32>
    %sub3A_534 = arith.constant 1023 : i32
    %sub3A_535 = vector.broadcast %sub3A_534 : i32 to vector<64x1xi32>
    %sub3A_536 = arith.subi %sub3A_535, %select_n3A_533 : vector<64x1xi32>
    %le3A = vector.broadcast %sub3A_536 : vector<64x1xi32> to vector<64x576xi32>
    %le3A_537 = arith.cmpi sle, %iota3A, %le3A : vector<64x576xi32>
    %and3A = arith.andi %eq3A_409, %le3A_537 : vector<64x576xi1>
    %or3A_538 = arith.ori %gt3A_408, %and3A : vector<64x576xi1>
    %convert_element_type3A_539 = arith.extui %or3A_538 : vector<64x576xi1> to vector<64x576xi32>
    %swap3A = arith.constant 0 : index
    %swap3A_540 = arith.constant 0 : index
    %swap3A_541 = vector.load %arg1[%swap3A, %swap3A_540] : memref<64x576xi32, #tpu.memory_space<vmem>>, vector<64x576xi32>
    tpu.vector_store %arg1[%swap3A, %swap3A_540], %convert_element_type3A_539 {strides = array<i32>} : memref<64x576xi32, #tpu.memory_space<vmem>>, vector<64x576xi32>,
    return
  }
}

module attributes {stable_mosaic.version = 14 : i64} {
  func.func @_score_body(%arg0: i32, %arg1: memref<1x576x768xf32, #tpu.memory_space<vmem>>, %arg2: memref<1x1x768xf32, #tpu.memory_space<vmem>>, %arg3: memref<1x1x576xf32, #tpu.memory_space<vmem>>, %arg4: memref<1x1x576xf32, #tpu.memory_space<vmem>>) attributes {dimension_semantics = [#tpu.dimension_semantics<arbitrary>], iteration_bounds = array<i64: 64>, scalar_prefetch = 0 : i64, scratch_operands = 0 : i64, tpu.core_type = #tpu.core_type<tc>, window_params = [{transform_indices = @transform_0, window_bounds = array<i64: 1, 576, 768>}, {transform_indices = @transform_1, window_bounds = array<i64: 1, 1, 768>}, {transform_indices = @transform_2, window_bounds = array<i64: 1, 1, 576>}, {transform_indices = @transform_3, window_bounds = array<i64: 1, 1, 576>}]} {
    %get3A = arith.constant 0 : index
    %get3A_0 = arith.constant 0 : index
    %get3A_1 = arith.constant 0 : index
    %get3A_2 = vector.load %arg1[%get3A, %get3A_0, %get3A_1] : memref<1x576x768xf32, #tpu.memory_space<vmem>>, vector<1x576x768xf32>
    %get3A_3 = vector.shape_cast %get3A_2 : vector<1x576x768xf32> to vector<576x768xf32>
    %get3A_4 = arith.constant 0 : index
    %get3A_5 = arith.constant 0 : index
    %get3A_6 = arith.constant 0 : index
    %get3A_7 = vector.load %arg2[%get3A_4, %get3A_5, %get3A_6] : memref<1x1x768xf32, #tpu.memory_space<vmem>>, vector<1x1x768xf32>
    %get3A_8 = vector.shape_cast %get3A_7 : vector<1x1x768xf32> to vector<1x768xf32>
    %mul3A = arith.mulf %get3A_3, %get3A_3 : vector<576x768xf32>
    %reduce_sum3A = arith.constant dense<0.000000e+00> : vector<576xf32>
    %reduce_sum3A_9 = vector.multi_reduction <add>, %mul3A, %reduce_sum3A [1] : vector<576x768xf32> to vector<576xf32>
    %broadcast_in_dim3A = vector.shape_cast %reduce_sum3A_9 : vector<576xf32> to vector<576x1xf32>
    %sqrt3A = math.sqrt %broadcast_in_dim3A : vector<576x1xf32>
    %div3A = arith.constant 1.000000e+00 : f32
    %div3A_10 = vector.broadcast %div3A : f32 to vector<576x1xf32>
    %div3A_11 = arith.divf %div3A_10, %sqrt3A : vector<576x1xf32>
    %mul3A_12 = vector.broadcast %div3A_11 : vector<576x1xf32> to vector<576x768xf32>
    %mul3A_13 = arith.mulf %get3A_3, %mul3A_12 : vector<576x768xf32>
    %convert_element_type3A = arith.truncf %mul3A_13 : vector<576x768xf32> to vector<576x768xbf16>
    %convert_element_type3A_14 = arith.extf %convert_element_type3A : vector<576x768xbf16> to vector<576x768xf32>
    %dot_general3A = arith.constant dense<0.000000e+00> : vector<576x1xf32>
    %dot_general3A_15 = tpu.matmul %convert_element_type3A_14, %get3A_8, %dot_general3A {dimension_numbers = #tpu.dot_dimension_numbers<[1], [1], [0], [0], [0, 0, 1, 0], [], []>, precision = #tpu.contract_precision<fp32>, transpose_lhs_hint = false} : vector<576x768xf32>, vector<1x768xf32>, vector<576x1xf32> -> vector<576x1xf32>
    %transpose3A = tpu.transpose %dot_general3A_15, [1, 0] : vector<576x1xf32> -> vector<1x576xf32>
    %swap3A = arith.constant 0 : index
    %swap3A_16 = arith.constant 0 : index
    %swap3A_17 = arith.constant 0 : index
    %swap3A_18 = vector.load %arg3[%swap3A, %swap3A_16, %swap3A_17] : memref<1x1x576xf32, #tpu.memory_space<vmem>>, vector<1x1x576xf32>
    %swap3A_19 = vector.shape_cast %swap3A_18 : vector<1x1x576xf32> to vector<1x576xf32>
    %swap3A_20 = vector.shape_cast %transpose3A : vector<1x576xf32> to vector<1x1x576xf32>
    tpu.vector_store %arg3[%swap3A, %swap3A_16, %swap3A_17], %swap3A_20 {strides = array<i32>} : memref<1x1x576xf32, #tpu.memory_space<vmem>>, vector<1x1x576xf32>,
    %transpose3A_21 = tpu.transpose %div3A_11, [1, 0] : vector<576x1xf32> -> vector<1x576xf32>
    %swap3A_22 = arith.constant 0 : index
    %swap3A_23 = arith.constant 0 : index
    %swap3A_24 = arith.constant 0 : index
    %swap3A_25 = vector.load %arg4[%swap3A_22, %swap3A_23, %swap3A_24] : memref<1x1x576xf32, #tpu.memory_space<vmem>>, vector<1x1x576xf32>
    %swap3A_26 = vector.shape_cast %swap3A_25 : vector<1x1x576xf32> to vector<1x576xf32>
    %swap3A_27 = vector.shape_cast %transpose3A_21 : vector<1x576xf32> to vector<1x1x576xf32>
    tpu.vector_store %arg4[%swap3A_22, %swap3A_23, %swap3A_24], %swap3A_27 {strides = array<i32>} : memref<1x1x576xf32, #tpu.memory_space<vmem>>, vector<1x1x576xf32>,
    return
  }
  func.func @transform_0(%arg0: i32) -> (i32, i32, i32) {
    %c0_i32 = arith.constant 0 : i32
    %c0_i32_0 = arith.constant 0 : i32
    %c0_i32_1 = arith.constant 0 : i32
    return %arg0, %c0_i32, %c0_i32_0 : i32, i32, i32
  }
  func.func @transform_1(%arg0: i32) -> (i32, i32, i32) {
    %c0_i32 = arith.constant 0 : i32
    %c0_i32_0 = arith.constant 0 : i32
    %c0_i32_1 = arith.constant 0 : i32
    return %arg0, %c0_i32, %c0_i32_0 : i32, i32, i32
  }
  func.func @transform_2(%arg0: i32) -> (i32, i32, i32) {
    %c0_i32 = arith.constant 0 : i32
    %c0_i32_0 = arith.constant 0 : i32
    %c0_i32_1 = arith.constant 0 : i32
    return %arg0, %c0_i32, %c0_i32_0 : i32, i32, i32
  }
  func.func @transform_3(%arg0: i32) -> (i32, i32, i32) {
    %c0_i32 = arith.constant 0 : i32
    %c0_i32_0 = arith.constant 0 : i32
    %c0_i32_1 = arith.constant 0 : i32
    return %arg0, %c0_i32, %c0_i32_0 : i32, i32, i32
  }
}

</mosaic_0001>

<sc_bundles>
// kernel: kernel.6.cloned.1.call-start
scs
__scs_entry_jumppad:
0x0: {  	(pc) =	sbr.rel $0x88, $3  }
0x1: {  	(tag) =	ssettag $0x0;
	lr =	simm.s32 $0x1  }
0x2: {  	[smem:$0x3F9D] =	sst lr;
	_ =	strace $0xD0000000  }
0x3: {  	_ = 	snop  }
0x4: {  	_ = 	snop  }
0x5: {  	_ = 	snop  }
0x6: {  	_ = 	snop  }
0x7: {  	_ = 	snop  }
__scs_overlays_trampoline_lowered:
0x8: {  	[smem:$0x3FAC] =	sst s0  }
0x9: {  	[smem:$0x3FAD] =	sst s1  }
0xa: {  	[smem:$0x3FAE] =	sst s2  }
0xb: {  	[smem:$0x3FAF] =	sst s3  }
0xc: {  	[smem:$0x3FB0] =	sst s4  }
0xd: {  	[smem:$0x3FB1] =	sst s5  }
0xe: {  	[smem:$0x3FB2] =	sst s6  }
0xf: {  	[smem:$0x3FB3] =	sst s7  }
0x10: {  	[smem:$0x3FB4] =	sst s8  }
0x11: {  	[smem:$0x3FB5] =	sst s9;
	s0 =	simm.s32 @!p0 $0x0  }
0x12: {  	s1 =	sld [smem:$0x3F9B];
	s0 =	simm.s32 @p0 $0x1  }
0x13: {  	[smem:$0x3FB6] =	sst s0;
	s0 =	simm.s32 @!p1 $0x0  }
0x14: {  	s2 =	sld [smem:$0x3F9A];
	s0 =	simm.s32 @p1 $0x1  }
0x15: {  	[smem:$0x3FB7] =	sst s0;
	s0 =	simm.s32 @!p2 $0x0  }
0x16: {  	s3 =	sld [smem:$0x3FDB];
	s0 =	simm.s32 @p2 $0x1  }
0x17: {  	s4 =	simm.s32 $0x1BF5;
	[smem:$0x3FB9] =	sst s0  }
0x18: {  	s0 =	sld [smem:$0x3F9C];
	_ =	swait.ge [sflag:s4], $0x0  }
0x19: {  	s7 =	sld [smem:$0x3F9D]  }
0x1a: {  	s8 =	sadd.s32 $0xFFFFE003, lr  }
0x1b: {  	s9 =	sadd.s32 $0xFFFFFEF7, lr;
	s5 =	simm.s32 $0xFFFFFFFF;
	p2 =	slt.u32 s8, $0xFFFFF086  }
0x1c: {  	p1 =	slt.u32 s9, $0xF7A;
	s5 =	simm.s32 @!p2 $0x0  }
0x1d: {  	s5 =	simm.s32 @p1 $0x1;
	p0 =	seq.s32 s7, s2  }
0x1e: {  	s7 =	smul.u32 @!p0 $0xF7A, s2;
	p2 =	seq.s32 @!p0 s5, $0x0  }
0x1f: {  	s9 =	smul.u32 $0xF7A, s1;
	s8 =	simm.s32 @!p0 $0x1BF5;
	p2 =	por !p2, p0  }
0x20: {  	[sflag:s8] =	ssyncset.s32 @!p0 $0xFFFFF086;
	s6 =	sadd.s32 @!p0 s3, s7;
	s7 =	simm.s32 @!p0 $0x108  }
0x21: {  	s3 =	sadd.s32 s3, s9;
	s6 =	sadd.s32 @!p0 $0x88, s6;
	s7 =	simm.s32 @p2 $0x1082  }
0x22: {  	[simem:s7], [sflag:s8] =	dma.local @!p0 [hbm:s6], $0xF7A  }
0x23: {  	s9 =	sor.u32 $0xD0000000, s2;
	s6 =	simm.s32 $0x108;
	_ =	swait.ge @!p0 [sflag:s8], $0x0  }
0x24: {  	s3 =	sadd.s32 $0x88, s3;
	s6 =	simm.s32 @!p1 $0x1082;
	[sflag:s4] =	ssyncset.s32 $0xFFFFF086  }
0x25: {  	[simem:s6], [sflag:s4] =	dma.local [hbm:s3], $0xF7A  }
0x26: {  	[smem:$0x3F9D] =	sst s1;
	(tag) =	ssettag s2;
	_ =	strace s9  }
0x27: {  	s1 =	sld [smem:$0x3FAD]  }
0x28: {  	s2 =	sld [smem:$0x3FAE]  }
0x29: {  	s4 =	sld [smem:$0x3FB0]  }
0x2a: {  	p0 =	seq.s32 s5, $0x0;
	s5 =	sld [smem:$0x3FB1]  }
0x2b: {  	s6 =	sld [smem:$0x3FB2]  }
0x2c: {  	s7 =	sld [smem:$0x3FB3]  }
0x2d: {  	s3 =	simm.s32 $0x108;
	s8 =	sld [smem:$0x3FB4]  }
0x2e: {  	s3 =	simm.s32 @!p0 $0x1082;
	s9 =	sld [smem:$0x3FB5]  }
0x2f: {  	lr =	sadd.s32 s0, s3;
	s0 =	sld [smem:$0x3FAC]  }
0x30: {  	s3 =	sld [smem:$0x3FAF]  }
0x31: {  	[smem:$0x3FB8] =	sst s10  }
0x32: {  	s10 =	sld [smem:$0x3FB6];
	_ =	sdelay $0x3  }
0x33: {  	p0 =	seq.s32 s10, $0x1;
	s10 =	sld [smem:$0x3FB8];
	_ =	sdelay $0x3  }
0x34: {  	[smem:$0x3FB8] =	sst s10  }
0x35: {  	s10 =	sld [smem:$0x3FB7];
	_ =	sdelay $0x3  }
0x36: {  	p1 =	seq.s32 s10, $0x1;
	s10 =	sld [smem:$0x3FB8];
	_ =	sdelay $0x3  }
0x37: {  	[smem:$0x3FB8] =	sst s10  }
0x38: {  	s10 =	sld [smem:$0x3FB9]  }
0x39: {  	_ = 	snop;
	(pc) =	sbr.ind lr, $3  }
0x3a: {  	_ = 	snop  }
0x3b: {  	_ = 	snop  }
0x3c: {  	p2 =	seq.s32 s10, $0x1;
	s10 =	sld [smem:$0x3FB8]  }
0x3d: {  	_ =	shalt  }
0x3e: {  	_ =	shalt  }
0x3f: {  	_ =	shalt  }
0x40: {  	_ =	shalt  }
0x41: {  	_ =	shalt  }
0x42: {  	_ =	shalt  }
0x43: {  	_ =	shalt  }
0x44: {  	_ =	shalt  }
0x45: {  	_ =	shalt  }
0x46: {  	_ =	shalt  }
0x47: {  	_ =	shalt  }
0x48: {  	_ =	shalt  }
0x49: {  	_ =	shalt  }
0x4a: {  	_ =	shalt  }
0x4b: {  	_ =	shalt  }
0x4c: {  	_ =	shalt  }
0x4d: {  	_ =	shalt  }
0x4e: {  	_ =	shalt  }
0x4f: {  	_ =	shalt  }
0x50: {  	_ =	shalt  }
0x51: {  	_ =	shalt  }
0x52: {  	_ =	shalt  }
0x53: {  	_ =	shalt  }
0x54: {  	_ =	shalt  }
0x55: {  	_ =	shalt  }
0x56: {  	_ =	shalt  }
0x57: {  	_ =	shalt  }
0x58: {  	_ =	shalt  }
0x59: {  	_ =	shalt  }
0x5a: {  	_ =	shalt  }
0x5b: {  	_ =	shalt  }
0x5c: {  	_ =	shalt  }
0x5d: {  	_ =	shalt  }
0x5e: {  	_ =	shalt  }
0x5f: {  	_ =	shalt  }
0x60: {  	_ =	shalt  }
0x61: {  	_ =	shalt  }
0x62: {  	_ =	shalt  }
0x63: {  	_ =	shalt  }
0x64: {  	_ =	shalt  }
0x65: {  	_ =	shalt  }
0x66: {  	_ =	shalt  }
0x67: {  	_ =	shalt  }
0x68: {  	_ =	shalt  }
0x69: {  	_ =	shalt  }
0x6a: {  	_ =	shalt  }
0x6b: {  	_ =	shalt  }
0x6c: {  	_ =	shalt  }
0x6d: {  	_ =	shalt  }
0x6e: {  	_ =	shalt  }
0x6f: {  	_ =	shalt  }
0x70: {  	_ =	shalt  }
0x71: {  	_ =	shalt  }
0x72: {  	_ =	shalt  }
0x73: {  	_ =	shalt  }
0x74: {  	_ =	shalt  }
0x75: {  	_ =	shalt  }
0x76: {  	_ =	shalt  }
0x77: {  	_ =	shalt  }
0x78: {  	_ =	shalt  }
0x79: {  	_ =	shalt  }
0x7a: {  	_ =	shalt  }
0x7b: {  	_ =	shalt  }
0x7c: {  	_ =	shalt  }
0x7d: {  	_ =	shalt  }
0x7e: {  	_ =	shalt  }
0x7f: {  	_ =	shalt  }
0x80: {  	_ =	shalt  }
0x81: {  	_ =	shalt  }
0x82: {  	_ =	shalt  }
0x83: {  	_ =	shalt  }
0x84: {  	_ =	shalt  }
0x85: {  	_ =	shalt  }
0x86: {  	_ =	shalt  }
0x87: {  	_ =	shalt  }
.Lfunc_end0:
.L_simem_size_0:
called_computation_lowered:
.L_overlay_start_0:
0x88: {  	s2 =	sld [smem:$0x3FD9]  }
0x89: {  	s3 =	sld [smem:$0x3FFE];
	_ =	sdelay $0x1  }
0x8a: {  	s1 =	srdreg.scid  }
0x8b: {  	s0 =	sand.u32 $0x1, s1  }
0x8c: {  	s14 =	sshll.u32 s0, $0xA;
	s2 =	sadd.s32 s3, s2  }
0x8d: {  	s2 =	sadd.s32 s2, s14  }
0x8e: {  	[smem:$0x3FC4] =	sst s2  }
0x8f: {  	_ = 	snop  }
0x90: {  	s2 =	sld [smem:$0x3FD0];
	_ =	sdelay $0x2  }
0x91: {  	s4 =	simm.s32 $0xA;
	s5 =	simm.s32 $0x10;
	s15 =	sld [smem:$0x3FC9]  }
0x92: {  	[smem:s5], [sflag:s4] =	dma.local [hbm:s2], $0x1  }
0x93: {  	_ =	swait.eq [sflag:s4], $0x1  }
0x94: {  	[sflag:s4] =	ssyncset.done $0x0  }
0x95: {  	[sflag:s4] =	ssyncadd.s32 $0xFFFFFFFF  }
0x96: {  	s16 =	sld [smem:$0x10];
	(tm) =	ssettm $0x1  }
0x97: {  	s17 =	sld [smem:$0x3FFB];
	_ =	sdelay $0x3  }
0x98: {  	_ =	strace s17  }
0x99: {  	s4 =	sld [smem:$0x3FFC];
	_ =	sdelay $0x3  }
0x9a: {  	_ =	strace s4  }
0x9b: {  	s4 =	sld [smem:$0x3FFD];
	_ =	sdelay $0x3  }
0x9c: {  	_ =	strace s4  }
0x9d: {  	_ =	strace $0x8FFFFFFF  }
0x9e: {  	s18 =	sld [smem:$0x3FDB];
	_ =	sdelay $0x1  }
0x9f: {  	s19 =	simm.s32 $_scs_section_size  }
0xa0: {  	s6 =	simm.s32 $_size__tile_overlayer_lowered;
	s7 =	simm.s32 $_tile_overlayer_lowered  }
0xa1: {  	s22 =	simm.s32 $0x1BFF;
	s21 =	sshll.u32 s7, $0x1;
	s4 =	sadd.s32 s19, s18  }
0xa2: {  	s8 =	simm.s32 $0x0;
	s20 =	sshll.u32 s6, $0x1;
	s6 =	sadd.s32 s21, s4  }
0xa3: {  	[timem:s8], [sflag:s22] =	dma.local [hbm:s6], s20  }
0xa4: {  	_ =	swait.ge [sflag:s22], s20  }
0xa5: {  	s5 =	ssub.s32 $0x0, s20;
	[sflag:s22] =	ssyncset.done $0x0  }
0xa6: {  	[sflag:s22] =	ssyncadd.s32 s5;
	_ =	sdelay $0x1  }
0xa7: {  	s23 =	simm.s32 $0x1B8B  }
0xa8: {  	_ =	swait.ge [sflag:s23], $0x1  }
0xa9: {  	[sflag:s23] =	ssyncset.done $0x0  }
0xaa: {  	s25 =	simm.s32 $0x1B8E;
	s24 =	sld [smem:$0x3FFE];
	[sflag:s23] =	ssyncadd.s32 $0xFFFFFFFF  }
0xab: {  	s26 =	simm.s32 $execute0_lowered;
	[smem:$0x3FD2] =	sst s25  }
0xac: {  	s6 =	sshll.u32 s26, $0x1;
	_ =	strace $0x80000046;
	[dreg:$0x1] =	wrdreg $0xFFFFFFFF  }
0xad: {  	s28 =	simm.s32 $_size_execute0_lowered;
	s4 =	sadd.s32 s4, s6;
	[dreg:$0x0] =	wrdreg $0x0  }
0xae: {  	s6 =	sshll.u32 s28, $0x1;
	[dreg:$0x2] =	wrdreg s4  }
0xaf: {  	[dreg:$0x3] =	wrdreg s6  }
0xb0: {  	[dreg:$0x4] =	wrdreg $0xC0  }
0xb1: {  	_ =	task [dreg:s8], $0x5FFFF  }
0xb2: {  	[dreg:$0x1] =	wrdreg $0xFFFFFFFF  }
0xb3: {  	[dreg:$0x0] =	wrdreg $0x60  }
0xb4: {  	[dreg:$0x2] =	wrdreg s15  }
0xb5: {  	[dreg:$0x3] =	wrdreg s24  }
0xb6: {  	[dreg:$0x4] =	wrdreg s16  }
0xb7: {  	[dreg:$0x5] =	wrdreg $0x9  }
0xb8: {  	_ =	task.clear_ibuf [dreg:s8], $0x6FFFF;
	_ =	strace $0x90000046  }
0xb9: {  	s29 =	simm.s32 $0x9;
	_ =	strace $0x80000048  }
0xba: {  	_ =	swait.ge [sflag:s29], $0x1  }
0xbb: {  	[sflag:s29] =	ssyncadd.s32 $0xFFFFFFFF  }
0xbc: {  	_ =	strace $0x90000048  }
0xbd: {  	_ =	sfence  }
0xbe: {  	s30 =	sld [smem:$0x0];
	_ =	sdelay $0x2  }
0xbf: {  	s31 =	sshll.u32 s1, $0xD;
	s1 =	sshrl.u32 s1, $0x2  }
0xc0: {  	s3 =	sand.u32 $0x4000, s31;
	s1 =	sadd.s32 s1, s30  }
0xc1: {  	s0 =	sor.u32 s3, s0;
	s1 =	sshll.u32 s1, $0x11  }
0xc2: {  	s0 =	sor.u32 s1, s0  }
0xc3: {  	s0 =	sadd.s32 $0x8F2B, s0  }
0xc4: {  	[sflag:s0] =	ssyncadd.remote.s32 $0x1  }
0xc5: {  	_ =	sfence.sel $0xFFFF  }
0xc6: {  	[dreg:$0x0] =	wrdreg $0xFFFFFFFF;
	(pc) =	sbr.abs _section_cstart, $3  }
0xc7: {  	[dreg:$0x1] =	wrdreg $0xFFFFFFFF  }
0xc8: {  	_ =	task.clear_ibuf [dreg:s8], $0x2FFFF;
	_ =	strace $0x9FFFFFFF  }
0xc9: {  	(tm) =	ssettm $0x7FFFFFFF  }
tec
execute0_lowered:
.L_overlay_start_1:
0x0: {  	(tag) =	ssettag $0x1  }
0x1: {  	s1 =	rddreg [dreg:$0x0]  }
0x2: {  	s0 =	rddreg [dreg:$0x1]  }
0x3: {  	s2 =	rddreg [dreg:$0x2];
	s3 =	simm.s32 $0x0;
	s4 =	srdreg.scid  }
0x4: {  	s14 =	stileid.u32;
	s15 =	simm.s32 $0x80;
	s16 =	simm.s32 $0x400  }
0x5: {  	s17 =	simm.s32 $0x2;
	s18 =	simm.s32 $0x280;
	s28 =	simm.s32 $0x16700  }
0x6: {  	s29 =	simm.s32 $0x17700;
	s30 =	simm.s32 $0x17F00;
	s31 =	simm.s32 $0x18700  }
0x7: {  	[smem:$0x7FF] =	sst s3;
	s4 =	sand.u32 $0x1, s4;
	s5 =	sshll.u32 s14, $0x1  }
0x8: {  	s6 =	sshrl.u32 s14, $0x1;
	s9 =	sadd.s32 $0x2400, s0;
	s14 =	smul.u32 $0x900, s14  }
0x9: {  	s11 =	sadd.s32 $0x1000, s0;
	_ =	strace $0x80000047;
	s8 =	smul.u32 $0x1400, s6  }
0xa: {  	s5 =	sor.u32 s4, s5;
	s7 =	ssub.s32 $0x2, s4;
	s4 =	smul.u32 $0x480, s4  }
0xb: {  	s19 =	sshll.u32 s5, $0x8;
	s10 =	sshrl.u32 s7, $0x1;
	s0 =	smul.u32 $0xFFFFFB80, s5  }
0xc: {  	s12 =	sshllo.u32 s5, $0x1;
	s5 =	smul.u32 $0x6C00, s5;
	s6 =	sand.u32 $0x300, s19  }
0xd: {  	s10 =	ssub.s32 s7, s10;
	s22 =	sshll.u32 s12, $0x7;
	s13 =	smul.u32 $0x3600, s12  }
0xe: {  	s25 =	smul.u32 $0xFFFFFDC0, s12;
	s12 =	sadd.s32 s4, s14;
	s19 =	simm.s32 $0x500  }
0xf: {  	s4 =	simm.s32 $0x19F00;
	s20 =	sor.u32 s8, s6;
	s7 =	sand.u32 $0x380, s22  }
0x10: {  	s5 =	sadd.s32 s2, s5;
	s26 =	smax.u32 s10, $0x1;
	s14 =	sadd.s32 $0x240, s12  }
0x11: {  	v0 =	vmov s0;
	s0 =	simm.s32 $0x18F00;
	s22 =	simm.s32 $0x0;
	s6 =	sshrl.u32 s20, $0x3  }
0x12: {  	s8 =	sor.u32 s8, s7;
	s7 =	sadd.s32 $0x200, s1;
	[dreg:$0x6] =	wrdreg s5  }
0x13: {  	s2 =	sadd.s32 s2, s13;
	[dreg:$0xa] =	wrdreg s26;
	s20 =	simm.s32 $0x700  }
0x14: {  	s26 =	simm.s32 $0x15F00;
	s13 =	simm.s32 $0x16F00;
	s5 =	simm.s32 $0x1A700  }
0x15: {  	s21 =	sadd.s32 s9, s6;
	s6 =	sadd.s32 s11, s6;
	[dreg:$0x9] =	wrdreg s2  }
0x16: {  	s8 =	sshrl.u32 s8, $0x3;
	s2 =	simm.s32 $0x19700;
	[dreg:$0x4] =	wrdreg s21  }
0x17: {  	v1 =	vlaneseq.u32;
	[dreg:$0x5] =	wrdreg s6;
	s6 =	sadd.s32 $0x100, s1;
	s23 =	sadd.s32 s9, s8  }
0x18: {  	vm0 =	vmmov $0xffff;
	v4 =	vshrl.u32 v1, $0x3;
	v3 =	vand.u32 $0x7, v1;
	s24 =	sadd.s32 s11, s8;
	s11 =	simm.s32 $0x15700;
	[dreg:$0x7] =	wrdreg s23  }
0x19: {  	v5 =	vor.u32 $0x8, v1;
	v4 =	vmul.u32 $0x8, v4;
	v2 =	vmov s25;
	s21 =	simm.s32 $0x1AF00;
	s8 =	simm.s32 $0x1;
	[dreg:$0x8] =	wrdreg s24  }
.LBB2_1:
0x1a: {  	s9 =	rddreg [dreg:$0x4]  }
0x1b: {  	[tilespmem:s3], [sflag:$0x2] =	stream.strided.gather [hbm4b:s9+s15], $0x280, s16, s15, $0x38;
	[tilespmem:$0x1B700] =	vst v63  }
0x1c: {  	_ =	swait.ge [sflag:s17], $0x280  }
0x1d: {  	[sflag:s17] =	ssyncset.done $0x0  }
0x1e: {  	s24 =	rddreg [dreg:$0x5];
	[sflag:s17] =	ssyncadd.s32 $0xFFFFFD80  }
0x1f: {  	[tilespmem:s18], [sflag:$0x2] =	stream.strided.gather [hbm4b:s24+s15], $0x280, s16, s15, $0x38;
	[tilespmem:$0x1B700] =	vst v63  }
0x20: {  	_ =	swait.ge [sflag:s17], $0x280  }
0x21: {  	[sflag:s17] =	ssyncset.done $0x0  }
0x22: {  	s25 =	simm.s32 $0x0;
	[sflag:s17] =	ssyncadd.s32 $0xFFFFFD80  }
0x23: {  	v6 =	vld [tilespmem:s25+$0x0];
	_ =	sdelay $0x4  }
0x24: {  	(xrf0) =	vadd.scan.msk.s32 $0xffff, v6;
	_ =	sdelay $0x4  }
0x25: {  	v7 =	vmov s3  }
0x26: {  	v7 =	vadd.s32 $0xFFFFFFFF, v7;
	vm1 =	vne.s32 v6, $0x0;
	v6, _, _ =	vpop (xrf0)  }
0x27: {  	v7 =	vbroadcast v7, $0x0;
	(v2sf) =	vpush v6, $0xF;
	_ =	sdelay $0x1  }
0x28: {  	v7 =	vadd.s32 v6, v7;
	_ =	sdelay $0x3  }
0x29: {  	v8 =	vor.u32 s12, v1;
	s23 =	simm.s32 $0x80  }
0x2a: {  	s10 =	simm.s32 $0x0;
	s9 =	smov.u32 s12;
	s24 =	simm.s32 $0x10;
	[tilespmem:v7+s19+$0x0] =	vst.idx.msk vm1, v8  }
.LBB2_2:
0x2b: {  	p0 =	sne.s32 s23, $0x8C0;
	v6 =	vld [tilespmem:s24+$0x0];
	_ =	sdelay $0x4  }
0x2c: {  	vm1 =	vne.s32 v6, $0x0;
	(xrf0) =	vadd.scan.msk.s32 $0xffff, v6;
	_ =	sdelay $0x1  }
0x2d: {  	s24 =	spop (v2sf)  }
0x2e: {  	s10 =	sadd.s32 s10, s24  }
0x2f: {  	v6 =	vmov s10  }
0x30: {  	v6 =	vadd.s32 $0xFFFFFFFF, v6  }
0x31: {  	v6 =	vbroadcast v6, $0x0;
	v7, _, _ =	vpop (xrf0)  }
0x32: {  	(v2sf) =	vpush v7, $0xF  }
0x33: {  	v6 =	vadd.s32 v7, v6;
	_ =	sdelay $0x1  }
.Ltmp0:
0x34: {  	(pc) =	sbr.rel @p0 .LBB2_2-.Ltmp0, $4  }
0x35: {  	s9 =	sadd.s32 $0x10, s9  }
0x36: {  	v7 =	vor.u32 s9, v1  }
0x37: {  	[tilespmem:v6+s19+$0x0] =	vst.idx.msk vm1, v7  }
0x38: {  	s24 =	sshra.s32 s23, $0x2;
	s23 =	sadd.s32 $0x40, s23  }
0x39: {  	_ = 	snop  }
0x3a: {  	v6 =	vld [tilespmem:s24+$0x0];
	_ =	sdelay $0x4  }
0x3b: {  	(xrf0) =	vadd.scan.msk.s32 $0xffff, v6  }
0x3c: {  	s23 =	spop (v2sf)  }
0x3d: {  	s10 =	sadd.s32 s10, s23  }
0x3e: {  	v7 =	vmov s10  }
0x3f: {  	v7 =	vadd.s32 $0xFFFFFFFF, v7  }
0x40: {  	v7 =	vbroadcast v7, $0x0  }
0x41: {  	vm1 =	vne.s32 v6, $0x0;
	v6, _, _ =	vpop (xrf0)  }
0x42: {  	v7 =	vadd.s32 v6, v7;
	_ =	sdelay $0x2  }
0x43: {  	s9 =	sadd.s32 $0x10, s9  }
0x44: {  	v8 =	vor.u32 s9, v1  }
0x45: {  	[tilespmem:v7+s19+$0x0] =	vst.idx.msk vm1, v8  }
0x46: {  	v7 =	vld [tilespmem:$0x500];
	_ =	sdelay $0x4  }
0x47: {  	v7 =	vadd.s32 v0, v7  }
0x48: {  	v8 =	vld [tilespmem:$0x510];
	_ =	sdelay $0x3  }
0x49: {  	v7 =	vld.idx.msk [tilespmem:v7+s18+$0x0], $0xffff  }
0x4a: {  	v8 =	vadd.s32 v0, v8  }
0x4b: {  	v9 =	vld [tilespmem:$0x520];
	_ =	sdelay $0x2  }
0x4c: {  	[tilespmem:$0x600] =	vst v7  }
0x4d: {  	v7 =	vld.idx.msk [tilespmem:v8+s18+$0x0], $0xffff  }
0x4e: {  	v41 =	vadd.s32 v0, v9  }
0x4f: {  	v42 =	vld [tilespmem:$0x530];
	_ =	sdelay $0x2  }
0x50: {  	[tilespmem:$0x610] =	vst v7  }
0x51: {  	v7 =	vld.idx.msk [tilespmem:v41+s18+$0x0], $0xffff  }
0x52: {  	v43 =	vadd.s32 v0, v42  }
0x53: {  	v44 =	vld [tilespmem:$0x540];
	_ =	sdelay $0x2  }
0x54: {  	[tilespmem:$0x620] =	vst v7  }
0x55: {  	v7 =	vld.idx.msk [tilespmem:v43+s18+$0x0], $0xffff  }
0x56: {  	v45 =	vadd.s32 v0, v44  }
0x57: {  	v46 =	vld [tilespmem:$0x550];
	_ =	sdelay $0x2  }
0x58: {  	[tilespmem:$0x630] =	vst v7  }
0x59: {  	v7 =	vld.idx.msk [tilespmem:v45+s18+$0x0], $0xffff  }
0x5a: {  	v47 =	vadd.s32 v0, v46  }
0x5b: {  	v48 =	vld [tilespmem:$0x560];
	_ =	sdelay $0x2  }
0x5c: {  	[tilespmem:$0x640] =	vst v7  }
0x5d: {  	v7 =	vld.idx.msk [tilespmem:v47+s18+$0x0], $0xffff  }
0x5e: {  	v49 =	vadd.s32 v0, v48  }
0x5f: {  	v50 =	vld [tilespmem:$0x570];
	_ =	sdelay $0x2  }
0x60: {  	[tilespmem:$0x650] =	vst v7  }
0x61: {  	v7 =	vld.idx.msk [tilespmem:v49+s18+$0x0], $0xffff  }
0x62: {  	v52 =	vld [tilespmem:$0x580];
	v51 =	vadd.s32 v0, v50  }
0x63: {  	v10 =	vld [tilespmem:$0x500];
	_ =	sdelay $0x2  }
0x64: {  	[tilespmem:$0x660] =	vst v7  }
0x65: {  	v7 =	vld.idx.msk [tilespmem:v51+s18+$0x0], $0xffff  }
0x66: {  	v53 =	vadd.s32 v0, v52;
	v54 =	vshrl.u32 v10, $0x3  }
0x67: {  	v9 =	vmul.u32 $0x30, v54  }
0x68: {  	v10 =	vand.u32 $0x7, v10  }
0x69: {  	v9 =	vor.u32 v10, v9  }
0x6a: {  	[tilespmem:$0x670] =	vst v7;
	v7 =	vperm.xlane v9, v3  }
0x6b: {  	v8 =	vld.idx.msk [tilespmem:v53+s18+$0x0], $0xffff  }
0x6c: {  	v7 =	vadd.s32 v4, v7;
	_ =	sdelay $0x3  }
0x6d: {  	s9 =	simm.s32 $0x0;
	v55 =	vperm.xlane v9, v5;
	[tilespmem:$0x680] =	vst v8  }
0x6e: {  	[tilespmem:s20], [sflag:$0x1] =	stream.indirect_vreg.gather [hbm4b:s1+s9], $0x80, v7, vm0, $0xb8;
	[tilespmem:$0x1B700] =	vst v63  }
0x6f: {  	s23 =	simm.s32 $0xF00;
	v8 =	vadd.s32 v4, v55  }
0x70: {  	[tilespmem:s23], [sflag:$0x1] =	stream.indirect_vreg.gather [hbm4b:s6+s9], $0x80, v7, vm0, $0xb8;
	[tilespmem:$0x1B700] =	vst v63  }
0x71: {  	s24 =	simm.s32 $0x1700  }
0x72: {  	[tilespmem:s24], [sflag:$0x1] =	stream.indirect_vreg.gather [hbm4b:s7+s9], $0x80, v7, vm0, $0xb8;
	[tilespmem:$0x1B700] =	vst v63  }
0x73: {  	s25 =	simm.s32 $0x1F00  }
0x74: {  	[tilespmem:s25], [sflag:$0x1] =	stream.indirect_vreg.gather [hbm4b:s1+s9], $0x80, v8, vm0, $0xb8;
	[tilespmem:$0x1B700] =	vst v63  }
0x75: {  	s23 =	simm.s32 $0x2700  }
0x76: {  	[tilespmem:s23], [sflag:$0x1] =	stream.indirect_vreg.gather [hbm4b:s6+s9], $0x80, v8, vm0, $0xb8;
	[tilespmem:$0x1B700] =	vst v63  }
0x77: {  	s24 =	simm.s32 $0x2F00  }
0x78: {  	[tilespmem:s24], [sflag:$0x1] =	stream.indirect_vreg.gather [hbm4b:s7+s9], $0x80, v8, vm0, $0xb8;
	[tilespmem:$0x1B700] =	vst v63  }
0x79: {  	v7 =	vld [tilespmem:$0x510];
	_ =	sdelay $0x4  }
0x7a: {  	v56 =	vshrl.u32 v7, $0x3  }
0x7b: {  	v8 =	vmul.u32 $0x30, v56  }
0x7c: {  	v7 =	vand.u32 $0x7, v7  }
0x7d: {  	v7 =	vor.u32 v7, v8  }
0x7e: {  	v8 =	vperm.xlane v7, v3;
	_ =	sdelay $0x1  }
0x7f: {  	v8 =	vadd.s32 v4, v8;
	_ =	sdelay $0x3  }
0x80: {  	s25 =	simm.s32 $0x3700;
	v7 =	vperm.xlane v7, v5  }
0x81: {  	[tilespmem:s25], [sflag:$0x1] =	stream.indirect_vreg.gather [hbm4b:s1+s9], $0x80, v8, vm0, $0xb8;
	[tilespmem:$0x1B700] =	vst v63  }
0x82: {  	s23 =	simm.s32 $0x3F00;
	v7 =	vadd.s32 v4, v7  }
0x83: {  	[tilespmem:s23], [sflag:$0x1] =	stream.indirect_vreg.gather [hbm4b:s6+s9], $0x80, v8, vm0, $0xb8;
	[tilespmem:$0x1B700] =	vst v63  }
0x84: {  	s24 =	simm.s32 $0x4700  }
0x85: {  	[tilespmem:s24], [sflag:$0x1] =	stream.indirect_vreg.gather [hbm4b:s7+s9], $0x80, v8, vm0, $0xb8;
	[tilespmem:$0x1B700] =	vst v63  }
0x86: {  	s25 =	simm.s32 $0x4F00  }
0x87: {  	[tilespmem:s25], [sflag:$0x1] =	stream.indirect_vreg.gather [hbm4b:s1+s9], $0x80, v7, vm0, $0xb8;
	[tilespmem:$0x1B700] =	vst v63  }
0x88: {  	s23 =	simm.s32 $0x5700  }
0x89: {  	[tilespmem:s23], [sflag:$0x1] =	stream.indirect_vreg.gather [hbm4b:s6+s9], $0x80, v7, vm0, $0xb8;
	[tilespmem:$0x1B700] =	vst v63  }
0x8a: {  	s24 =	simm.s32 $0x5F00  }
0x8b: {  	[tilespmem:s24], [sflag:$0x1] =	stream.indirect_vreg.gather [hbm4b:s7+s9], $0x80, v7, vm0, $0xb8;
	[tilespmem:$0x1B700] =	vst v63  }
0x8c: {  	v7 =	vld [tilespmem:$0x520];
	_ =	sdelay $0x4  }
0x8d: {  	v57 =	vshrl.u32 v7, $0x3  }
0x8e: {  	v8 =	vmul.u32 $0x30, v57  }
0x8f: {  	v7 =	vand.u32 $0x7, v7  }
0x90: {  	v7 =	vor.u32 v7, v8  }
0x91: {  	v8 =	vperm.xlane v7, v3;
	_ =	sdelay $0x1  }
0x92: {  	v8 =	vadd.s32 v4, v8;
	_ =	sdelay $0x3  }
0x93: {  	s25 =	simm.s32 $0x6700;
	v7 =	vperm.xlane v7, v5  }
0x94: {  	[tilespmem:s25], [sflag:$0x1] =	stream.indirect_vreg.gather [hbm4b:s1+s9], $0x80, v8, vm0, $0xb8;
	[tilespmem:$0x1B700] =	vst v63  }
0x95: {  	s23 =	simm.s32 $0x6F00;
	v7 =	vadd.s32 v4, v7  }
0x96: {  	[tilespmem:s23], [sflag:$0x1] =	stream.indirect_vreg.gather [hbm4b:s6+s9], $0x80, v8, vm0, $0xb8;
	[tilespmem:$0x1B700] =	vst v63  }
0x97: {  	s24 =	simm.s32 $0x7700  }
0x98: {  	[tilespmem:s24], [sflag:$0x1] =	stream.indirect_vreg.gather [hbm4b:s7+s9], $0x80, v8, vm0, $0xb8;
	[tilespmem:$0x1B700] =	vst v63  }
0x99: {  	s25 =	simm.s32 $0x7F00  }
0x9a: {  	[tilespmem:s25], [sflag:$0x1] =	stream.indirect_vreg.gather [hbm4b:s1+s9], $0x80, v7, vm0, $0xb8;
	[tilespmem:$0x1B700] =	vst v63  }
0x9b: {  	s23 =	simm.s32 $0x8700  }
0x9c: {  	[tilespmem:s23], [sflag:$0x1] =	stream.indirect_vreg.gather [hbm4b:s6+s9], $0x80, v7, vm0, $0xb8;
	[tilespmem:$0x1B700] =	vst v63  }
0x9d: {  	s24 =	simm.s32 $0x8F00  }
0x9e: {  	[tilespmem:s24], [sflag:$0x1] =	stream.indirect_vreg.gather [hbm4b:s7+s9], $0x80, v7, vm0, $0xb8;
	[tilespmem:$0x1B700] =	vst v63  }
0x9f: {  	v7 =	vld [tilespmem:$0x530];
	_ =	sdelay $0x4  }
0xa0: {  	v58 =	vshrl.u32 v7, $0x3  }
0xa1: {  	v8 =	vmul.u32 $0x30, v58  }
0xa2: {  	v7 =	vand.u32 $0x7, v7  }
0xa3: {  	v7 =	vor.u32 v7, v8  }
0xa4: {  	v8 =	vperm.xlane v7, v3;
	_ =	sdelay $0x1  }
0xa5: {  	v8 =	vadd.s32 v4, v8;
	_ =	sdelay $0x3  }
0xa6: {  	s25 =	simm.s32 $0x9700;
	v7 =	vperm.xlane v7, v5  }
0xa7: {  	[tilespmem:s25], [sflag:$0x1] =	stream.indirect_vreg.gather [hbm4b:s1+s9], $0x80, v8, vm0, $0xb8;
	[tilespmem:$0x1B700] =	vst v63  }
0xa8: {  	s23 =	simm.s32 $0x9F00;
	v7 =	vadd.s32 v4, v7  }
0xa9: {  	[tilespmem:s23], [sflag:$0x1] =	stream.indirect_vreg.gather [hbm4b:s6+s9], $0x80, v8, vm0, $0xb8;
	[tilespmem:$0x1B700] =	vst v63  }
0xaa: {  	s24 =	simm.s32 $0xA700  }
0xab: {  	[tilespmem:s24], [sflag:$0x1] =	stream.indirect_vreg.gather [hbm4b:s7+s9], $0x80, v8, vm0, $0xb8;
	[tilespmem:$0x1B700] =	vst v63  }
0xac: {  	s25 =	simm.s32 $0xAF00  }
0xad: {  	[tilespmem:s25], [sflag:$0x1] =	stream.indirect_vreg.gather [hbm4b:s1+s9], $0x80, v7, vm0, $0xb8;
	[tilespmem:$0x1B700] =	vst v63  }
0xae: {  	s23 =	simm.s32 $0xB700  }
0xaf: {  	[tilespmem:s23], [sflag:$0x1] =	stream.indirect_vreg.gather [hbm4b:s6+s9], $0x80, v7, vm0, $0xb8;
	[tilespmem:$0x1B700] =	vst v63  }
0xb0: {  	s24 =	simm.s32 $0xBF00  }
0xb1: {  	[tilespmem:s24], [sflag:$0x1] =	stream.indirect_vreg.gather [hbm4b:s7+s9], $0x80, v7, vm0, $0xb8;
	[tilespmem:$0x1B700] =	vst v63  }
0xb2: {  	v7 =	vld.msk [tilespmem:$0x540], $0xff;
	_ =	sdelay $0x4  }
0xb3: {  	v59 =	vshrl.u32 v7, $0x3  }
0xb4: {  	v8 =	vmul.u32 $0x30, v59  }
0xb5: {  	v7 =	vand.u32 $0x7, v7  }
0xb6: {  	v7 =	vor.u32 v7, v8  }
0xb7: {  	v7 =	vperm.xlane v7, v3;
	_ =	sdelay $0x1  }
0xb8: {  	v7 =	vadd.s32 v4, v7;
	_ =	sdelay $0x3  }
0xb9: {  	s25 =	simm.s32 $0xC700  }
0xba: {  	[tilespmem:s25], [sflag:$0x1] =	stream.indirect_vreg.gather [hbm4b:s1+s9], $0x80, v7, vm0, $0xb8;
	[tilespmem:$0x1B700] =	vst v63  }
0xbb: {  	s23 =	simm.s32 $0xCF00  }
0xbc: {  	[tilespmem:s23], [sflag:$0x1] =	stream.indirect_vreg.gather [hbm4b:s6+s9], $0x80, v7, vm0, $0xb8;
	[tilespmem:$0x1B700] =	vst v63  }
0xbd: {  	s24 =	simm.s32 $0xD700  }
0xbe: {  	[tilespmem:s24], [sflag:$0x1] =	stream.indirect_vreg.gather [hbm4b:s7+s9], $0x80, v7, vm0, $0xb8;
	[tilespmem:$0x1B700] =	vst v63  }
0xbf: {  	v7 =	vld [tilespmem:$0x548];
	_ =	sdelay $0x4  }
0xc0: {  	v60 =	vshrl.u32 v7, $0x3  }
0xc1: {  	v8 =	vmul.u32 $0x30, v60  }
0xc2: {  	v7 =	vand.u32 $0x7, v7  }
0xc3: {  	v7 =	vor.u32 v7, v8  }
0xc4: {  	v8 =	vperm.xlane v7, v3;
	_ =	sdelay $0x1  }
0xc5: {  	v8 =	vadd.s32 v4, v8;
	_ =	sdelay $0x3  }
0xc6: {  	s25 =	simm.s32 $0xDF00;
	v7 =	vperm.xlane v7, v5  }
0xc7: {  	[tilespmem:s25], [sflag:$0x1] =	stream.indirect_vreg.gather [hbm4b:s1+s9], $0x80, v8, vm0, $0xb8;
	[tilespmem:$0x1B700] =	vst v63  }
0xc8: {  	s23 =	simm.s32 $0xE700;
	v7 =	vadd.s32 v4, v7  }
0xc9: {  	[tilespmem:s23], [sflag:$0x1] =	stream.indirect_vreg.gather [hbm4b:s6+s9], $0x80, v8, vm0, $0xb8;
	[tilespmem:$0x1B700] =	vst v63  }
0xca: {  	s24 =	simm.s32 $0xEF00  }
0xcb: {  	[tilespmem:s24], [sflag:$0x1] =	stream.indirect_vreg.gather [hbm4b:s7+s9], $0x80, v8, vm0, $0xb8;
	[tilespmem:$0x1B700] =	vst v63  }
0xcc: {  	s25 =	simm.s32 $0xF700  }
0xcd: {  	[tilespmem:s25], [sflag:$0x1] =	stream.indirect_vreg.gather [hbm4b:s1+s9], $0x80, v7, vm0, $0xb8;
	[tilespmem:$0x1B700] =	vst v63  }
0xce: {  	s23 =	simm.s32 $0xFF00  }
0xcf: {  	[tilespmem:s23], [sflag:$0x1] =	stream.indirect_vreg.gather [hbm4b:s6+s9], $0x80, v7, vm0, $0xb8;
	[tilespmem:$0x1B700] =	vst v63  }
0xd0: {  	s24 =	simm.s32 $0x10700  }
0xd1: {  	[tilespmem:s24], [sflag:$0x1] =	stream.indirect_vreg.gather [hbm4b:s7+s9], $0x80, v7, vm0, $0xb8;
	[tilespmem:$0x1B700] =	vst v63  }
0xd2: {  	v7 =	vld [tilespmem:$0x558];
	_ =	sdelay $0x4  }
0xd3: {  	v61 =	vshrl.u32 v7, $0x3  }
0xd4: {  	v8 =	vmul.u32 $0x30, v61  }
0xd5: {  	v7 =	vand.u32 $0x7, v7  }
0xd6: {  	v7 =	vor.u32 v7, v8  }
0xd7: {  	v8 =	vperm.xlane v7, v3;
	_ =	sdelay $0x1  }
0xd8: {  	v8 =	vadd.s32 v4, v8;
	_ =	sdelay $0x3  }
0xd9: {  	s25 =	simm.s32 $0x10F00;
	v7 =	vperm.xlane v7, v5  }
0xda: {  	[tilespmem:s25], [sflag:$0x1] =	stream.indirect_vreg.gather [hbm4b:s1+s9], $0x80, v8, vm0, $0xb8;
	[tilespmem:$0x1B700] =	vst v63  }
0xdb: {  	s23 =	simm.s32 $0x11700;
	v7 =	vadd.s32 v4, v7  }
0xdc: {  	[tilespmem:s23], [sflag:$0x1] =	stream.indirect_vreg.gather [hbm4b:s6+s9], $0x80, v8, vm0, $0xb8;
	[tilespmem:$0x1B700] =	vst v63  }
0xdd: {  	s24 =	simm.s32 $0x11F00  }
0xde: {  	[tilespmem:s24], [sflag:$0x1] =	stream.indirect_vreg.gather [hbm4b:s7+s9], $0x80, v8, vm0, $0xb8;
	[tilespmem:$0x1B700] =	vst v63  }
0xdf: {  	s25 =	simm.s32 $0x12700  }
0xe0: {  	[tilespmem:s25], [sflag:$0x1] =	stream.indirect_vreg.gather [hbm4b:s1+s9], $0x80, v7, vm0, $0xb8;
	[tilespmem:$0x1B700] =	vst v63  }
0xe1: {  	s23 =	simm.s32 $0x12F00  }
0xe2: {  	[tilespmem:s23], [sflag:$0x1] =	stream.indirect_vreg.gather [hbm4b:s6+s9], $0x80, v7, vm0, $0xb8;
	[tilespmem:$0x1B700] =	vst v63  }
0xe3: {  	s24 =	simm.s32 $0x13700  }
0xe4: {  	[tilespmem:s24], [sflag:$0x1] =	stream.indirect_vreg.gather [hbm4b:s7+s9], $0x80, v7, vm0, $0xb8;
	[tilespmem:$0x1B700] =	vst v63  }
0xe5: {  	v7 =	vld [tilespmem:$0x568];
	_ =	sdelay $0x4  }
0xe6: {  	v62 =	vshrl.u32 v7, $0x3  }
0xe7: {  	v8 =	vmul.u32 $0x30, v62  }
0xe8: {  	v7 =	vand.u32 $0x7, v7  }
0xe9: {  	v7 =	vor.u32 v7, v8  }
0xea: {  	v8 =	vperm.xlane v7, v3;
	_ =	sdelay $0x1  }
0xeb: {  	v8 =	vadd.s32 v4, v8;
	_ =	sdelay $0x3  }
0xec: {  	s25 =	simm.s32 $0x13F00;
	v7 =	vperm.xlane v7, v5  }
0xed: {  	[tilespmem:s25], [sflag:$0x1] =	stream.indirect_vreg.gather [hbm4b:s1+s9], $0x80, v8, vm0, $0xb8;
	[tilespmem:$0x1B700] =	vst v63  }
0xee: {  	s23 =	simm.s32 $0x14700;
	v7 =	vadd.s32 v4, v7  }
0xef: {  	[tilespmem:s23], [sflag:$0x1] =	stream.indirect_vreg.gather [hbm4b:s6+s9], $0x80, v8, vm0, $0xb8;
	[tilespmem:$0x1B700] =	vst v63  }
0xf0: {  	s24 =	simm.s32 $0x14F00  }
0xf1: {  	[tilespmem:s24], [sflag:$0x1] =	stream.indirect_vreg.gather [hbm4b:s7+s9], $0x80, v8, vm0, $0xb8;
	[tilespmem:$0x1B700] =	vst v63  }
0xf2: {  	_ = 	snop  }
0xf3: {  	[tilespmem:s11], [sflag:$0x1] =	stream.indirect_vreg.gather [hbm4b:s1+s9], $0x80, v7, vm0, $0xb8;
	[tilespmem:$0x1B700] =	vst v63  }
0xf4: {  	_ = 	snop  }
0xf5: {  	[tilespmem:s26], [sflag:$0x1] =	stream.indirect_vreg.gather [hbm4b:s6+s9], $0x80, v7, vm0, $0xb8;
	[tilespmem:$0x1B700] =	vst v63  }
0xf6: {  	_ = 	snop  }
0xf7: {  	[tilespmem:s28], [sflag:$0x1] =	stream.indirect_vreg.gather [hbm4b:s7+s9], $0x80, v7, vm0, $0xb8;
	[tilespmem:$0x1B700] =	vst v63  }
0xf8: {  	v7 =	vld [tilespmem:$0x578];
	_ =	sdelay $0x4  }
0xf9: {  	v63 =	vshrl.u32 v7, $0x3  }
0xfa: {  	v8 =	vmul.u32 $0x30, v63  }
0xfb: {  	v7 =	vand.u32 $0x7, v7  }
0xfc: {  	v7 =	vor.u32 v7, v8  }
0xfd: {  	v8 =	vperm.xlane v7, v3;
	_ =	sdelay $0x1  }
0xfe: {  	v8 =	vadd.s32 v4, v8;
	_ =	sdelay $0x3  }
0xff: {  	v7 =	vperm.xlane v7, v5  }
0x100: {  	[tilespmem:s13], [sflag:$0x1] =	stream.indirect_vreg.gather [hbm4b:s1+s9], $0x80, v8, vm0, $0xb8;
	[tilespmem:$0x1B700] =	vst v63  }
0x101: {  	v7 =	vadd.s32 v4, v7  }
0x102: {  	[tilespmem:s29], [sflag:$0x1] =	stream.indirect_vreg.gather [hbm4b:s6+s9], $0x80, v8, vm0, $0xb8;
	[tilespmem:$0x1B700] =	vst v63  }
0x103: {  	_ = 	snop  }
0x104: {  	[tilespmem:s30], [sflag:$0x1] =	stream.indirect_vreg.gather [hbm4b:s7+s9], $0x80, v8, vm0, $0xb8;
	[tilespmem:$0x1B700] =	vst v63  }
0x105: {  	_ = 	snop  }
0x106: {  	[tilespmem:s31], [sflag:$0x1] =	stream.indirect_vreg.gather [hbm4b:s1+s9], $0x80, v7, vm0, $0xb8;
	[tilespmem:$0x1B700] =	vst v63  }
0x107: {  	_ = 	snop  }
0x108: {  	[tilespmem:s0], [sflag:$0x1] =	stream.indirect_vreg.gather [hbm4b:s6+s9], $0x80, v7, vm0, $0xb8;
	[tilespmem:$0x1B700] =	vst v63  }
0x109: {  	_ = 	snop  }
0x10a: {  	[tilespmem:s2], [sflag:$0x1] =	stream.indirect_vreg.gather [hbm4b:s7+s9], $0x80, v7, vm0, $0xb8;
	[tilespmem:$0x1B700] =	vst v63  }
0x10b: {  	v7 =	vld.msk [tilespmem:$0x588], $0xff;
	_ =	sdelay $0x3  }
0x10c: {  	(v2sf) =	vpush v6, $0xF  }
0x10d: {  	v6 =	vshrl.u32 v7, $0x3  }
0x10e: {  	v6 =	vmul.u32 $0x30, v6  }
0x10f: {  	v7 =	vand.u32 $0x7, v7  }
0x110: {  	v6 =	vor.u32 v7, v6  }
0x111: {  	v6 =	vperm.xlane v6, v3;
	_ =	sdelay $0x1  }
0x112: {  	v6 =	vadd.s32 v4, v6;
	_ =	sdelay $0x4  }
0x113: {  	[tilespmem:s4], [sflag:$0x1] =	stream.indirect_vreg.gather [hbm4b:s1+s9], $0x80, v6, vm0, $0xb8;
	[tilespmem:$0x1B700] =	vst v63  }
0x114: {  	_ = 	snop  }
0x115: {  	[tilespmem:s5], [sflag:$0x1] =	stream.indirect_vreg.gather [hbm4b:s6+s9], $0x80, v6, vm0, $0xb8;
	[tilespmem:$0x1B700] =	vst v63  }
0x116: {  	s25 =	spop (v2sf)  }
0x117: {  	[tilespmem:s21], [sflag:$0x1] =	stream.indirect_vreg.gather [hbm4b:s7+s9], $0x80, v6, vm0, $0xb8;
	[tilespmem:$0x1B700] =	vst v63  }
0x118: {  	_ =	swait.ge [sflag:s8], $0xD800  }
0x119: {  	[sflag:s8] =	ssyncset.done $0x0  }
0x11a: {  	[sflag:s8] =	ssyncadd.s32 $0xFFFF2800  }
0x11b: {  	_ =	swait.ge [sflag:s8], $0xD800  }
0x11c: {  	[sflag:s8] =	ssyncset.done $0x0  }
0x11d: {  	s10 =	simm.s32 $0x0;
	s23 =	simm.s32 $0x600;
	[sflag:s8] =	ssyncadd.s32 $0xFFFF2800  }
.LBB2_4:
0x11e: {  	s24 =	sshrl.u32 s10, $0x3  }
0x11f: {  	s24 =	smul.u32 $0x6000, s24;
	_ =	sdelay $0x1  }
0x120: {  	s25 =	sand.u32 $0x380, s9;
	s24 =	sshra.s32 s24, $0x2  }
0x121: {  	v6 =	vld.msk [tilespmem:s23+$0x0 ss:$0x0], $0xffff;
	s24 =	sor.u32 s25, s24  }
0x122: {  	v7 =	vld [tilespmem:s24+$0x700]  }
0x123: {  	v8 =	vld [tilespmem:s24+$0x710]  }
0x124: {  	v9 =	vld [tilespmem:s24+$0x720]  }
0x125: {  	v10 =	vld [tilespmem:s24+$0x730]  }
0x126: {  	v11 =	vld [tilespmem:s24+$0x740]  }
0x127: {  	v12 =	vld [tilespmem:s24+$0x750];
	v7 =	vmul.f32 v6, v7  }
0x128: {  	v13 =	vld [tilespmem:s24+$0x760];
	v8 =	vmul.f32 v8, v6  }
0x129: {  	v49 =	vld [tilespmem:s24+$0x770];
	[tilespmem:s24+$0x700] =	vst v7;
	v7 =	vmul.f32 v9, v6  }
0x12a: {  	v51 =	vld [tilespmem:s24+$0xB00];
	v50 =	vmul.f32 v10, v6;
	[tilespmem:s24+$0x710] =	vst v8  }
0x12b: {  	v52 =	vld [tilespmem:s24+$0xB10];
	[tilespmem:s24+$0x720] =	vst v7;
	v7 =	vmul.f32 v11, v6  }
0x12c: {  	v54 =	vld [tilespmem:s24+$0xB20];
	v53 =	vmul.f32 v12, v6;
	[tilespmem:s24+$0x730] =	vst v50  }
0x12d: {  	v55 =	vld [tilespmem:s24+$0xB30];
	[tilespmem:s24+$0x740] =	vst v7;
	v7 =	vmul.f32 v13, v6  }
0x12e: {  	v57 =	vld [tilespmem:s24+$0xB40];
	v56 =	vmul.f32 v49, v6;
	[tilespmem:s24+$0x750] =	vst v53  }
0x12f: {  	v58 =	vld [tilespmem:s24+$0xB50];
	[tilespmem:s24+$0x760] =	vst v7;
	v7 =	vmul.f32 v51, v6  }
0x130: {  	v60 =	vld [tilespmem:s24+$0xB60];
	v59 =	vmul.f32 v52, v6;
	[tilespmem:s24+$0x770] =	vst v56  }
0x131: {  	v61 =	vld [tilespmem:s24+$0xB70];
	[tilespmem:s24+$0xB00] =	vst v7;
	v7 =	vmul.f32 v54, v6  }
0x132: {  	v63 =	vld [tilespmem:s24+$0xF00];
	v62 =	vmul.f32 v55, v6;
	[tilespmem:s24+$0xB10] =	vst v59  }
0x133: {  	v16 =	vld [tilespmem:s24+$0xF10];
	[tilespmem:s24+$0xB20] =	vst v7;
	v7 =	vmul.f32 v57, v6  }
0x134: {  	v18 =	vld [tilespmem:s24+$0xF20];
	v17 =	vmul.f32 v58, v6;
	[tilespmem:s24+$0xB30] =	vst v62  }
0x135: {  	v19 =	vld [tilespmem:s24+$0xF30];
	[tilespmem:s24+$0xB40] =	vst v7;
	v7 =	vmul.f32 v60, v6  }
0x136: {  	v21 =	vld [tilespmem:s24+$0xF40];
	v20 =	vmul.f32 v61, v6;
	[tilespmem:s24+$0xB50] =	vst v17  }
0x137: {  	v22 =	vld [tilespmem:s24+$0xF50];
	[tilespmem:s24+$0xB60] =	vst v7;
	v7 =	vmul.f32 v63, v6  }
0x138: {  	v24 =	vld [tilespmem:s24+$0xF60];
	v23 =	vmul.f32 v16, v6;
	[tilespmem:s24+$0xB70] =	vst v20  }
0x139: {  	v25 =	vld [tilespmem:s24+$0xF70];
	[tilespmem:s24+$0xF00] =	vst v7;
	v7 =	vmul.f32 v18, v6  }
0x13a: {  	v27 =	vld [tilespmem:s24+$0x1300];
	v26 =	vmul.f32 v19, v6;
	[tilespmem:s24+$0xF10] =	vst v23  }
0x13b: {  	v28 =	vld [tilespmem:s24+$0x1310];
	[tilespmem:s24+$0xF20] =	vst v7;
	v7 =	vmul.f32 v21, v6  }
0x13c: {  	v30 =	vld [tilespmem:s24+$0x1320];
	v29 =	vmul.f32 v22, v6;
	[tilespmem:s24+$0xF30] =	vst v26  }
0x13d: {  	v31 =	vld [tilespmem:s24+$0x1330];
	[tilespmem:s24+$0xF40] =	vst v7;
	v7 =	vmul.f32 v24, v6  }
0x13e: {  	v33 =	vld [tilespmem:s24+$0x1340];
	v32 =	vmul.f32 v25, v6;
	[tilespmem:s24+$0xF50] =	vst v29  }
0x13f: {  	v34 =	vld [tilespmem:s24+$0x1350];
	[tilespmem:s24+$0xF60] =	vst v7;
	v7 =	vmul.f32 v27, v6  }
0x140: {  	v36 =	vld [tilespmem:s24+$0x1360];
	v35 =	vmul.f32 v28, v6;
	[tilespmem:s24+$0xF70] =	vst v32  }
0x141: {  	v37 =	vld [tilespmem:s24+$0x1370];
	[tilespmem:s24+$0x1300] =	vst v7;
	v7 =	vmul.f32 v30, v6  }
0x142: {  	v39 =	vld [tilespmem:s24+$0x1700];
	v38 =	vmul.f32 v31, v6;
	[tilespmem:s24+$0x1310] =	vst v35  }
0x143: {  	v40 =	vld [tilespmem:s24+$0x1710];
	[tilespmem:s24+$0x1320] =	vst v7;
	v7 =	vmul.f32 v33, v6  }
0x144: {  	v42 =	vld [tilespmem:s24+$0x1720];
	v41 =	vmul.f32 v34, v6;
	[tilespmem:s24+$0x1330] =	vst v38  }
0x145: {  	v43 =	vld [tilespmem:s24+$0x1730];
	[tilespmem:s24+$0x1340] =	vst v7;
	v7 =	vmul.f32 v36, v6  }
0x146: {  	v45 =	vld [tilespmem:s24+$0x1740];
	v44 =	vmul.f32 v37, v6;
	[tilespmem:s24+$0x1350] =	vst v41  }
0x147: {  	v46 =	vld [tilespmem:s24+$0x1750];
	[tilespmem:s24+$0x1360] =	vst v7;
	v7 =	vmul.f32 v39, v6  }
0x148: {  	v48 =	vld [tilespmem:s24+$0x1760];
	v47 =	vmul.f32 v40, v6;
	[tilespmem:s24+$0x1370] =	vst v44  }
0x149: {  	v49 =	vld [tilespmem:s24+$0x1770];
	[tilespmem:s24+$0x1700] =	vst v7;
	v7 =	vmul.f32 v42, v6  }
0x14a: {  	[tilespmem:s24+$0x1710] =	vst v47;
	v50 =	vmul.f32 v43, v6;
	v51 =	vld [tilespmem:s24+$0x1B00]  }
0x14b: {  	v52 =	vld [tilespmem:s24+$0x1B10];
	[tilespmem:s24+$0x1720] =	vst v7;
	v7 =	vmul.f32 v45, v6  }
0x14c: {  	v53 =	vmul.f32 v46, v6;
	[tilespmem:s24+$0x1730] =	vst v50;
	v54 =	vld [tilespmem:s24+$0x1B20]  }
0x14d: {  	v55 =	vld [tilespmem:s24+$0x1B30];
	[tilespmem:s24+$0x1740] =	vst v7;
	v7 =	vmul.f32 v48, v6  }
0x14e: {  	[tilespmem:s24+$0x1750] =	vst v53;
	v56 =	vmul.f32 v49, v6;
	v57 =	vld [tilespmem:s24+$0x1B40]  }
0x14f: {  	v58 =	vld [tilespmem:s24+$0x1B50];
	[tilespmem:s24+$0x1760] =	vst v7;
	v7 =	vmul.f32 v51, v6  }
0x150: {  	v59 =	vmul.f32 v52, v6;
	[tilespmem:s24+$0x1770] =	vst v56;
	v60 =	vld [tilespmem:s24+$0x1B60]  }
0x151: {  	v61 =	vld [tilespmem:s24+$0x1B70];
	[tilespmem:s24+$0x1B00] =	vst v7;
	v7 =	vmul.f32 v54, v6  }
0x152: {  	v62 =	vmul.f32 v55, v6;
	[tilespmem:s24+$0x1B10] =	vst v59  }
0x153: {  	p0 =	sne.s32 s10, $0x8F;
	[tilespmem:s24+$0x1B20] =	vst v7;
	v7 =	vmul.f32 v57, v6  }
.Ltmp1:
0x154: {  	[tilespmem:s24+$0x1B30] =	vst v62;
	v63 =	vmul.f32 v58, v6;
	(pc) =	sbr.rel @p0 .LBB2_4-.Ltmp1, $4  }
0x155: {  	[tilespmem:s24+$0x1B40] =	vst v7;
	v7 =	vmul.f32 v60, v6  }
0x156: {  	[tilespmem:s24+$0x1B50] =	vst v63;
	v6 =	vmul.f32 v61, v6  }
0x157: {  	[tilespmem:s24+$0x1B60] =	vst v7  }
0x158: {  	s9 =	sadd.s32 $0x80, s9;
	s23 =	sadd.s32 $0x1, s23;
	s10 =	sadd.s32 $0x1, s10;
	[tilespmem:s24+$0x1B70] =	vst v6  }
0x159: {  	s9 =	simm.s32 $0x0;
	s10 =	rddreg [dreg:$0x6]  }
0x15a: {  	[hbm4b:s10+s9] =	stream.linear.scatter [tilespmem:s20], [sflag:$0x2], $0x1B000, $0x38;
	[tilespmem:$0x1B700] =	vst v63  }
0x15b: {  	_ =	swait.ge [sflag:s17], $0x1B000  }
0x15c: {  	[sflag:s17] =	ssyncset.done $0x0  }
0x15d: {  	s23 =	rddreg [dreg:$0x7];
	[sflag:s17] =	ssyncadd.s32 $0xFFFE5000  }
0x15e: {  	[tilespmem:s9], [sflag:$0x2] =	stream.strided.gather [hbm4b:s23+s15], $0x280, s16, s15, $0x38;
	[tilespmem:$0x1B700] =	vst v63  }
0x15f: {  	_ =	swait.ge [sflag:s17], $0x280  }
0x160: {  	[sflag:s17] =	ssyncset.done $0x0  }
0x161: {  	s24 =	rddreg [dreg:$0x8];
	[sflag:s17] =	ssyncadd.s32 $0xFFFFFD80  }
0x162: {  	[tilespmem:s18], [sflag:$0x2] =	stream.strided.gather [hbm4b:s24+s15], $0x280, s16, s15, $0x38;
	[tilespmem:$0x1B700] =	vst v63  }
0x163: {  	_ =	swait.ge [sflag:s17], $0x280  }
0x164: {  	[sflag:s17] =	ssyncset.done $0x0  }
0x165: {  	s25 =	simm.s32 $0x0;
	[sflag:s17] =	ssyncadd.s32 $0xFFFFFD80  }
0x166: {  	v6 =	vld [tilespmem:s25+$0x0];
	_ =	sdelay $0x4  }
0x167: {  	(xrf0) =	vadd.scan.msk.s32 $0xffff, v6;
	_ =	sdelay $0x4  }
0x168: {  	v7 =	vmov s9  }
0x169: {  	v7 =	vadd.s32 $0xFFFFFFFF, v7;
	vm1 =	vne.s32 v6, $0x0;
	v6, _, _ =	vpop (xrf0)  }
0x16a: {  	v7 =	vbroadcast v7, $0x0;
	(v2sf) =	vpush v6, $0xF;
	_ =	sdelay $0x1  }
0x16b: {  	v7 =	vadd.s32 v6, v7;
	_ =	sdelay $0x3  }
0x16c: {  	v8 =	vor.u32 s14, v1  }
0x16d: {  	s10 =	smov.u32 s14;
	s23 =	simm.s32 $0x80;
	s24 =	simm.s32 $0x10;
	[tilespmem:v7+s19+$0x0] =	vst.idx.msk vm1, v8  }
.LBB2_6:
0x16e: {  	p0 =	sne.s32 s23, $0x8C0;
	v6 =	vld [tilespmem:s24+$0x0];
	_ =	sdelay $0x4  }
0x16f: {  	vm1 =	vne.s32 v6, $0x0;
	(xrf0) =	vadd.scan.msk.s32 $0xffff, v6;
	_ =	sdelay $0x1  }
0x170: {  	s24 =	spop (v2sf)  }
0x171: {  	s9 =	sadd.s32 s9, s24  }
0x172: {  	v6 =	vmov s9  }
0x173: {  	v6 =	vadd.s32 $0xFFFFFFFF, v6  }
0x174: {  	v6 =	vbroadcast v6, $0x0;
	v7, _, _ =	vpop (xrf0)  }
0x175: {  	(v2sf) =	vpush v7, $0xF  }
0x176: {  	v6 =	vadd.s32 v7, v6;
	_ =	sdelay $0x1  }
.Ltmp2:
0x177: {  	(pc) =	sbr.rel @p0 .LBB2_6-.Ltmp2, $4  }
0x178: {  	s10 =	sadd.s32 $0x10, s10  }
0x179: {  	v7 =	vor.u32 s10, v1  }
0x17a: {  	[tilespmem:v6+s19+$0x0] =	vst.idx.msk vm1, v7  }
0x17b: {  	s24 =	sshra.s32 s23, $0x2;
	s23 =	sadd.s32 $0x40, s23  }
0x17c: {  	_ = 	snop  }
0x17d: {  	v6 =	vld [tilespmem:s24+$0x0];
	_ =	sdelay $0x4  }
0x17e: {  	(xrf0) =	vadd.scan.msk.s32 $0xffff, v6  }
0x17f: {  	s23 =	spop (v2sf)  }
0x180: {  	s9 =	sadd.s32 s9, s23  }
0x181: {  	v7 =	vmov s9  }
0x182: {  	v7 =	vadd.s32 $0xFFFFFFFF, v7  }
0x183: {  	v7 =	vbroadcast v7, $0x0  }
0x184: {  	vm1 =	vne.s32 v6, $0x0;
	v6, _, _ =	vpop (xrf0)  }
0x185: {  	v7 =	vadd.s32 v6, v7;
	_ =	sdelay $0x2  }
0x186: {  	s10 =	sadd.s32 $0x10, s10  }
0x187: {  	v8 =	vor.u32 s10, v1  }
0x188: {  	[tilespmem:v7+s19+$0x0] =	vst.idx.msk vm1, v8  }
0x189: {  	v7 =	vld [tilespmem:$0x500];
	_ =	sdelay $0x4  }
0x18a: {  	v7 =	vadd.s32 v2, v7  }
0x18b: {  	v8 =	vld [tilespmem:$0x510];
	_ =	sdelay $0x3  }
0x18c: {  	v7 =	vld.idx.msk [tilespmem:v7+s18+$0x0], $0xffff  }
0x18d: {  	v8 =	vadd.s32 v2, v8  }
0x18e: {  	v9 =	vld [tilespmem:$0x520];
	_ =	sdelay $0x2  }
0x18f: {  	[tilespmem:$0x600] =	vst v7  }
0x190: {  	v7 =	vld.idx.msk [tilespmem:v8+s18+$0x0], $0xffff  }
0x191: {  	v41 =	vadd.s32 v2, v9  }
0x192: {  	v42 =	vld [tilespmem:$0x530];
	_ =	sdelay $0x2  }
0x193: {  	[tilespmem:$0x610] =	vst v7  }
0x194: {  	v7 =	vld.idx.msk [tilespmem:v41+s18+$0x0], $0xffff  }
0x195: {  	v43 =	vadd.s32 v2, v42  }
0x196: {  	v44 =	vld [tilespmem:$0x540];
	_ =	sdelay $0x2  }
0x197: {  	[tilespmem:$0x620] =	vst v7  }
0x198: {  	v7 =	vld.idx.msk [tilespmem:v43+s18+$0x0], $0xffff  }
0x199: {  	v45 =	vadd.s32 v2, v44  }
0x19a: {  	v46 =	vld [tilespmem:$0x550];
	_ =	sdelay $0x2  }
0x19b: {  	[tilespmem:$0x630] =	vst v7  }
0x19c: {  	v7 =	vld.idx.msk [tilespmem:v45+s18+$0x0], $0xffff  }
0x19d: {  	v47 =	vadd.s32 v2, v46  }
0x19e: {  	v48 =	vld [tilespmem:$0x560];
	_ =	sdelay $0x2  }
0x19f: {  	[tilespmem:$0x640] =	vst v7  }
0x1a0: {  	v7 =	vld.idx.msk [tilespmem:v47+s18+$0x0], $0xffff  }
0x1a1: {  	v49 =	vadd.s32 v2, v48  }
0x1a2: {  	v50 =	vld [tilespmem:$0x570];
	_ =	sdelay $0x2  }
0x1a3: {  	[tilespmem:$0x650] =	vst v7  }
0x1a4: {  	v7 =	vld.idx.msk [tilespmem:v49+s18+$0x0], $0xffff  }
0x1a5: {  	v52 =	vld [tilespmem:$0x580];
	v51 =	vadd.s32 v2, v50  }
0x1a6: {  	v10 =	vld [tilespmem:$0x500];
	_ =	sdelay $0x2  }
0x1a7: {  	[tilespmem:$0x660] =	vst v7  }
0x1a8: {  	v7 =	vld.idx.msk [tilespmem:v51+s18+$0x0], $0xffff  }
0x1a9: {  	v53 =	vadd.s32 v2, v52;
	v54 =	vshrl.u32 v10, $0x3  }
0x1aa: {  	v9 =	vmul.u32 $0x30, v54  }
0x1ab: {  	v10 =	vand.u32 $0x7, v10  }
0x1ac: {  	v9 =	vor.u32 v10, v9  }
0x1ad: {  	[tilespmem:$0x670] =	vst v7;
	v7 =	vperm.xlane v9, v3  }
0x1ae: {  	v8 =	vld.idx.msk [tilespmem:v53+s18+$0x0], $0xffff  }
0x1af: {  	v7 =	vadd.s32 v4, v7;
	_ =	sdelay $0x3  }
0x1b0: {  	s9 =	simm.s32 $0x0;
	v55 =	vperm.xlane v9, v5;
	[tilespmem:$0x680] =	vst v8  }
0x1b1: {  	[tilespmem:s20], [sflag:$0x1] =	stream.indirect_vreg.gather [hbm4b:s1+s9], $0x80, v7, vm0, $0xb8;
	[tilespmem:$0x1B700] =	vst v63  }
0x1b2: {  	s23 =	simm.s32 $0xF00;
	v8 =	vadd.s32 v4, v55  }
0x1b3: {  	[tilespmem:s23], [sflag:$0x1] =	stream.indirect_vreg.gather [hbm4b:s6+s9], $0x80, v7, vm0, $0xb8;
	[tilespmem:$0x1B700] =	vst v63  }
0x1b4: {  	s24 =	simm.s32 $0x1700  }
0x1b5: {  	[tilespmem:s24], [sflag:$0x1] =	stream.indirect_vreg.gather [hbm4b:s7+s9], $0x80, v7, vm0, $0xb8;
	[tilespmem:$0x1B700] =	vst v63  }
0x1b6: {  	s25 =	simm.s32 $0x1F00  }
0x1b7: {  	[tilespmem:s25], [sflag:$0x1] =	stream.indirect_vreg.gather [hbm4b:s1+s9], $0x80, v8, vm0, $0xb8;
	[tilespmem:$0x1B700] =	vst v63  }
0x1b8: {  	s23 =	simm.s32 $0x2700  }
0x1b9: {  	[tilespmem:s23], [sflag:$0x1] =	stream.indirect_vreg.gather [hbm4b:s6+s9], $0x80, v8, vm0, $0xb8;
	[tilespmem:$0x1B700] =	vst v63  }
0x1ba: {  	s24 =	simm.s32 $0x2F00  }
0x1bb: {  	[tilespmem:s24], [sflag:$0x1] =	stream.indirect_vreg.gather [hbm4b:s7+s9], $0x80, v8, vm0, $0xb8;
	[tilespmem:$0x1B700] =	vst v63  }
0x1bc: {  	v7 =	vld [tilespmem:$0x510];
	_ =	sdelay $0x4  }
0x1bd: {  	v56 =	vshrl.u32 v7, $0x3  }
0x1be: {  	v8 =	vmul.u32 $0x30, v56  }
0x1bf: {  	v7 =	vand.u32 $0x7, v7  }
0x1c0: {  	v7 =	vor.u32 v7, v8  }
0x1c1: {  	v8 =	vperm.xlane v7, v3;
	_ =	sdelay $0x1  }
0x1c2: {  	v8 =	vadd.s32 v4, v8;
	_ =	sdelay $0x3  }
0x1c3: {  	s25 =	simm.s32 $0x3700;
	v7 =	vperm.xlane v7, v5  }
0x1c4: {  	[tilespmem:s25], [sflag:$0x1] =	stream.indirect_vreg.gather [hbm4b:s1+s9], $0x80, v8, vm0, $0xb8;
	[tilespmem:$0x1B700] =	vst v63  }
0x1c5: {  	s23 =	simm.s32 $0x3F00;
	v7 =	vadd.s32 v4, v7  }
0x1c6: {  	[tilespmem:s23], [sflag:$0x1] =	stream.indirect_vreg.gather [hbm4b:s6+s9], $0x80, v8, vm0, $0xb8;
	[tilespmem:$0x1B700] =	vst v63  }
0x1c7: {  	s24 =	simm.s32 $0x4700  }
0x1c8: {  	[tilespmem:s24], [sflag:$0x1] =	stream.indirect_vreg.gather [hbm4b:s7+s9], $0x80, v8, vm0, $0xb8;
	[tilespmem:$0x1B700] =	vst v63  }
0x1c9: {  	s25 =	simm.s32 $0x4F00  }
0x1ca: {  	[tilespmem:s25], [sflag:$0x1] =	stream.indirect_vreg.gather [hbm4b:s1+s9], $0x80, v7, vm0, $0xb8;
	[tilespmem:$0x1B700] =	vst v63  }
0x1cb: {  	s23 =	simm.s32 $0x5700  }
0x1cc: {  	[tilespmem:s23], [sflag:$0x1] =	stream.indirect_vreg.gather [hbm4b:s6+s9], $0x80, v7, vm0, $0xb8;
	[tilespmem:$0x1B700] =	vst v63  }
0x1cd: {  	s24 =	simm.s32 $0x5F00  }
0x1ce: {  	[tilespmem:s24], [sflag:$0x1] =	stream.indirect_vreg.gather [hbm4b:s7+s9], $0x80, v7, vm0, $0xb8;
	[tilespmem:$0x1B700] =	vst v63  }
0x1cf: {  	v7 =	vld [tilespmem:$0x520];
	_ =	sdelay $0x4  }
0x1d0: {  	v57 =	vshrl.u32 v7, $0x3  }
0x1d1: {  	v8 =	vmul.u32 $0x30, v57  }
0x1d2: {  	v7 =	vand.u32 $0x7, v7  }
0x1d3: {  	v7 =	vor.u32 v7, v8  }
0x1d4: {  	v8 =	vperm.xlane v7, v3;
	_ =	sdelay $0x1  }
0x1d5: {  	v8 =	vadd.s32 v4, v8;
	_ =	sdelay $0x3  }
0x1d6: {  	s25 =	simm.s32 $0x6700;
	v7 =	vperm.xlane v7, v5  }
0x1d7: {  	[tilespmem:s25], [sflag:$0x1] =	stream.indirect_vreg.gather [hbm4b:s1+s9], $0x80, v8, vm0, $0xb8;
	[tilespmem:$0x1B700] =	vst v63  }
0x1d8: {  	s23 =	simm.s32 $0x6F00;
	v7 =	vadd.s32 v4, v7  }
0x1d9: {  	[tilespmem:s23], [sflag:$0x1] =	stream.indirect_vreg.gather [hbm4b:s6+s9], $0x80, v8, vm0, $0xb8;
	[tilespmem:$0x1B700] =	vst v63  }
0x1da: {  	s24 =	simm.s32 $0x7700  }
0x1db: {  	[tilespmem:s24], [sflag:$0x1] =	stream.indirect_vreg.gather [hbm4b:s7+s9], $0x80, v8, vm0, $0xb8;
	[tilespmem:$0x1B700] =	vst v63  }
0x1dc: {  	s25 =	simm.s32 $0x7F00  }
0x1dd: {  	[tilespmem:s25], [sflag:$0x1] =	stream.indirect_vreg.gather [hbm4b:s1+s9], $0x80, v7, vm0, $0xb8;
	[tilespmem:$0x1B700] =	vst v63  }
0x1de: {  	s23 =	simm.s32 $0x8700  }
0x1df: {  	[tilespmem:s23], [sflag:$0x1] =	stream.indirect_vreg.gather [hbm4b:s6+s9], $0x80, v7, vm0, $0xb8;
	[tilespmem:$0x1B700] =	vst v63  }
0x1e0: {  	s24 =	simm.s32 $0x8F00  }
0x1e1: {  	[tilespmem:s24], [sflag:$0x1] =	stream.indirect_vreg.gather [hbm4b:s7+s9], $0x80, v7, vm0, $0xb8;
	[tilespmem:$0x1B700] =	vst v63  }
0x1e2: {  	v7 =	vld [tilespmem:$0x530];
	_ =	sdelay $0x4  }
0x1e3: {  	v58 =	vshrl.u32 v7, $0x3  }
0x1e4: {  	v8 =	vmul.u32 $0x30, v58  }
0x1e5: {  	v7 =	vand.u32 $0x7, v7  }
0x1e6: {  	v7 =	vor.u32 v7, v8  }
0x1e7: {  	v8 =	vperm.xlane v7, v3;
	_ =	sdelay $0x1  }
0x1e8: {  	v8 =	vadd.s32 v4, v8;
	_ =	sdelay $0x3  }
0x1e9: {  	s25 =	simm.s32 $0x9700;
	v7 =	vperm.xlane v7, v5  }
0x1ea: {  	[tilespmem:s25], [sflag:$0x1] =	stream.indirect_vreg.gather [hbm4b:s1+s9], $0x80, v8, vm0, $0xb8;
	[tilespmem:$0x1B700] =	vst v63  }
0x1eb: {  	s23 =	simm.s32 $0x9F00;
	v7 =	vadd.s32 v4, v7  }
0x1ec: {  	[tilespmem:s23], [sflag:$0x1] =	stream.indirect_vreg.gather [hbm4b:s6+s9], $0x80, v8, vm0, $0xb8;
	[tilespmem:$0x1B700] =	vst v63  }
0x1ed: {  	s24 =	simm.s32 $0xA700  }
0x1ee: {  	[tilespmem:s24], [sflag:$0x1] =	stream.indirect_vreg.gather [hbm4b:s7+s9], $0x80, v8, vm0, $0xb8;
	[tilespmem:$0x1B700] =	vst v63  }
0x1ef: {  	s25 =	simm.s32 $0xAF00  }
0x1f0: {  	[tilespmem:s25], [sflag:$0x1] =	stream.indirect_vreg.gather [hbm4b:s1+s9], $0x80, v7, vm0, $0xb8;
	[tilespmem:$0x1B700] =	vst v63  }
0x1f1: {  	s23 =	simm.s32 $0xB700  }
0x1f2: {  	[tilespmem:s23], [sflag:$0x1] =	stream.indirect_vreg.gather [hbm4b:s6+s9], $0x80, v7, vm0, $0xb8;
	[tilespmem:$0x1B700] =	vst v63  }
0x1f3: {  	s24 =	simm.s32 $0xBF00  }
0x1f4: {  	[tilespmem:s24], [sflag:$0x1] =	stream.indirect_vreg.gather [hbm4b:s7+s9], $0x80, v7, vm0, $0xb8;
	[tilespmem:$0x1B700] =	vst v63  }
0x1f5: {  	v7 =	vld.msk [tilespmem:$0x540], $0xff;
	_ =	sdelay $0x4  }
0x1f6: {  	v59 =	vshrl.u32 v7, $0x3  }
0x1f7: {  	v8 =	vmul.u32 $0x30, v59  }
0x1f8: {  	v7 =	vand.u32 $0x7, v7  }
0x1f9: {  	v7 =	vor.u32 v7, v8  }
0x1fa: {  	v7 =	vperm.xlane v7, v3;
	_ =	sdelay $0x1  }
0x1fb: {  	v7 =	vadd.s32 v4, v7;
	_ =	sdelay $0x3  }
0x1fc: {  	s25 =	simm.s32 $0xC700  }
0x1fd: {  	[tilespmem:s25], [sflag:$0x1] =	stream.indirect_vreg.gather [hbm4b:s1+s9], $0x80, v7, vm0, $0xb8;
	[tilespmem:$0x1B700] =	vst v63  }
0x1fe: {  	s23 =	simm.s32 $0xCF00  }
0x1ff: {  	[tilespmem:s23], [sflag:$0x1] =	stream.indirect_vreg.gather [hbm4b:s6+s9], $0x80, v7, vm0, $0xb8;
	[tilespmem:$0x1B700] =	vst v63  }
0x200: {  	s24 =	simm.s32 $0xD700  }
0x201: {  	[tilespmem:s24], [sflag:$0x1] =	stream.indirect_vreg.gather [hbm4b:s7+s9], $0x80, v7, vm0, $0xb8;
	[tilespmem:$0x1B700] =	vst v63  }
0x202: {  	v7 =	vld [tilespmem:$0x548];
	_ =	sdelay $0x4  }
0x203: {  	v60 =	vshrl.u32 v7, $0x3  }
0x204: {  	v8 =	vmul.u32 $0x30, v60  }
0x205: {  	v7 =	vand.u32 $0x7, v7  }
0x206: {  	v7 =	vor.u32 v7, v8  }
0x207: {  	v8 =	vperm.xlane v7, v3;
	_ =	sdelay $0x1  }
0x208: {  	v8 =	vadd.s32 v4, v8;
	_ =	sdelay $0x3  }
0x209: {  	s25 =	simm.s32 $0xDF00;
	v7 =	vperm.xlane v7, v5  }
0x20a: {  	[tilespmem:s25], [sflag:$0x1] =	stream.indirect_vreg.gather [hbm4b:s1+s9], $0x80, v8, vm0, $0xb8;
	[tilespmem:$0x1B700] =	vst v63  }
0x20b: {  	s23 =	simm.s32 $0xE700;
	v7 =	vadd.s32 v4, v7  }
0x20c: {  	[tilespmem:s23], [sflag:$0x1] =	stream.indirect_vreg.gather [hbm4b:s6+s9], $0x80, v8, vm0, $0xb8;
	[tilespmem:$0x1B700] =	vst v63  }
0x20d: {  	s24 =	simm.s32 $0xEF00  }
0x20e: {  	[tilespmem:s24], [sflag:$0x1] =	stream.indirect_vreg.gather [hbm4b:s7+s9], $0x80, v8, vm0, $0xb8;
	[tilespmem:$0x1B700] =	vst v63  }
0x20f: {  	s25 =	simm.s32 $0xF700  }
0x210: {  	[tilespmem:s25], [sflag:$0x1] =	stream.indirect_vreg.gather [hbm4b:s1+s9], $0x80, v7, vm0, $0xb8;
	[tilespmem:$0x1B700] =	vst v63  }
0x211: {  	s23 =	simm.s32 $0xFF00  }
0x212: {  	[tilespmem:s23], [sflag:$0x1] =	stream.indirect_vreg.gather [hbm4b:s6+s9], $0x80, v7, vm0, $0xb8;
	[tilespmem:$0x1B700] =	vst v63  }
0x213: {  	s24 =	simm.s32 $0x10700  }
0x214: {  	[tilespmem:s24], [sflag:$0x1] =	stream.indirect_vreg.gather [hbm4b:s7+s9], $0x80, v7, vm0, $0xb8;
	[tilespmem:$0x1B700] =	vst v63  }
0x215: {  	v7 =	vld [tilespmem:$0x558];
	_ =	sdelay $0x4  }
0x216: {  	v61 =	vshrl.u32 v7, $0x3  }
0x217: {  	v8 =	vmul.u32 $0x30, v61  }
0x218: {  	v7 =	vand.u32 $0x7, v7  }
0x219: {  	v7 =	vor.u32 v7, v8  }
0x21a: {  	v8 =	vperm.xlane v7, v3;
	_ =	sdelay $0x1  }
0x21b: {  	v8 =	vadd.s32 v4, v8;
	_ =	sdelay $0x3  }
0x21c: {  	s25 =	simm.s32 $0x10F00;
	v7 =	vperm.xlane v7, v5  }
0x21d: {  	[tilespmem:s25], [sflag:$0x1] =	stream.indirect_vreg.gather [hbm4b:s1+s9], $0x80, v8, vm0, $0xb8;
	[tilespmem:$0x1B700] =	vst v63  }
0x21e: {  	s23 =	simm.s32 $0x11700;
	v7 =	vadd.s32 v4, v7  }
0x21f: {  	[tilespmem:s23], [sflag:$0x1] =	stream.indirect_vreg.gather [hbm4b:s6+s9], $0x80, v8, vm0, $0xb8;
	[tilespmem:$0x1B700] =	vst v63  }
0x220: {  	s24 =	simm.s32 $0x11F00  }
0x221: {  	[tilespmem:s24], [sflag:$0x1] =	stream.indirect_vreg.gather [hbm4b:s7+s9], $0x80, v8, vm0, $0xb8;
	[tilespmem:$0x1B700] =	vst v63  }
0x222: {  	s25 =	simm.s32 $0x12700  }
0x223: {  	[tilespmem:s25], [sflag:$0x1] =	stream.indirect_vreg.gather [hbm4b:s1+s9], $0x80, v7, vm0, $0xb8;
	[tilespmem:$0x1B700] =	vst v63  }
0x224: {  	s23 =	simm.s32 $0x12F00  }
0x225: {  	[tilespmem:s23], [sflag:$0x1] =	stream.indirect_vreg.gather [hbm4b:s6+s9], $0x80, v7, vm0, $0xb8;
	[tilespmem:$0x1B700] =	vst v63  }
0x226: {  	s24 =	simm.s32 $0x13700  }
0x227: {  	[tilespmem:s24], [sflag:$0x1] =	stream.indirect_vreg.gather [hbm4b:s7+s9], $0x80, v7, vm0, $0xb8;
	[tilespmem:$0x1B700] =	vst v63  }
0x228: {  	v7 =	vld [tilespmem:$0x568];
	_ =	sdelay $0x4  }
0x229: {  	v62 =	vshrl.u32 v7, $0x3  }
0x22a: {  	v8 =	vmul.u32 $0x30, v62  }
0x22b: {  	v7 =	vand.u32 $0x7, v7  }
0x22c: {  	v7 =	vor.u32 v7, v8  }
0x22d: {  	v8 =	vperm.xlane v7, v3;
	_ =	sdelay $0x1  }
0x22e: {  	v8 =	vadd.s32 v4, v8;
	_ =	sdelay $0x3  }
0x22f: {  	s25 =	simm.s32 $0x13F00;
	v7 =	vperm.xlane v7, v5  }
0x230: {  	[tilespmem:s25], [sflag:$0x1] =	stream.indirect_vreg.gather [hbm4b:s1+s9], $0x80, v8, vm0, $0xb8;
	[tilespmem:$0x1B700] =	vst v63  }
0x231: {  	s23 =	simm.s32 $0x14700;
	v7 =	vadd.s32 v4, v7  }
0x232: {  	[tilespmem:s23], [sflag:$0x1] =	stream.indirect_vreg.gather [hbm4b:s6+s9], $0x80, v8, vm0, $0xb8;
	[tilespmem:$0x1B700] =	vst v63  }
0x233: {  	s24 =	simm.s32 $0x14F00  }
0x234: {  	[tilespmem:s24], [sflag:$0x1] =	stream.indirect_vreg.gather [hbm4b:s7+s9], $0x80, v8, vm0, $0xb8;
	[tilespmem:$0x1B700] =	vst v63  }
0x235: {  	_ = 	snop  }
0x236: {  	[tilespmem:s11], [sflag:$0x1] =	stream.indirect_vreg.gather [hbm4b:s1+s9], $0x80, v7, vm0, $0xb8;
	[tilespmem:$0x1B700] =	vst v63  }
0x237: {  	_ = 	snop  }
0x238: {  	[tilespmem:s26], [sflag:$0x1] =	stream.indirect_vreg.gather [hbm4b:s6+s9], $0x80, v7, vm0, $0xb8;
	[tilespmem:$0x1B700] =	vst v63  }
0x239: {  	_ = 	snop  }
0x23a: {  	[tilespmem:s28], [sflag:$0x1] =	stream.indirect_vreg.gather [hbm4b:s7+s9], $0x80, v7, vm0, $0xb8;
	[tilespmem:$0x1B700] =	vst v63  }
0x23b: {  	v7 =	vld [tilespmem:$0x578];
	_ =	sdelay $0x4  }
0x23c: {  	v63 =	vshrl.u32 v7, $0x3  }
0x23d: {  	v8 =	vmul.u32 $0x30, v63  }
0x23e: {  	v7 =	vand.u32 $0x7, v7  }
0x23f: {  	v7 =	vor.u32 v7, v8  }
0x240: {  	v8 =	vperm.xlane v7, v3;
	_ =	sdelay $0x1  }
0x241: {  	v8 =	vadd.s32 v4, v8;
	_ =	sdelay $0x3  }
0x242: {  	v7 =	vperm.xlane v7, v5  }
0x243: {  	[tilespmem:s13], [sflag:$0x1] =	stream.indirect_vreg.gather [hbm4b:s1+s9], $0x80, v8, vm0, $0xb8;
	[tilespmem:$0x1B700] =	vst v63  }
0x244: {  	v7 =	vadd.s32 v4, v7  }
0x245: {  	[tilespmem:s29], [sflag:$0x1] =	stream.indirect_vreg.gather [hbm4b:s6+s9], $0x80, v8, vm0, $0xb8;
	[tilespmem:$0x1B700] =	vst v63  }
0x246: {  	_ = 	snop  }
0x247: {  	[tilespmem:s30], [sflag:$0x1] =	stream.indirect_vreg.gather [hbm4b:s7+s9], $0x80, v8, vm0, $0xb8;
	[tilespmem:$0x1B700] =	vst v63  }
0x248: {  	_ = 	snop  }
0x249: {  	[tilespmem:s31], [sflag:$0x1] =	stream.indirect_vreg.gather [hbm4b:s1+s9], $0x80, v7, vm0, $0xb8;
	[tilespmem:$0x1B700] =	vst v63  }
0x24a: {  	_ = 	snop  }
0x24b: {  	[tilespmem:s0], [sflag:$0x1] =	stream.indirect_vreg.gather [hbm4b:s6+s9], $0x80, v7, vm0, $0xb8;
	[tilespmem:$0x1B700] =	vst v63  }
0x24c: {  	_ = 	snop  }
0x24d: {  	[tilespmem:s2], [sflag:$0x1] =	stream.indirect_vreg.gather [hbm4b:s7+s9], $0x80, v7, vm0, $0xb8;
	[tilespmem:$0x1B700] =	vst v63  }
0x24e: {  	v7 =	vld.msk [tilespmem:$0x588], $0xff;
	_ =	sdelay $0x3  }
0x24f: {  	(v2sf) =	vpush v6, $0xF  }
0x250: {  	v6 =	vshrl.u32 v7, $0x3  }
0x251: {  	v6 =	vmul.u32 $0x30, v6  }
0x252: {  	v7 =	vand.u32 $0x7, v7  }
0x253: {  	v6 =	vor.u32 v7, v6  }
0x254: {  	v6 =	vperm.xlane v6, v3;
	_ =	sdelay $0x1  }
0x255: {  	v6 =	vadd.s32 v4, v6;
	_ =	sdelay $0x4  }
0x256: {  	[tilespmem:s4], [sflag:$0x1] =	stream.indirect_vreg.gather [hbm4b:s1+s9], $0x80, v6, vm0, $0xb8;
	[tilespmem:$0x1B700] =	vst v63  }
0x257: {  	_ = 	snop  }
0x258: {  	[tilespmem:s5], [sflag:$0x1] =	stream.indirect_vreg.gather [hbm4b:s6+s9], $0x80, v6, vm0, $0xb8;
	[tilespmem:$0x1B700] =	vst v63  }
0x259: {  	s25 =	spop (v2sf)  }
0x25a: {  	[tilespmem:s21], [sflag:$0x1] =	stream.indirect_vreg.gather [hbm4b:s7+s9], $0x80, v6, vm0, $0xb8;
	[tilespmem:$0x1B700] =	vst v63  }
0x25b: {  	_ =	swait.ge [sflag:s8], $0xD800  }
0x25c: {  	[sflag:s8] =	ssyncset.done $0x0  }
0x25d: {  	[sflag:s8] =	ssyncadd.s32 $0xFFFF2800  }
0x25e: {  	_ =	swait.ge [sflag:s8], $0xD800  }
0x25f: {  	[sflag:s8] =	ssyncset.done $0x0  }
0x260: {  	s10 =	simm.s32 $0x0;
	s23 =	simm.s32 $0x600;
	[sflag:s8] =	ssyncadd.s32 $0xFFFF2800  }
.LBB2_8:
0x261: {  	s24 =	sshrl.u32 s10, $0x3  }
0x262: {  	s24 =	smul.u32 $0x6000, s24;
	_ =	sdelay $0x1  }
0x263: {  	s25 =	sand.u32 $0x380, s9;
	s24 =	sshra.s32 s24, $0x2  }
0x264: {  	v6 =	vld.msk [tilespmem:s23+$0x0 ss:$0x0], $0xffff;
	s24 =	sor.u32 s25, s24  }
0x265: {  	v7 =	vld [tilespmem:s24+$0x700]  }
0x266: {  	v8 =	vld [tilespmem:s24+$0x710]  }
0x267: {  	v9 =	vld [tilespmem:s24+$0x720]  }
0x268: {  	v10 =	vld [tilespmem:s24+$0x730]  }
0x269: {  	v11 =	vld [tilespmem:s24+$0x740]  }
0x26a: {  	v12 =	vld [tilespmem:s24+$0x750];
	v7 =	vmul.f32 v6, v7  }
0x26b: {  	v13 =	vld [tilespmem:s24+$0x760];
	v8 =	vmul.f32 v8, v6  }
0x26c: {  	v49 =	vld [tilespmem:s24+$0x770];
	[tilespmem:s24+$0x700] =	vst v7;
	v7 =	vmul.f32 v9, v6  }
0x26d: {  	v51 =	vld [tilespmem:s24+$0xB00];
	v50 =	vmul.f32 v10, v6;
	[tilespmem:s24+$0x710] =	vst v8  }
0x26e: {  	v52 =	vld [tilespmem:s24+$0xB10];
	[tilespmem:s24+$0x720] =	vst v7;
	v7 =	vmul.f32 v11, v6  }
0x26f: {  	v54 =	vld [tilespmem:s24+$0xB20];
	v53 =	vmul.f32 v12, v6;
	[tilespmem:s24+$0x730] =	vst v50  }
0x270: {  	v55 =	vld [tilespmem:s24+$0xB30];
	[tilespmem:s24+$0x740] =	vst v7;
	v7 =	vmul.f32 v13, v6  }
0x271: {  	v57 =	vld [tilespmem:s24+$0xB40];
	v56 =	vmul.f32 v49, v6;
	[tilespmem:s24+$0x750] =	vst v53  }
0x272: {  	v58 =	vld [tilespmem:s24+$0xB50];
	[tilespmem:s24+$0x760] =	vst v7;
	v7 =	vmul.f32 v51, v6  }
0x273: {  	v60 =	vld [tilespmem:s24+$0xB60];
	v59 =	vmul.f32 v52, v6;
	[tilespmem:s24+$0x770] =	vst v56  }
0x274: {  	v61 =	vld [tilespmem:s24+$0xB70];
	[tilespmem:s24+$0xB00] =	vst v7;
	v7 =	vmul.f32 v54, v6  }
0x275: {  	v63 =	vld [tilespmem:s24+$0xF00];
	v62 =	vmul.f32 v55, v6;
	[tilespmem:s24+$0xB10] =	vst v59  }
0x276: {  	v16 =	vld [tilespmem:s24+$0xF10];
	[tilespmem:s24+$0xB20] =	vst v7;
	v7 =	vmul.f32 v57, v6  }
0x277: {  	v18 =	vld [tilespmem:s24+$0xF20];
	v17 =	vmul.f32 v58, v6;
	[tilespmem:s24+$0xB30] =	vst v62  }
0x278: {  	v19 =	vld [tilespmem:s24+$0xF30];
	[tilespmem:s24+$0xB40] =	vst v7;
	v7 =	vmul.f32 v60, v6  }
0x279: {  	v21 =	vld [tilespmem:s24+$0xF40];
	v20 =	vmul.f32 v61, v6;
	[tilespmem:s24+$0xB50] =	vst v17  }
0x27a: {  	v22 =	vld [tilespmem:s24+$0xF50];
	[tilespmem:s24+$0xB60] =	vst v7;
	v7 =	vmul.f32 v63, v6  }
0x27b: {  	v24 =	vld [tilespmem:s24+$0xF60];
	v23 =	vmul.f32 v16, v6;
	[tilespmem:s24+$0xB70] =	vst v20  }
0x27c: {  	v25 =	vld [tilespmem:s24+$0xF70];
	[tilespmem:s24+$0xF00] =	vst v7;
	v7 =	vmul.f32 v18, v6  }
0x27d: {  	v27 =	vld [tilespmem:s24+$0x1300];
	v26 =	vmul.f32 v19, v6;
	[tilespmem:s24+$0xF10] =	vst v23  }
0x27e: {  	v28 =	vld [tilespmem:s24+$0x1310];
	[tilespmem:s24+$0xF20] =	vst v7;
	v7 =	vmul.f32 v21, v6  }
0x27f: {  	v30 =	vld [tilespmem:s24+$0x1320];
	v29 =	vmul.f32 v22, v6;
	[tilespmem:s24+$0xF30] =	vst v26  }
0x280: {  	v31 =	vld [tilespmem:s24+$0x1330];
	[tilespmem:s24+$0xF40] =	vst v7;
	v7 =	vmul.f32 v24, v6  }
0x281: {  	v33 =	vld [tilespmem:s24+$0x1340];
	v32 =	vmul.f32 v25, v6;
	[tilespmem:s24+$0xF50] =	vst v29  }
0x282: {  	v34 =	vld [tilespmem:s24+$0x1350];
	[tilespmem:s24+$0xF60] =	vst v7;
	v7 =	vmul.f32 v27, v6  }
0x283: {  	v36 =	vld [tilespmem:s24+$0x1360];
	v35 =	vmul.f32 v28, v6;
	[tilespmem:s24+$0xF70] =	vst v32  }
0x284: {  	v37 =	vld [tilespmem:s24+$0x1370];
	[tilespmem:s24+$0x1300] =	vst v7;
	v7 =	vmul.f32 v30, v6  }
0x285: {  	v39 =	vld [tilespmem:s24+$0x1700];
	v38 =	vmul.f32 v31, v6;
	[tilespmem:s24+$0x1310] =	vst v35  }
0x286: {  	v40 =	vld [tilespmem:s24+$0x1710];
	[tilespmem:s24+$0x1320] =	vst v7;
	v7 =	vmul.f32 v33, v6  }
0x287: {  	v42 =	vld [tilespmem:s24+$0x1720];
	v41 =	vmul.f32 v34, v6;
	[tilespmem:s24+$0x1330] =	vst v38  }
0x288: {  	v43 =	vld [tilespmem:s24+$0x1730];
	[tilespmem:s24+$0x1340] =	vst v7;
	v7 =	vmul.f32 v36, v6  }
0x289: {  	v45 =	vld [tilespmem:s24+$0x1740];
	v44 =	vmul.f32 v37, v6;
	[tilespmem:s24+$0x1350] =	vst v41  }
0x28a: {  	v46 =	vld [tilespmem:s24+$0x1750];
	[tilespmem:s24+$0x1360] =	vst v7;
	v7 =	vmul.f32 v39, v6  }
0x28b: {  	v48 =	vld [tilespmem:s24+$0x1760];
	v47 =	vmul.f32 v40, v6;
	[tilespmem:s24+$0x1370] =	vst v44  }
0x28c: {  	v49 =	vld [tilespmem:s24+$0x1770];
	[tilespmem:s24+$0x1700] =	vst v7;
	v7 =	vmul.f32 v42, v6  }
0x28d: {  	[tilespmem:s24+$0x1710] =	vst v47;
	v50 =	vmul.f32 v43, v6;
	v51 =	vld [tilespmem:s24+$0x1B00]  }
0x28e: {  	v52 =	vld [tilespmem:s24+$0x1B10];
	[tilespmem:s24+$0x1720] =	vst v7;
	v7 =	vmul.f32 v45, v6  }
0x28f: {  	v53 =	vmul.f32 v46, v6;
	[tilespmem:s24+$0x1730] =	vst v50;
	v54 =	vld [tilespmem:s24+$0x1B20]  }
0x290: {  	v55 =	vld [tilespmem:s24+$0x1B30];
	[tilespmem:s24+$0x1740] =	vst v7;
	v7 =	vmul.f32 v48, v6  }
0x291: {  	[tilespmem:s24+$0x1750] =	vst v53;
	v56 =	vmul.f32 v49, v6;
	v57 =	vld [tilespmem:s24+$0x1B40]  }
0x292: {  	v58 =	vld [tilespmem:s24+$0x1B50];
	[tilespmem:s24+$0x1760] =	vst v7;
	v7 =	vmul.f32 v51, v6  }
0x293: {  	v59 =	vmul.f32 v52, v6;
	[tilespmem:s24+$0x1770] =	vst v56;
	v60 =	vld [tilespmem:s24+$0x1B60]  }
0x294: {  	v61 =	vld [tilespmem:s24+$0x1B70];
	[tilespmem:s24+$0x1B00] =	vst v7;
	v7 =	vmul.f32 v54, v6  }
0x295: {  	v62 =	vmul.f32 v55, v6;
	[tilespmem:s24+$0x1B10] =	vst v59  }
0x296: {  	p0 =	sne.s32 s10, $0x8F;
	[tilespmem:s24+$0x1B20] =	vst v7;
	v7 =	vmul.f32 v57, v6  }
.Ltmp3:
0x297: {  	[tilespmem:s24+$0x1B30] =	vst v62;
	v63 =	vmul.f32 v58, v6;
	(pc) =	sbr.rel @p0 .LBB2_8-.Ltmp3, $4  }
0x298: {  	[tilespmem:s24+$0x1B40] =	vst v7;
	v7 =	vmul.f32 v60, v6  }
0x299: {  	[tilespmem:s24+$0x1B50] =	vst v63;
	v6 =	vmul.f32 v61, v6  }
0x29a: {  	[tilespmem:s24+$0x1B60] =	vst v7  }
0x29b: {  	s9 =	sadd.s32 $0x80, s9;
	s23 =	sadd.s32 $0x1, s23;
	s10 =	sadd.s32 $0x1, s10;
	[tilespmem:s24+$0x1B70] =	vst v6  }
0x29c: {  	s9 =	rddreg [dreg:$0x9]  }
0x29d: {  	[hbm4b:s9+s3] =	stream.linear.scatter [tilespmem:s20], [sflag:$0x2], $0x1B000, $0x38;
	[tilespmem:$0x1B700] =	vst v63  }
0x29e: {  	_ =	swait.ge [sflag:s17], $0x1B000  }
0x29f: {  	s22 =	sadd.s32 $0x1, s22;
	s25 =	rddreg [dreg:$0xa]  }
0x2a0: {  	p0 =	sne.s32 s22, s25  }
.Ltmp4:
0x2a1: {  	_ = 	snop;
	(pc) =	sbr.rel @p0 .LBB2_1-.Ltmp4, $3  }
0x2a2: {  	_ =	sdelay $0x1  }
0x2a3: {  	[sflag:s17] =	ssyncset.done $0x0  }
0x2a4: {  	[sflag:s17] =	ssyncadd.s32 $0xFFFE5000  }
0x2a5: {  	_ =	sfence.sel $0x180000  }
0x2a6: {  	[bflag:$0x0] =	sbarrier.arrive $0xFFFF  }
0x2a7: {  	_ =	strace $0x90000047  }
0x2a8: {  	s0 =	stileid.u32;
	[bflag:$0x2] =	sbarrier.arrive $0xFFFF  }
0x2a9: {  	p0 =	sne.s32 s0, $0x0;
	s0 =	rddreg [dreg:$0x3]  }
0x2aa: {  	s0 =	sadd.s32 @!p0 $0x100000, s0  }
0x2ab: {  	[sflag:s0] =	ssyncadd.tile.s32 @!p0 $0x1;
	_ =	shalt  }
.Lfunc_end2:
_tile_overlayer_lowered:
.L_overlay_start_2:
0x2ac: {  	(tag) =	ssettag $0x2  }
0x2ad: {  	s0 =	rddreg [dreg:$0x0];
	s2 =	stileid.u32  }
0x2ae: {  	s1 =	rddreg [dreg:$0x1];
	p0 =	sne.s32 s2, $0x0  }
0x2af: {  	s3 =	rddreg [dreg:$0x2];
	[bflag:$0x3] =	sbarrier.arrive $0xFFFF;
	s2 =	simm.s32 @!p0 $0x1C02  }
0x2b0: {  	[timem:s3], [sflag:s2] =	dma.local @!p0 [hbm:s0], s1  }
0x2b1: {  	s0 =	simm.s32 @!p0 $0x2  }
0x2b2: {  	_ =	swait.ge @!p0 [sflag:s0], s1  }
0x2b3: {  	s1 =	ssub.s32 @!p0 $0x0, s1;
	[sflag:s0] =	ssyncset.done @!p0 $0x0  }
0x2b4: {  	[sflag:s0] =	ssyncadd.s32 @!p0 s1  }
0x2b5: {  	[bflag:$0x3] =	sbarrier.arrive $0xFFFF  }
0x2b6: {  	_ =	shalt  }

</sc_bundles>
